<compile_context>
chip_gen: v7x
topology: tpu7x:2x2x1
jax: 0.10.2.dev20260603
libtpu: 0.0.44.dev20260713+nightly
codegen_flags: <defaults>
</compile_context>

<pallas_src>
import functools

import jax
import jax.numpy as jnp
from jax import lax
from jax.experimental import pallas as pl
from jax.experimental.pallas import tpu as pltpu
from jax.experimental.pallas import tpu_sc as plsc

_B = 16384
_D = 64
_N = 100000
_NC = 2
_NS = 16
_NW = _NC * _NS
_BPW = _B // _NW
_PAD = 128
_PB = 20480
_PGRID = -(-_N // _PB)


def _item_body(idx_ref, *refs):
    h_ref = refs[-1]
    acc = jnp.zeros((_D, _D), jnp.float32)
    for k in range(_D):
        lane = idx_ref[k] % _PAD
        onehot = (lax.broadcasted_iota(jnp.int32, (_PAD, _D), 0) == lane)
        col = jnp.dot(refs[k][...], onehot.astype(jnp.float32),
                      preferred_element_type=jnp.float32)
        sel = lax.broadcasted_iota(jnp.int32, (_D, _D), 1) == k
        acc = jnp.where(sel, col, acc)
    h_ref[...] = acc


_item_gather = pl.pallas_call(
    _item_body,
    grid_spec=pltpu.PrefetchScalarGridSpec(
        num_scalar_prefetch=1,
        grid=(1,),
        in_specs=[
            pl.BlockSpec((_D, _PAD),
                         functools.partial(
                             lambda k, g, idx: (0, idx[k] // _PAD), k))
            for k in range(_D)
        ],
        out_specs=pl.BlockSpec((_D, _D), lambda g, idx: (0, 0)),
    ),
    out_shape=jax.ShapeDtypeStruct((_D, _D), jnp.float32),
)


def _p_body(eut_ref, h_ref, p_ref):
    p = lax.dot_general(
        eut_ref[...], h_ref[...], (((0,), (1,)), ((), ())),
        preferred_element_type=jnp.float32,
    )
    p_ref[:, :_D] = p


_p_matmul = pl.pallas_call(
    _p_body,
    grid=(_PGRID,),
    in_specs=[
        pl.BlockSpec((_D, _PB), lambda i: (0, i)),
        pl.BlockSpec((_D, _D), lambda i: (0, 0)),
    ],
    out_specs=pl.BlockSpec((_PB, _PAD), lambda i: (i, 0)),
    out_shape=jax.ShapeDtypeStruct((_N, _PAD), jnp.float32),
)


@functools.partial(
    pl.kernel,
    out_type=jax.ShapeDtypeStruct((_B, _PAD), jnp.float32),
    mesh=plsc.VectorSubcoreMesh(core_axis_name="c", subcore_axis_name="s"),
    scratch_types=[
        pltpu.VMEM((_BPW,), jnp.int32),
        pltpu.VMEM((_BPW, _PAD), jnp.float32),
        pltpu.SemaphoreType.DMA,
    ],
)
def _sc_gather(user_idx_hbm, p_hbm, out_hbm, idx_v, rows_v, sem):
    wid = lax.axis_index("s") * _NC + lax.axis_index("c")
    base = wid * _BPW
    pltpu.sync_copy(user_idx_hbm.at[pl.ds(base, _BPW)], idx_v)
    pltpu.async_copy(p_hbm.at[idx_v], rows_v, sem).wait()
    pltpu.sync_copy(rows_v, out_hbm.at[pl.ds(base, _BPW)])


def kernel(user_idx, item_idx, embed_user, embed_item):
    user_idx = user_idx.astype(jnp.int32)
    item_idx = item_idx.astype(jnp.int32)
    eu_t = embed_user.T
    ei_t = embed_item.T
    h = _item_gather(item_idx, *([ei_t] * _D))
    p = _p_matmul(eu_t, h)
    outp = _sc_gather(user_idx, p)
    return outp[:, :_D]

# --- scband reference (transcript-rebuilt; emitter-appended) ---
"""Pipeline reference for scband-matrix-factorization-50800873177194 (READ-ONLY COPY).

The authoritative reference and input builder live on the scoring server;
editing this copy changes nothing except your own understanding.
"""

import jax, jax.numpy as jnp
import numpy as np

NUM_USERS = 100000
NUM_ITEMS = 100000
NUM_FACTORS = 64
BATCH = 16384


def setup_inputs(seed: int = 0) -> dict:
    key = jax.random.key(seed)
    k1, k2, k3, k4 = jax.random.split(key, 4)
    user_idx = jax.random.randint(k1, (BATCH,), 0, NUM_USERS, dtype=jnp.int64 if jax.config.jax_enable_x64 else jnp.int32)
    item_idx = jax.random.randint(k2, (NUM_FACTORS,), 0, NUM_ITEMS, dtype=jnp.int64 if jax.config.jax_enable_x64 else jnp.int32)
    embed_user = jax.random.normal(k3, (NUM_USERS, NUM_FACTORS), dtype=jnp.float32) * 0.01
    embed_item = jax.random.normal(k4, (NUM_ITEMS, NUM_FACTORS), dtype=jnp.float32) * 0.01
    return {"user_idx": user_idx, "item_idx": item_idx, "embed_user": embed_user, "embed_item": embed_item}


def reference(user_idx, item_idx, embed_user, embed_item):
    # nn.Embedding lookup -> gather rows from the tables
    eu = jnp.take(embed_user, user_idx, axis=0)   # [B, F]
    ei = jnp.take(embed_item, item_idx, axis=0)   # [F, F] (item_idx has length num_factors so matmul is valid)
    # torch.matmul(embed_user, embed_item): [B, F] @ [F, F] -> [B, F]
    output = jnp.matmul(eu, ei)
    return output

if __name__ == "__main__":
    import jax
    _d = setup_inputs()
    print(jax.jit(kernel)(*tuple(_d.values())))

</pallas_src>

<mosaic_0001>
#map = affine_map<(d0, d1) -> (0)>
#map1 = affine_map<(d0, d1) -> (0, 0)>
module attributes {stable_mosaic.version = 14 : i64} {
  func.func @_sc_gather(%arg0: i32, %arg1: i32, %arg2: memref<16384xi32, #tpu.memory_space<hbm>>, %arg3: memref<100000x128xf32, #tpu.memory_space<hbm>>, %arg4: memref<16384x128xf32, #tpu.memory_space<hbm>>, %arg5: memref<512xi32, #tpu.memory_space<vmem>>, %arg6: memref<512x128xf32, #tpu.memory_space<vmem>>, %arg7: memref<!tpu.dma_semaphore, #tpu.memory_space<semaphore_mem>>) attributes {dimension_semantics = [#tpu.dimension_semantics<core_parallel>, #tpu.dimension_semantics<subcore_parallel>], iteration_bounds = array<i64: 2, 16>, scalar_prefetch = 0 : i64, scratch_operands = 3 : i64, tpu.core_type = #tpu.core_type<sc_vector_subcore>, window_params = [{transform_indices = #map}, {transform_indices = #map1}, {transform_indices = #map1}]} {
    %mul3A = arith.constant 2 : i32
    %mul3A_0 = arith.muli %arg1, %mul3A : i32
    %add3A = arith.addi %mul3A_0, %arg0 : i32
    %mul3A_1 = arith.constant 512 : i32
    %mul3A_2 = arith.muli %add3A, %mul3A_1 : i32
    "tpu.region"() ({
      %run_scoped3A = tpu.sem_alloc : memref<!tpu.dma_semaphore, #tpu.memory_space<semaphore_mem>>
      %dma_start3A_7 = tpu.memref_slice %arg2[%mul3A_2] : memref<16384xi32, #tpu.memory_space<hbm>> -> memref<512xi32, #tpu.memory_space<hbm>>
      %dma_start3A_8 = tpu.memref_slice %arg2[%mul3A_2] : memref<16384xi32, #tpu.memory_space<hbm>> -> memref<512xi32, #tpu.memory_space<hbm>>
      tpu.enqueue_dma source(%dma_start3A_8 : memref<512xi32, #tpu.memory_space<hbm>>) target(%arg5 : memref<512xi32, #tpu.memory_space<vmem>>) target_semaphore(%run_scoped3A : memref<!tpu.dma_semaphore, #tpu.memory_space<semaphore_mem>>)
      %dma_wait3A_9 = tpu.memref_slice %arg2[%mul3A_2] : memref<16384xi32, #tpu.memory_space<hbm>> -> memref<512xi32, #tpu.memory_space<hbm>>
      %dma_wait3A_10 = tpu.memref_slice %arg2[%mul3A_2] : memref<16384xi32, #tpu.memory_space<hbm>> -> memref<512xi32, #tpu.memory_space<hbm>>
      tpu.wait_dma2 semaphore(%run_scoped3A : memref<!tpu.dma_semaphore, #tpu.memory_space<semaphore_mem>>) src(%dma_wait3A_10 : memref<512xi32, #tpu.memory_space<hbm>>) dst(%arg5 : memref<512xi32, #tpu.memory_space<vmem>>)
      tpu.yield
    }) : () -> ()
    %dma_start3A = arith.constant 0 : i32
    %dma_start3A_3 = arith.constant 0 : i32
    %dma_start3A_4 = tpu.memref_slice %arg3[%dma_start3A, %dma_start3A_3] : memref<100000x128xf32, #tpu.memory_space<hbm>> -> memref<100000x128xf32, #tpu.memory_space<hbm>>
    tpu.enqueue_indirect_dma source(%dma_start3A_4 : memref<100000x128xf32, #tpu.memory_space<hbm>>) target(%arg6 : memref<512x128xf32, #tpu.memory_space<vmem>>) offsets(%arg5 : memref<512xi32, #tpu.memory_space<vmem>>) semaphore(%arg7 : memref<!tpu.dma_semaphore, #tpu.memory_space<semaphore_mem>>)
    %dma_wait3A = arith.constant 0 : i32
    %dma_wait3A_5 = arith.constant 0 : i32
    %dma_wait3A_6 = tpu.memref_slice %arg3[%dma_wait3A, %dma_wait3A_5] : memref<100000x128xf32, #tpu.memory_space<hbm>> -> memref<100000x128xf32, #tpu.memory_space<hbm>>
    tpu.wait_indirect_dma semaphore(%arg7 : memref<!tpu.dma_semaphore, #tpu.memory_space<semaphore_mem>>) src(%dma_wait3A_6 : memref<100000x128xf32, #tpu.memory_space<hbm>>) dst(%arg6 : memref<512x128xf32, #tpu.memory_space<vmem>>)
    "tpu.region"() ({
      %run_scoped3A = tpu.sem_alloc : memref<!tpu.dma_semaphore, #tpu.memory_space<semaphore_mem>>
      %dma_start3A_7 = arith.constant 0 : i32
      %dma_start3A_8 = tpu.memref_slice %arg4[%mul3A_2, %dma_start3A_7] : memref<16384x128xf32, #tpu.memory_space<hbm>> -> memref<512x128xf32, #tpu.memory_space<hbm>>
      %dma_start3A_9 = arith.constant 0 : i32
      %dma_start3A_10 = tpu.memref_slice %arg4[%mul3A_2, %dma_start3A_9] : memref<16384x128xf32, #tpu.memory_space<hbm>> -> memref<512x128xf32, #tpu.memory_space<hbm>>
      tpu.enqueue_dma source(%arg6 : memref<512x128xf32, #tpu.memory_space<vmem>>) target(%dma_start3A_10 : memref<512x128xf32, #tpu.memory_space<hbm>>) target_semaphore(%run_scoped3A : memref<!tpu.dma_semaphore, #tpu.memory_space<semaphore_mem>>)
      %dma_wait3A_11 = arith.constant 0 : i32
      %dma_wait3A_12 = tpu.memref_slice %arg4[%mul3A_2, %dma_wait3A_11] : memref<16384x128xf32, #tpu.memory_space<hbm>> -> memref<512x128xf32, #tpu.memory_space<hbm>>
      %dma_wait3A_13 = arith.constant 0 : i32
      %dma_wait3A_14 = tpu.memref_slice %arg4[%mul3A_2, %dma_wait3A_13] : memref<16384x128xf32, #tpu.memory_space<hbm>> -> memref<512x128xf32, #tpu.memory_space<hbm>>
      tpu.wait_dma2 semaphore(%run_scoped3A : memref<!tpu.dma_semaphore, #tpu.memory_space<semaphore_mem>>) src(%arg6 : memref<512x128xf32, #tpu.memory_space<vmem>>) dst(%dma_wait3A_14 : memref<512x128xf32, #tpu.memory_space<hbm>>)
      tpu.yield
    }) : () -> ()
    return
  }
}

module attributes {stable_mosaic.version = 14 : i64} {
  func.func @_p_body(%arg0: i32, %arg1: memref<64x20480xf32, #tpu.memory_space<vmem>>, %arg2: memref<64x64xf32, #tpu.memory_space<vmem>>, %arg3: memref<20480x128xf32, #tpu.memory_space<vmem>>) attributes {dimension_semantics = [#tpu.dimension_semantics<arbitrary>], iteration_bounds = array<i64: 5>, scalar_prefetch = 0 : i64, scratch_operands = 0 : i64, tpu.core_type = #tpu.core_type<tc>, window_params = [{transform_indices = @transform_0, window_bounds = array<i64: 64, 20480>}, {pipeline_mode = #tpu.pipeline_mode<synchronous>, transform_indices = @transform_1, window_bounds = array<i64: 64, 64>}, {transform_indices = @transform_2, window_bounds = array<i64: 20480, 128>}]} {
    %get3A = arith.constant 0 : index
    %get3A_0 = arith.constant 0 : index
    %get3A_1 = vector.load %arg1[%get3A, %get3A_0] : memref<64x20480xf32, #tpu.memory_space<vmem>>, vector<64x20480xf32>
    %get3A_2 = arith.constant 0 : index
    %get3A_3 = arith.constant 0 : index
    %get3A_4 = vector.load %arg2[%get3A_2, %get3A_3] : memref<64x64xf32, #tpu.memory_space<vmem>>, vector<64x64xf32>
    %dot_general3A = arith.constant dense<0.000000e+00> : vector<20480x64xf32>
    %dot_general3A_5 = tpu.matmul %get3A_1, %get3A_4, %dot_general3A {dimension_numbers = #tpu.dot_dimension_numbers<[0], [1], [1], [0], [0, 1, 1, 0], [], []>, transpose_lhs_hint = false} : vector<64x20480xf32>, vector<64x64xf32>, vector<20480x64xf32> -> vector<20480x64xf32>
    %swap3A = arith.constant 0 : index
    %swap3A_6 = arith.constant 0 : index
    %swap3A_7 = vector.load %arg3[%swap3A, %swap3A_6] : memref<20480x128xf32, #tpu.memory_space<vmem>>, vector<20480x64xf32>
    tpu.vector_store %arg3[%swap3A, %swap3A_6], %dot_general3A_5 {strides = array<i32>} : memref<20480x128xf32, #tpu.memory_space<vmem>>, vector<20480x64xf32>,
    return
  }
  func.func @transform_0(%arg0: i32) -> (i32, i32) {
    %c0_i32 = arith.constant 0 : i32
    %c0_i32_0 = arith.constant 0 : i32
    return %c0_i32, %arg0 : i32, i32
  }
  func.func @transform_1(%arg0: i32) -> (i32, i32) {
    %c0_i32 = arith.constant 0 : i32
    %c0_i32_0 = arith.constant 0 : i32
    %c0_i32_1 = arith.constant 0 : i32
    return %c0_i32, %c0_i32_0 : i32, i32
  }
  func.func @transform_2(%arg0: i32) -> (i32, i32) {
    %c0_i32 = arith.constant 0 : i32
    %c0_i32_0 = arith.constant 0 : i32
    return %arg0, %c0_i32 : i32, i32
  }
}

module attributes {stable_mosaic.version = 14 : i64} {
  func.func @_item_body(%arg0: i32, %arg1: memref<64xi32, #tpu.memory_space<smem>>, %arg2: memref<64x128xf32, #tpu.memory_space<vmem>>, %arg3: memref<64x128xf32, #tpu.memory_space<vmem>>, %arg4: memref<64x128xf32, #tpu.memory_space<vmem>>, %arg5: memref<64x128xf32, #tpu.memory_space<vmem>>, %arg6: memref<64x128xf32, #tpu.memory_space<vmem>>, %arg7: memref<64x128xf32, #tpu.memory_space<vmem>>, %arg8: memref<64x128xf32, #tpu.memory_space<vmem>>, %arg9: memref<64x128xf32, #tpu.memory_space<vmem>>, %arg10: memref<64x128xf32, #tpu.memory_space<vmem>>, %arg11: memref<64x128xf32, #tpu.memory_space<vmem>>, %arg12: memref<64x128xf32, #tpu.memory_space<vmem>>, %arg13: memref<64x128xf32, #tpu.memory_space<vmem>>, %arg14: memref<64x128xf32, #tpu.memory_space<vmem>>, %arg15: memref<64x128xf32, #tpu.memory_space<vmem>>, %arg16: memref<64x128xf32, #tpu.memory_space<vmem>>, %arg17: memref<64x128xf32, #tpu.memory_space<vmem>>, %arg18: memref<64x128xf32, #tpu.memory_space<vmem>>, %arg19: memref<64x128xf32, #tpu.memory_space<vmem>>, %arg20: memref<64x128xf32, #tpu.memory_space<vmem>>, %arg21: memref<64x128xf32, #tpu.memory_space<vmem>>, %arg22: memref<64x128xf32, #tpu.memory_space<vmem>>, %arg23: memref<64x128xf32, #tpu.memory_space<vmem>>, %arg24: memref<64x128xf32, #tpu.memory_space<vmem>>, %arg25: memref<64x128xf32, #tpu.memory_space<vmem>>, %arg26: memref<64x128xf32, #tpu.memory_space<vmem>>, %arg27: memref<64x128xf32, #tpu.memory_space<vmem>>, %arg28: memref<64x128xf32, #tpu.memory_space<vmem>>, %arg29: memref<64x128xf32, #tpu.memory_space<vmem>>, %arg30: memref<64x128xf32, #tpu.memory_space<vmem>>, %arg31: memref<64x128xf32, #tpu.memory_space<vmem>>, %arg32: memref<64x128xf32, #tpu.memory_space<vmem>>, %arg33: memref<64x128xf32, #tpu.memory_space<vmem>>, %arg34: memref<64x128xf32, #tpu.memory_space<vmem>>, %arg35: memref<64x128xf32, #tpu.memory_space<vmem>>, %arg36: memref<64x128xf32, #tpu.memory_space<vmem>>, %arg37: memref<64x128xf32, #tpu.memory_space<vmem>>, %arg38: memref<64x128xf32, #tpu.memory_space<vmem>>, %arg39: memref<64x128xf32, #tpu.memory_space<vmem>>, %arg40: memref<64x128xf32, #tpu.memory_space<vmem>>, %arg41: memref<64x128xf32, #tpu.memory_space<vmem>>, %arg42: memref<64x128xf32, #tpu.memory_space<vmem>>, %arg43: memref<64x128xf32, #tpu.memory_space<vmem>>, %arg44: memref<64x128xf32, #tpu.memory_space<vmem>>, %arg45: memref<64x128xf32, #tpu.memory_space<vmem>>, %arg46: memref<64x128xf32, #tpu.memory_space<vmem>>, %arg47: memref<64x128xf32, #tpu.memory_space<vmem>>, %arg48: memref<64x128xf32, #tpu.memory_space<vmem>>, %arg49: memref<64x128xf32, #tpu.memory_space<vmem>>, %arg50: memref<64x128xf32, #tpu.memory_space<vmem>>, %arg51: memref<64x128xf32, #tpu.memory_space<vmem>>, %arg52: memref<64x128xf32, #tpu.memory_space<vmem>>, %arg53: memref<64x128xf32, #tpu.memory_space<vmem>>, %arg54: memref<64x128xf32, #tpu.memory_space<vmem>>, %arg55: memref<64x128xf32, #tpu.memory_space<vmem>>, %arg56: memref<64x128xf32, #tpu.memory_space<vmem>>, %arg57: memref<64x128xf32, #tpu.memory_space<vmem>>, %arg58: memref<64x128xf32, #tpu.memory_space<vmem>>, %arg59: memref<64x128xf32, #tpu.memory_space<vmem>>, %arg60: memref<64x128xf32, #tpu.memory_space<vmem>>, %arg61: memref<64x128xf32, #tpu.memory_space<vmem>>, %arg62: memref<64x128xf32, #tpu.memory_space<vmem>>, %arg63: memref<64x128xf32, #tpu.memory_space<vmem>>, %arg64: memref<64x128xf32, #tpu.memory_space<vmem>>, %arg65: memref<64x128xf32, #tpu.memory_space<vmem>>, %arg66: memref<64x64xf32, #tpu.memory_space<vmem>>) attributes {dimension_semantics = [#tpu.dimension_semantics<arbitrary>], iteration_bounds = array<i64: 1>, scalar_prefetch = 1 : i64, scratch_operands = 0 : i64, tpu.core_type = #tpu.core_type<tc>, window_params = [{transform_indices = @transform_0, window_bounds = array<i64: 64, 128>}, {transform_indices = @transform_1, window_bounds = array<i64: 64, 128>}, {transform_indices = @transform_2, window_bounds = array<i64: 64, 128>}, {transform_indices = @transform_3, window_bounds = array<i64: 64, 128>}, {transform_indices = @transform_4, window_bounds = array<i64: 64, 128>}, {transform_indices = @transform_5, window_bounds = array<i64: 64, 128>}, {transform_indices = @transform_6, window_bounds = array<i64: 64, 128>}, {transform_indices = @transform_7, window_bounds = array<i64: 64, 128>}, {transform_indices = @transform_8, window_bounds = array<i64: 64, 128>}, {transform_indices = @transform_9, window_bounds = array<i64: 64, 128>}, {transform_indices = @transform_10, window_bounds = array<i64: 64, 128>}, {transform_indices = @transform_11, window_bounds = array<i64: 64, 128>}, {transform_indices = @transform_12, window_bounds = array<i64: 64, 128>}, {transform_indices = @transform_13, window_bounds = array<i64: 64, 128>}, {transform_indices = @transform_14, window_bounds = array<i64: 64, 128>}, {transform_indices = @transform_15, window_bounds = array<i64: 64, 128>}, {transform_indices = @transform_16, window_bounds = array<i64: 64, 128>}, {transform_indices = @transform_17, window_bounds = array<i64: 64, 128>}, {transform_indices = @transform_18, window_bounds = array<i64: 64, 128>}, {transform_indices = @transform_19, window_bounds = array<i64: 64, 128>}, {transform_indices = @transform_20, window_bounds = array<i64: 64, 128>}, {transform_indices = @transform_21, window_bounds = array<i64: 64, 128>}, {transform_indices = @transform_22, window_bounds = array<i64: 64, 128>}, {transform_indices = @transform_23, window_bounds = array<i64: 64, 128>}, {transform_indices = @transform_24, window_bounds = array<i64: 64, 128>}, {transform_indices = @transform_25, window_bounds = array<i64: 64, 128>}, {transform_indices = @transform_26, window_bounds = array<i64: 64, 128>}, {transform_indices = @transform_27, window_bounds = array<i64: 64, 128>}, {transform_indices = @transform_28, window_bounds = array<i64: 64, 128>}, {transform_indices = @transform_29, window_bounds = array<i64: 64, 128>}, {transform_indices = @transform_30, window_bounds = array<i64: 64, 128>}, {transform_indices = @transform_31, window_bounds = array<i64: 64, 128>}, {transform_indices = @transform_32, window_bounds = array<i64: 64, 128>}, {transform_indices = @transform_33, window_bounds = array<i64: 64, 128>}, {transform_indices = @transform_34, window_bounds = array<i64: 64, 128>}, {transform_indices = @transform_35, window_bounds = array<i64: 64, 128>}, {transform_indices = @transform_36, window_bounds = array<i64: 64, 128>}, {transform_indices = @transform_37, window_bounds = array<i64: 64, 128>}, {transform_indices = @transform_38, window_bounds = array<i64: 64, 128>}, {transform_indices = @transform_39, window_bounds = array<i64: 64, 128>}, {transform_indices = @transform_40, window_bounds = array<i64: 64, 128>}, {transform_indices = @transform_41, window_bounds = array<i64: 64, 128>}, {transform_indices = @transform_42, window_bounds = array<i64: 64, 128>}, {transform_indices = @transform_43, window_bounds = array<i64: 64, 128>}, {transform_indices = @transform_44, window_bounds = array<i64: 64, 128>}, {transform_indices = @transform_45, window_bounds = array<i64: 64, 128>}, {transform_indices = @transform_46, window_bounds = array<i64: 64, 128>}, {transform_indices = @transform_47, window_bounds = array<i64: 64, 128>}, {transform_indices = @transform_48, window_bounds = array<i64: 64, 128>}, {transform_indices = @transform_49, window_bounds = array<i64: 64, 128>}, {transform_indices = @transform_50, window_bounds = array<i64: 64, 128>}, {transform_indices = @transform_51, window_bounds = array<i64: 64, 128>}, {transform_indices = @transform_52, window_bounds = array<i64: 64, 128>}, {transform_indices = @transform_53, window_bounds = array<i64: 64, 128>}, {transform_indices = @transform_54, window_bounds = array<i64: 64, 128>}, {transform_indices = @transform_55, window_bounds = array<i64: 64, 128>}, {transform_indices = @transform_56, window_bounds = array<i64: 64, 128>}, {transform_indices = @transform_57, window_bounds = array<i64: 64, 128>}, {transform_indices = @transform_58, window_bounds = array<i64: 64, 128>}, {transform_indices = @transform_59, window_bounds = array<i64: 64, 128>}, {transform_indices = @transform_60, window_bounds = array<i64: 64, 128>}, {transform_indices = @transform_61, window_bounds = array<i64: 64, 128>}, {transform_indices = @transform_62, window_bounds = array<i64: 64, 128>}, {transform_indices = @transform_63, window_bounds = array<i64: 64, 128>}, {pipeline_mode = #tpu.pipeline_mode<synchronous>, transform_indices = @transform_64, window_bounds = array<i64: 64, 64>}]} {
    %broadcast_in_dim3A = arith.constant 0.000000e+00 : f32
    %broadcast_in_dim3A_0 = vector.broadcast %broadcast_in_dim3A : f32 to vector<64x64xf32>
    %get3A = arith.constant 0 : index
    %get3A_1 = memref.load %arg1[%get3A] : memref<64xi32, #tpu.memory_space<smem>>
    %jit3A = arith.constant 128 : i32
    %eq3A = arith.constant 0 : i32
    %eq3A_2 = arith.cmpi eq, %jit3A, %eq3A : i32
    %jit3A_3 = arith.constant 1 : i32
    %select_n3A = arith.select %eq3A_2, %jit3A_3, %jit3A : i32
    %rem3A = arith.remsi %get3A_1, %select_n3A : i32
    %ne3A = arith.constant 0 : i32
    %ne3A_4 = arith.cmpi ne, %rem3A, %ne3A : i32
    %lt3A = arith.constant 0 : i32
    %lt3A_5 = arith.cmpi slt, %rem3A, %lt3A : i32
    %lt3A_6 = arith.constant 0 : i32
    %lt3A_7 = arith.cmpi slt, %select_n3A, %lt3A_6 : i32
    %ne3A_8 = arith.xori %lt3A_5, %lt3A_7 : i1
    %and3A = arith.andi %ne3A_8, %ne3A_4 : i1
    %add3A = arith.addi %rem3A, %select_n3A : i32
    %select_n3A_9 = arith.select %and3A, %add3A, %rem3A : i32
    %iota3A = tpu.iota {dimensions = array<i32: 0>} : vector<128x64xi32>
    %eq3A_10 = vector.broadcast %select_n3A_9 : i32 to vector<128x64xi32>
    %eq3A_11 = arith.cmpi eq, %iota3A, %eq3A_10 : vector<128x64xi32>
    %get3A_12 = arith.constant 0 : index
    %get3A_13 = arith.constant 0 : index
    %get3A_14 = vector.load %arg2[%get3A_12, %get3A_13] : memref<64x128xf32, #tpu.memory_space<vmem>>, vector<64x128xf32>
    %convert_element_type3A = arith.extui %eq3A_11 : vector<128x64xi1> to vector<128x64xi32>
    %convert_element_type3A_15 = arith.sitofp %convert_element_type3A : vector<128x64xi32> to vector<128x64xf32>
    %dot_general3A = arith.constant dense<0.000000e+00> : vector<64x64xf32>
    %dot_general3A_16 = tpu.matmul %get3A_14, %convert_element_type3A_15, %dot_general3A {dimension_numbers = #tpu.dot_dimension_numbers<[1], [0], [0], [1], [0, 0, 1, 1], [], []>, transpose_lhs_hint = false} : vector<64x128xf32>, vector<128x64xf32>, vector<64x64xf32> -> vector<64x64xf32>
    %iota3A_17 = tpu.iota {dimensions = array<i32: 1>} : vector<64x64xi32>
    %eq3A_18 = arith.constant 0 : i32
    %eq3A_19 = vector.broadcast %eq3A_18 : i32 to vector<64x64xi32>
    %eq3A_20 = arith.cmpi eq, %iota3A_17, %eq3A_19 : vector<64x64xi32>
    %select_n3A_21 = arith.select %eq3A_20, %dot_general3A_16, %broadcast_in_dim3A_0 : vector<64x64xi1>, vector<64x64xf32>
    %get3A_22 = arith.constant 1 : index
    %get3A_23 = memref.load %arg1[%get3A_22] : memref<64xi32, #tpu.memory_space<smem>>
    %jit3A_24 = arith.constant 128 : i32
    %eq3A_25 = arith.constant 0 : i32
    %eq3A_26 = arith.cmpi eq, %jit3A_24, %eq3A_25 : i32
    %jit3A_27 = arith.constant 1 : i32
    %select_n3A_28 = arith.select %eq3A_26, %jit3A_27, %jit3A_24 : i32
    %rem3A_29 = arith.remsi %get3A_23, %select_n3A_28 : i32
    %ne3A_30 = arith.constant 0 : i32
    %ne3A_31 = arith.cmpi ne, %rem3A_29, %ne3A_30 : i32
    %lt3A_32 = arith.constant 0 : i32
    %lt3A_33 = arith.cmpi slt, %rem3A_29, %lt3A_32 : i32
    %lt3A_34 = arith.constant 0 : i32
    %lt3A_35 = arith.cmpi slt, %select_n3A_28, %lt3A_34 : i32
    %ne3A_36 = arith.xori %lt3A_33, %lt3A_35 : i1
    %and3A_37 = arith.andi %ne3A_36, %ne3A_31 : i1
    %add3A_38 = arith.addi %rem3A_29, %select_n3A_28 : i32
    %select_n3A_39 = arith.select %and3A_37, %add3A_38, %rem3A_29 : i32
    %iota3A_40 = tpu.iota {dimensions = array<i32: 0>} : vector<128x64xi32>
    %eq3A_41 = vector.broadcast %select_n3A_39 : i32 to vector<128x64xi32>
    %eq3A_42 = arith.cmpi eq, %iota3A_40, %eq3A_41 : vector<128x64xi32>
    %get3A_43 = arith.constant 0 : index
    %get3A_44 = arith.constant 0 : index
    %get3A_45 = vector.load %arg3[%get3A_43, %get3A_44] : memref<64x128xf32, #tpu.memory_space<vmem>>, vector<64x128xf32>
    %convert_element_type3A_46 = arith.extui %eq3A_42 : vector<128x64xi1> to vector<128x64xi32>
    %convert_element_type3A_47 = arith.sitofp %convert_element_type3A_46 : vector<128x64xi32> to vector<128x64xf32>
    %dot_general3A_48 = arith.constant dense<0.000000e+00> : vector<64x64xf32>
    %dot_general3A_49 = tpu.matmul %get3A_45, %convert_element_type3A_47, %dot_general3A_48 {dimension_numbers = #tpu.dot_dimension_numbers<[1], [0], [0], [1], [0, 0, 1, 1], [], []>, transpose_lhs_hint = false} : vector<64x128xf32>, vector<128x64xf32>, vector<64x64xf32> -> vector<64x64xf32>
    %iota3A_50 = tpu.iota {dimensions = array<i32: 1>} : vector<64x64xi32>
    %eq3A_51 = arith.constant 1 : i32
    %eq3A_52 = vector.broadcast %eq3A_51 : i32 to vector<64x64xi32>
    %eq3A_53 = arith.cmpi eq, %iota3A_50, %eq3A_52 : vector<64x64xi32>
    %select_n3A_54 = arith.select %eq3A_53, %dot_general3A_49, %select_n3A_21 : vector<64x64xi1>, vector<64x64xf32>
    %get3A_55 = arith.constant 2 : index
    %get3A_56 = memref.load %arg1[%get3A_55] : memref<64xi32, #tpu.memory_space<smem>>
    %jit3A_57 = arith.constant 128 : i32
    %eq3A_58 = arith.constant 0 : i32
    %eq3A_59 = arith.cmpi eq, %jit3A_57, %eq3A_58 : i32
    %jit3A_60 = arith.constant 1 : i32
    %select_n3A_61 = arith.select %eq3A_59, %jit3A_60, %jit3A_57 : i32
    %rem3A_62 = arith.remsi %get3A_56, %select_n3A_61 : i32
    %ne3A_63 = arith.constant 0 : i32
    %ne3A_64 = arith.cmpi ne, %rem3A_62, %ne3A_63 : i32
    %lt3A_65 = arith.constant 0 : i32
    %lt3A_66 = arith.cmpi slt, %rem3A_62, %lt3A_65 : i32
    %lt3A_67 = arith.constant 0 : i32
    %lt3A_68 = arith.cmpi slt, %select_n3A_61, %lt3A_67 : i32
    %ne3A_69 = arith.xori %lt3A_66, %lt3A_68 : i1
    %and3A_70 = arith.andi %ne3A_69, %ne3A_64 : i1
    %add3A_71 = arith.addi %rem3A_62, %select_n3A_61 : i32
    %select_n3A_72 = arith.select %and3A_70, %add3A_71, %rem3A_62 : i32
    %iota3A_73 = tpu.iota {dimensions = array<i32: 0>} : vector<128x64xi32>
    %eq3A_74 = vector.broadcast %select_n3A_72 : i32 to vector<128x64xi32>
    %eq3A_75 = arith.cmpi eq, %iota3A_73, %eq3A_74 : vector<128x64xi32>
    %get3A_76 = arith.constant 0 : index
    %get3A_77 = arith.constant 0 : index
    %get3A_78 = vector.load %arg4[%get3A_76, %get3A_77] : memref<64x128xf32, #tpu.memory_space<vmem>>, vector<64x128xf32>
    %convert_element_type3A_79 = arith.extui %eq3A_75 : vector<128x64xi1> to vector<128x64xi32>
    %convert_element_type3A_80 = arith.sitofp %convert_element_type3A_79 : vector<128x64xi32> to vector<128x64xf32>
    %dot_general3A_81 = arith.constant dense<0.000000e+00> : vector<64x64xf32>
    %dot_general3A_82 = tpu.matmul %get3A_78, %convert_element_type3A_80, %dot_general3A_81 {dimension_numbers = #tpu.dot_dimension_numbers<[1], [0], [0], [1], [0, 0, 1, 1], [], []>, transpose_lhs_hint = false} : vector<64x128xf32>, vector<128x64xf32>, vector<64x64xf32> -> vector<64x64xf32>
    %iota3A_83 = tpu.iota {dimensions = array<i32: 1>} : vector<64x64xi32>
    %eq3A_84 = arith.constant 2 : i32
    %eq3A_85 = vector.broadcast %eq3A_84 : i32 to vector<64x64xi32>
    %eq3A_86 = arith.cmpi eq, %iota3A_83, %eq3A_85 : vector<64x64xi32>
    %select_n3A_87 = arith.select %eq3A_86, %dot_general3A_82, %select_n3A_54 : vector<64x64xi1>, vector<64x64xf32>
    %get3A_88 = arith.constant 3 : index
    %get3A_89 = memref.load %arg1[%get3A_88] : memref<64xi32, #tpu.memory_space<smem>>
    %jit3A_90 = arith.constant 128 : i32
    %eq3A_91 = arith.constant 0 : i32
    %eq3A_92 = arith.cmpi eq, %jit3A_90, %eq3A_91 : i32
    %jit3A_93 = arith.constant 1 : i32
    %select_n3A_94 = arith.select %eq3A_92, %jit3A_93, %jit3A_90 : i32
    %rem3A_95 = arith.remsi %get3A_89, %select_n3A_94 : i32
    %ne3A_96 = arith.constant 0 : i32
    %ne3A_97 = arith.cmpi ne, %rem3A_95, %ne3A_96 : i32
    %lt3A_98 = arith.constant 0 : i32
    %lt3A_99 = arith.cmpi slt, %rem3A_95, %lt3A_98 : i32
    %lt3A_100 = arith.constant 0 : i32
    %lt3A_101 = arith.cmpi slt, %select_n3A_94, %lt3A_100 : i32
    %ne3A_102 = arith.xori %lt3A_99, %lt3A_101 : i1
    %and3A_103 = arith.andi %ne3A_102, %ne3A_97 : i1
    %add3A_104 = arith.addi %rem3A_95, %select_n3A_94 : i32
    %select_n3A_105 = arith.select %and3A_103, %add3A_104, %rem3A_95 : i32
    %iota3A_106 = tpu.iota {dimensions = array<i32: 0>} : vector<128x64xi32>
    %eq3A_107 = vector.broadcast %select_n3A_105 : i32 to vector<128x64xi32>
    %eq3A_108 = arith.cmpi eq, %iota3A_106, %eq3A_107 : vector<128x64xi32>
    %get3A_109 = arith.constant 0 : index
    %get3A_110 = arith.constant 0 : index
    %get3A_111 = vector.load %arg5[%get3A_109, %get3A_110] : memref<64x128xf32, #tpu.memory_space<vmem>>, vector<64x128xf32>
    %convert_element_type3A_112 = arith.extui %eq3A_108 : vector<128x64xi1> to vector<128x64xi32>
    %convert_element_type3A_113 = arith.sitofp %convert_element_type3A_112 : vector<128x64xi32> to vector<128x64xf32>
    %dot_general3A_114 = arith.constant dense<0.000000e+00> : vector<64x64xf32>
    %dot_general3A_115 = tpu.matmul %get3A_111, %convert_element_type3A_113, %dot_general3A_114 {dimension_numbers = #tpu.dot_dimension_numbers<[1], [0], [0], [1], [0, 0, 1, 1], [], []>, transpose_lhs_hint = false} : vector<64x128xf32>, vector<128x64xf32>, vector<64x64xf32> -> vector<64x64xf32>
    %iota3A_116 = tpu.iota {dimensions = array<i32: 1>} : vector<64x64xi32>
    %eq3A_117 = arith.constant 3 : i32
    %eq3A_118 = vector.broadcast %eq3A_117 : i32 to vector<64x64xi32>
    %eq3A_119 = arith.cmpi eq, %iota3A_116, %eq3A_118 : vector<64x64xi32>
    %select_n3A_120 = arith.select %eq3A_119, %dot_general3A_115, %select_n3A_87 : vector<64x64xi1>, vector<64x64xf32>
    %get3A_121 = arith.constant 4 : index
    %get3A_122 = memref.load %arg1[%get3A_121] : memref<64xi32, #tpu.memory_space<smem>>
    %jit3A_123 = arith.constant 128 : i32
    %eq3A_124 = arith.constant 0 : i32
    %eq3A_125 = arith.cmpi eq, %jit3A_123, %eq3A_124 : i32
    %jit3A_126 = arith.constant 1 : i32
    %select_n3A_127 = arith.select %eq3A_125, %jit3A_126, %jit3A_123 : i32
    %rem3A_128 = arith.remsi %get3A_122, %select_n3A_127 : i32
    %ne3A_129 = arith.constant 0 : i32
    %ne3A_130 = arith.cmpi ne, %rem3A_128, %ne3A_129 : i32
    %lt3A_131 = arith.constant 0 : i32
    %lt3A_132 = arith.cmpi slt, %rem3A_128, %lt3A_131 : i32
    %lt3A_133 = arith.constant 0 : i32
    %lt3A_134 = arith.cmpi slt, %select_n3A_127, %lt3A_133 : i32
    %ne3A_135 = arith.xori %lt3A_132, %lt3A_134 : i1
    %and3A_136 = arith.andi %ne3A_135, %ne3A_130 : i1
    %add3A_137 = arith.addi %rem3A_128, %select_n3A_127 : i32
    %select_n3A_138 = arith.select %and3A_136, %add3A_137, %rem3A_128 : i32
    %iota3A_139 = tpu.iota {dimensions = array<i32: 0>} : vector<128x64xi32>
    %eq3A_140 = vector.broadcast %select_n3A_138 : i32 to vector<128x64xi32>
    %eq3A_141 = arith.cmpi eq, %iota3A_139, %eq3A_140 : vector<128x64xi32>
    %get3A_142 = arith.constant 0 : index
    %get3A_143 = arith.constant 0 : index
    %get3A_144 = vector.load %arg6[%get3A_142, %get3A_143] : memref<64x128xf32, #tpu.memory_space<vmem>>, vector<64x128xf32>
    %convert_element_type3A_145 = arith.extui %eq3A_141 : vector<128x64xi1> to vector<128x64xi32>
    %convert_element_type3A_146 = arith.sitofp %convert_element_type3A_145 : vector<128x64xi32> to vector<128x64xf32>
    %dot_general3A_147 = arith.constant dense<0.000000e+00> : vector<64x64xf32>
    %dot_general3A_148 = tpu.matmul %get3A_144, %convert_element_type3A_146, %dot_general3A_147 {dimension_numbers = #tpu.dot_dimension_numbers<[1], [0], [0], [1], [0, 0, 1, 1], [], []>, transpose_lhs_hint = false} : vector<64x128xf32>, vector<128x64xf32>, vector<64x64xf32> -> vector<64x64xf32>
    %iota3A_149 = tpu.iota {dimensions = array<i32: 1>} : vector<64x64xi32>
    %eq3A_150 = arith.constant 4 : i32
    %eq3A_151 = vector.broadcast %eq3A_150 : i32 to vector<64x64xi32>
    %eq3A_152 = arith.cmpi eq, %iota3A_149, %eq3A_151 : vector<64x64xi32>
    %select_n3A_153 = arith.select %eq3A_152, %dot_general3A_148, %select_n3A_120 : vector<64x64xi1>, vector<64x64xf32>
    %get3A_154 = arith.constant 5 : index
    %get3A_155 = memref.load %arg1[%get3A_154] : memref<64xi32, #tpu.memory_space<smem>>
    %jit3A_156 = arith.constant 128 : i32
    %eq3A_157 = arith.constant 0 : i32
    %eq3A_158 = arith.cmpi eq, %jit3A_156, %eq3A_157 : i32
    %jit3A_159 = arith.constant 1 : i32
    %select_n3A_160 = arith.select %eq3A_158, %jit3A_159, %jit3A_156 : i32
    %rem3A_161 = arith.remsi %get3A_155, %select_n3A_160 : i32
    %ne3A_162 = arith.constant 0 : i32
    %ne3A_163 = arith.cmpi ne, %rem3A_161, %ne3A_162 : i32
    %lt3A_164 = arith.constant 0 : i32
    %lt3A_165 = arith.cmpi slt, %rem3A_161, %lt3A_164 : i32
    %lt3A_166 = arith.constant 0 : i32
    %lt3A_167 = arith.cmpi slt, %select_n3A_160, %lt3A_166 : i32
    %ne3A_168 = arith.xori %lt3A_165, %lt3A_167 : i1
    %and3A_169 = arith.andi %ne3A_168, %ne3A_163 : i1
    %add3A_170 = arith.addi %rem3A_161, %select_n3A_160 : i32
    %select_n3A_171 = arith.select %and3A_169, %add3A_170, %rem3A_161 : i32
    %iota3A_172 = tpu.iota {dimensions = array<i32: 0>} : vector<128x64xi32>
    %eq3A_173 = vector.broadcast %select_n3A_171 : i32 to vector<128x64xi32>
    %eq3A_174 = arith.cmpi eq, %iota3A_172, %eq3A_173 : vector<128x64xi32>
    %get3A_175 = arith.constant 0 : index
    %get3A_176 = arith.constant 0 : index
    %get3A_177 = vector.load %arg7[%get3A_175, %get3A_176] : memref<64x128xf32, #tpu.memory_space<vmem>>, vector<64x128xf32>
    %convert_element_type3A_178 = arith.extui %eq3A_174 : vector<128x64xi1> to vector<128x64xi32>
    %convert_element_type3A_179 = arith.sitofp %convert_element_type3A_178 : vector<128x64xi32> to vector<128x64xf32>
    %dot_general3A_180 = arith.constant dense<0.000000e+00> : vector<64x64xf32>
    %dot_general3A_181 = tpu.matmul %get3A_177, %convert_element_type3A_179, %dot_general3A_180 {dimension_numbers = #tpu.dot_dimension_numbers<[1], [0], [0], [1], [0, 0, 1, 1], [], []>, transpose_lhs_hint = false} : vector<64x128xf32>, vector<128x64xf32>, vector<64x64xf32> -> vector<64x64xf32>
    %iota3A_182 = tpu.iota {dimensions = array<i32: 1>} : vector<64x64xi32>
    %eq3A_183 = arith.constant 5 : i32
    %eq3A_184 = vector.broadcast %eq3A_183 : i32 to vector<64x64xi32>
    %eq3A_185 = arith.cmpi eq, %iota3A_182, %eq3A_184 : vector<64x64xi32>
    %select_n3A_186 = arith.select %eq3A_185, %dot_general3A_181, %select_n3A_153 : vector<64x64xi1>, vector<64x64xf32>
    %get3A_187 = arith.constant 6 : index
    %get3A_188 = memref.load %arg1[%get3A_187] : memref<64xi32, #tpu.memory_space<smem>>
    %jit3A_189 = arith.constant 128 : i32
    %eq3A_190 = arith.constant 0 : i32
    %eq3A_191 = arith.cmpi eq, %jit3A_189, %eq3A_190 : i32
    %jit3A_192 = arith.constant 1 : i32
    %select_n3A_193 = arith.select %eq3A_191, %jit3A_192, %jit3A_189 : i32
    %rem3A_194 = arith.remsi %get3A_188, %select_n3A_193 : i32
    %ne3A_195 = arith.constant 0 : i32
    %ne3A_196 = arith.cmpi ne, %rem3A_194, %ne3A_195 : i32
    %lt3A_197 = arith.constant 0 : i32
    %lt3A_198 = arith.cmpi slt, %rem3A_194, %lt3A_197 : i32
    %lt3A_199 = arith.constant 0 : i32
    %lt3A_200 = arith.cmpi slt, %select_n3A_193, %lt3A_199 : i32
    %ne3A_201 = arith.xori %lt3A_198, %lt3A_200 : i1
    %and3A_202 = arith.andi %ne3A_201, %ne3A_196 : i1
    %add3A_203 = arith.addi %rem3A_194, %select_n3A_193 : i32
    %select_n3A_204 = arith.select %and3A_202, %add3A_203, %rem3A_194 : i32
    %iota3A_205 = tpu.iota {dimensions = array<i32: 0>} : vector<128x64xi32>
    %eq3A_206 = vector.broadcast %select_n3A_204 : i32 to vector<128x64xi32>
    %eq3A_207 = arith.cmpi eq, %iota3A_205, %eq3A_206 : vector<128x64xi32>
    %get3A_208 = arith.constant 0 : index
    %get3A_209 = arith.constant 0 : index
    %get3A_210 = vector.load %arg8[%get3A_208, %get3A_209] : memref<64x128xf32, #tpu.memory_space<vmem>>, vector<64x128xf32>
    %convert_element_type3A_211 = arith.extui %eq3A_207 : vector<128x64xi1> to vector<128x64xi32>
    %convert_element_type3A_212 = arith.sitofp %convert_element_type3A_211 : vector<128x64xi32> to vector<128x64xf32>
    %dot_general3A_213 = arith.constant dense<0.000000e+00> : vector<64x64xf32>
    %dot_general3A_214 = tpu.matmul %get3A_210, %convert_element_type3A_212, %dot_general3A_213 {dimension_numbers = #tpu.dot_dimension_numbers<[1], [0], [0], [1], [0, 0, 1, 1], [], []>, transpose_lhs_hint = false} : vector<64x128xf32>, vector<128x64xf32>, vector<64x64xf32> -> vector<64x64xf32>
    %iota3A_215 = tpu.iota {dimensions = array<i32: 1>} : vector<64x64xi32>
    %eq3A_216 = arith.constant 6 : i32
    %eq3A_217 = vector.broadcast %eq3A_216 : i32 to vector<64x64xi32>
    %eq3A_218 = arith.cmpi eq, %iota3A_215, %eq3A_217 : vector<64x64xi32>
    %select_n3A_219 = arith.select %eq3A_218, %dot_general3A_214, %select_n3A_186 : vector<64x64xi1>, vector<64x64xf32>
    %get3A_220 = arith.constant 7 : index
    %get3A_221 = memref.load %arg1[%get3A_220] : memref<64xi32, #tpu.memory_space<smem>>
    %jit3A_222 = arith.constant 128 : i32
    %eq3A_223 = arith.constant 0 : i32
    %eq3A_224 = arith.cmpi eq, %jit3A_222, %eq3A_223 : i32
    %jit3A_225 = arith.constant 1 : i32
    %select_n3A_226 = arith.select %eq3A_224, %jit3A_225, %jit3A_222 : i32
    %rem3A_227 = arith.remsi %get3A_221, %select_n3A_226 : i32
    %ne3A_228 = arith.constant 0 : i32
    %ne3A_229 = arith.cmpi ne, %rem3A_227, %ne3A_228 : i32
    %lt3A_230 = arith.constant 0 : i32
    %lt3A_231 = arith.cmpi slt, %rem3A_227, %lt3A_230 : i32
    %lt3A_232 = arith.constant 0 : i32
    %lt3A_233 = arith.cmpi slt, %select_n3A_226, %lt3A_232 : i32
    %ne3A_234 = arith.xori %lt3A_231, %lt3A_233 : i1
    %and3A_235 = arith.andi %ne3A_234, %ne3A_229 : i1
    %add3A_236 = arith.addi %rem3A_227, %select_n3A_226 : i32
    %select_n3A_237 = arith.select %and3A_235, %add3A_236, %rem3A_227 : i32
    %iota3A_238 = tpu.iota {dimensions = array<i32: 0>} : vector<128x64xi32>
    %eq3A_239 = vector.broadcast %select_n3A_237 : i32 to vector<128x64xi32>
    %eq3A_240 = arith.cmpi eq, %iota3A_238, %eq3A_239 : vector<128x64xi32>
    %get3A_241 = arith.constant 0 : index
    %get3A_242 = arith.constant 0 : index
    %get3A_243 = vector.load %arg9[%get3A_241, %get3A_242] : memref<64x128xf32, #tpu.memory_space<vmem>>, vector<64x128xf32>
    %convert_element_type3A_244 = arith.extui %eq3A_240 : vector<128x64xi1> to vector<128x64xi32>
    %convert_element_type3A_245 = arith.sitofp %convert_element_type3A_244 : vector<128x64xi32> to vector<128x64xf32>
    %dot_general3A_246 = arith.constant dense<0.000000e+00> : vector<64x64xf32>
    %dot_general3A_247 = tpu.matmul %get3A_243, %convert_element_type3A_245, %dot_general3A_246 {dimension_numbers = #tpu.dot_dimension_numbers<[1], [0], [0], [1], [0, 0, 1, 1], [], []>, transpose_lhs_hint = false} : vector<64x128xf32>, vector<128x64xf32>, vector<64x64xf32> -> vector<64x64xf32>
    %iota3A_248 = tpu.iota {dimensions = array<i32: 1>} : vector<64x64xi32>
    %eq3A_249 = arith.constant 7 : i32
    %eq3A_250 = vector.broadcast %eq3A_249 : i32 to vector<64x64xi32>
    %eq3A_251 = arith.cmpi eq, %iota3A_248, %eq3A_250 : vector<64x64xi32>
    %select_n3A_252 = arith.select %eq3A_251, %dot_general3A_247, %select_n3A_219 : vector<64x64xi1>, vector<64x64xf32>
    %get3A_253 = arith.constant 8 : index
    %get3A_254 = memref.load %arg1[%get3A_253] : memref<64xi32, #tpu.memory_space<smem>>
    %jit3A_255 = arith.constant 128 : i32
    %eq3A_256 = arith.constant 0 : i32
    %eq3A_257 = arith.cmpi eq, %jit3A_255, %eq3A_256 : i32
    %jit3A_258 = arith.constant 1 : i32
    %select_n3A_259 = arith.select %eq3A_257, %jit3A_258, %jit3A_255 : i32
    %rem3A_260 = arith.remsi %get3A_254, %select_n3A_259 : i32
    %ne3A_261 = arith.constant 0 : i32
    %ne3A_262 = arith.cmpi ne, %rem3A_260, %ne3A_261 : i32
    %lt3A_263 = arith.constant 0 : i32
    %lt3A_264 = arith.cmpi slt, %rem3A_260, %lt3A_263 : i32
    %lt3A_265 = arith.constant 0 : i32
    %lt3A_266 = arith.cmpi slt, %select_n3A_259, %lt3A_265 : i32
    %ne3A_267 = arith.xori %lt3A_264, %lt3A_266 : i1
    %and3A_268 = arith.andi %ne3A_267, %ne3A_262 : i1
    %add3A_269 = arith.addi %rem3A_260, %select_n3A_259 : i32
    %select_n3A_270 = arith.select %and3A_268, %add3A_269, %rem3A_260 : i32
    %iota3A_271 = tpu.iota {dimensions = array<i32: 0>} : vector<128x64xi32>
    %eq3A_272 = vector.broadcast %select_n3A_270 : i32 to vector<128x64xi32>
    %eq3A_273 = arith.cmpi eq, %iota3A_271, %eq3A_272 : vector<128x64xi32>
    %get3A_274 = arith.constant 0 : index
    %get3A_275 = arith.constant 0 : index
    %get3A_276 = vector.load %arg10[%get3A_274, %get3A_275] : memref<64x128xf32, #tpu.memory_space<vmem>>, vector<64x128xf32>
    %convert_element_type3A_277 = arith.extui %eq3A_273 : vector<128x64xi1> to vector<128x64xi32>
    %convert_element_type3A_278 = arith.sitofp %convert_element_type3A_277 : vector<128x64xi32> to vector<128x64xf32>
    %dot_general3A_279 = arith.constant dense<0.000000e+00> : vector<64x64xf32>
    %dot_general3A_280 = tpu.matmul %get3A_276, %convert_element_type3A_278, %dot_general3A_279 {dimension_numbers = #tpu.dot_dimension_numbers<[1], [0], [0], [1], [0, 0, 1, 1], [], []>, transpose_lhs_hint = false} : vector<64x128xf32>, vector<128x64xf32>, vector<64x64xf32> -> vector<64x64xf32>
    %iota3A_281 = tpu.iota {dimensions = array<i32: 1>} : vector<64x64xi32>
    %eq3A_282 = arith.constant 8 : i32
    %eq3A_283 = vector.broadcast %eq3A_282 : i32 to vector<64x64xi32>
    %eq3A_284 = arith.cmpi eq, %iota3A_281, %eq3A_283 : vector<64x64xi32>
    %select_n3A_285 = arith.select %eq3A_284, %dot_general3A_280, %select_n3A_252 : vector<64x64xi1>, vector<64x64xf32>
    %get3A_286 = arith.constant 9 : index
    %get3A_287 = memref.load %arg1[%get3A_286] : memref<64xi32, #tpu.memory_space<smem>>
    %jit3A_288 = arith.constant 128 : i32
    %eq3A_289 = arith.constant 0 : i32
    %eq3A_290 = arith.cmpi eq, %jit3A_288, %eq3A_289 : i32
    %jit3A_291 = arith.constant 1 : i32
    %select_n3A_292 = arith.select %eq3A_290, %jit3A_291, %jit3A_288 : i32
    %rem3A_293 = arith.remsi %get3A_287, %select_n3A_292 : i32
    %ne3A_294 = arith.constant 0 : i32
    %ne3A_295 = arith.cmpi ne, %rem3A_293, %ne3A_294 : i32
    %lt3A_296 = arith.constant 0 : i32
    %lt3A_297 = arith.cmpi slt, %rem3A_293, %lt3A_296 : i32
    %lt3A_298 = arith.constant 0 : i32
    %lt3A_299 = arith.cmpi slt, %select_n3A_292, %lt3A_298 : i32
    %ne3A_300 = arith.xori %lt3A_297, %lt3A_299 : i1
    %and3A_301 = arith.andi %ne3A_300, %ne3A_295 : i1
    %add3A_302 = arith.addi %rem3A_293, %select_n3A_292 : i32
    %select_n3A_303 = arith.select %and3A_301, %add3A_302, %rem3A_293 : i32
    %iota3A_304 = tpu.iota {dimensions = array<i32: 0>} : vector<128x64xi32>
    %eq3A_305 = vector.broadcast %select_n3A_303 : i32 to vector<128x64xi32>
    %eq3A_306 = arith.cmpi eq, %iota3A_304, %eq3A_305 : vector<128x64xi32>
    %get3A_307 = arith.constant 0 : index
    %get3A_308 = arith.constant 0 : index
    %get3A_309 = vector.load %arg11[%get3A_307, %get3A_308] : memref<64x128xf32, #tpu.memory_space<vmem>>, vector<64x128xf32>
    %convert_element_type3A_310 = arith.extui %eq3A_306 : vector<128x64xi1> to vector<128x64xi32>
    %convert_element_type3A_311 = arith.sitofp %convert_element_type3A_310 : vector<128x64xi32> to vector<128x64xf32>
    %dot_general3A_312 = arith.constant dense<0.000000e+00> : vector<64x64xf32>
    %dot_general3A_313 = tpu.matmul %get3A_309, %convert_element_type3A_311, %dot_general3A_312 {dimension_numbers = #tpu.dot_dimension_numbers<[1], [0], [0], [1], [0, 0, 1, 1], [], []>, transpose_lhs_hint = false} : vector<64x128xf32>, vector<128x64xf32>, vector<64x64xf32> -> vector<64x64xf32>
    %iota3A_314 = tpu.iota {dimensions = array<i32: 1>} : vector<64x64xi32>
    %eq3A_315 = arith.constant 9 : i32
    %eq3A_316 = vector.broadcast %eq3A_315 : i32 to vector<64x64xi32>
    %eq3A_317 = arith.cmpi eq, %iota3A_314, %eq3A_316 : vector<64x64xi32>
    %select_n3A_318 = arith.select %eq3A_317, %dot_general3A_313, %select_n3A_285 : vector<64x64xi1>, vector<64x64xf32>
    %get3A_319 = arith.constant 10 : index
    %get3A_320 = memref.load %arg1[%get3A_319] : memref<64xi32, #tpu.memory_space<smem>>
    %jit3A_321 = arith.constant 128 : i32
    %eq3A_322 = arith.constant 0 : i32
    %eq3A_323 = arith.cmpi eq, %jit3A_321, %eq3A_322 : i32
    %jit3A_324 = arith.constant 1 : i32
    %select_n3A_325 = arith.select %eq3A_323, %jit3A_324, %jit3A_321 : i32
    %rem3A_326 = arith.remsi %get3A_320, %select_n3A_325 : i32
    %ne3A_327 = arith.constant 0 : i32
    %ne3A_328 = arith.cmpi ne, %rem3A_326, %ne3A_327 : i32
    %lt3A_329 = arith.constant 0 : i32
    %lt3A_330 = arith.cmpi slt, %rem3A_326, %lt3A_329 : i32
    %lt3A_331 = arith.constant 0 : i32
    %lt3A_332 = arith.cmpi slt, %select_n3A_325, %lt3A_331 : i32
    %ne3A_333 = arith.xori %lt3A_330, %lt3A_332 : i1
    %and3A_334 = arith.andi %ne3A_333, %ne3A_328 : i1
    %add3A_335 = arith.addi %rem3A_326, %select_n3A_325 : i32
    %select_n3A_336 = arith.select %and3A_334, %add3A_335, %rem3A_326 : i32
    %iota3A_337 = tpu.iota {dimensions = array<i32: 0>} : vector<128x64xi32>
    %eq3A_338 = vector.broadcast %select_n3A_336 : i32 to vector<128x64xi32>
    %eq3A_339 = arith.cmpi eq, %iota3A_337, %eq3A_338 : vector<128x64xi32>
    %get3A_340 = arith.constant 0 : index
    %get3A_341 = arith.constant 0 : index
    %get3A_342 = vector.load %arg12[%get3A_340, %get3A_341] : memref<64x128xf32, #tpu.memory_space<vmem>>, vector<64x128xf32>
    %convert_element_type3A_343 = arith.extui %eq3A_339 : vector<128x64xi1> to vector<128x64xi32>
    %convert_element_type3A_344 = arith.sitofp %convert_element_type3A_343 : vector<128x64xi32> to vector<128x64xf32>
    %dot_general3A_345 = arith.constant dense<0.000000e+00> : vector<64x64xf32>
    %dot_general3A_346 = tpu.matmul %get3A_342, %convert_element_type3A_344, %dot_general3A_345 {dimension_numbers = #tpu.dot_dimension_numbers<[1], [0], [0], [1], [0, 0, 1, 1], [], []>, transpose_lhs_hint = false} : vector<64x128xf32>, vector<128x64xf32>, vector<64x64xf32> -> vector<64x64xf32>
    %iota3A_347 = tpu.iota {dimensions = array<i32: 1>} : vector<64x64xi32>
    %eq3A_348 = arith.constant 10 : i32
    %eq3A_349 = vector.broadcast %eq3A_348 : i32 to vector<64x64xi32>
    %eq3A_350 = arith.cmpi eq, %iota3A_347, %eq3A_349 : vector<64x64xi32>
    %select_n3A_351 = arith.select %eq3A_350, %dot_general3A_346, %select_n3A_318 : vector<64x64xi1>, vector<64x64xf32>
    %get3A_352 = arith.constant 11 : index
    %get3A_353 = memref.load %arg1[%get3A_352] : memref<64xi32, #tpu.memory_space<smem>>
    %jit3A_354 = arith.constant 128 : i32
    %eq3A_355 = arith.constant 0 : i32
    %eq3A_356 = arith.cmpi eq, %jit3A_354, %eq3A_355 : i32
    %jit3A_357 = arith.constant 1 : i32
    %select_n3A_358 = arith.select %eq3A_356, %jit3A_357, %jit3A_354 : i32
    %rem3A_359 = arith.remsi %get3A_353, %select_n3A_358 : i32
    %ne3A_360 = arith.constant 0 : i32
    %ne3A_361 = arith.cmpi ne, %rem3A_359, %ne3A_360 : i32
    %lt3A_362 = arith.constant 0 : i32
    %lt3A_363 = arith.cmpi slt, %rem3A_359, %lt3A_362 : i32
    %lt3A_364 = arith.constant 0 : i32
    %lt3A_365 = arith.cmpi slt, %select_n3A_358, %lt3A_364 : i32
    %ne3A_366 = arith.xori %lt3A_363, %lt3A_365 : i1
    %and3A_367 = arith.andi %ne3A_366, %ne3A_361 : i1
    %add3A_368 = arith.addi %rem3A_359, %select_n3A_358 : i32
    %select_n3A_369 = arith.select %and3A_367, %add3A_368, %rem3A_359 : i32
    %iota3A_370 = tpu.iota {dimensions = array<i32: 0>} : vector<128x64xi32>
    %eq3A_371 = vector.broadcast %select_n3A_369 : i32 to vector<128x64xi32>
    %eq3A_372 = arith.cmpi eq, %iota3A_370, %eq3A_371 : vector<128x64xi32>
    %get3A_373 = arith.constant 0 : index
    %get3A_374 = arith.constant 0 : index
    %get3A_375 = vector.load %arg13[%get3A_373, %get3A_374] : memref<64x128xf32, #tpu.memory_space<vmem>>, vector<64x128xf32>
    %convert_element_type3A_376 = arith.extui %eq3A_372 : vector<128x64xi1> to vector<128x64xi32>
    %convert_element_type3A_377 = arith.sitofp %convert_element_type3A_376 : vector<128x64xi32> to vector<128x64xf32>
    %dot_general3A_378 = arith.constant dense<0.000000e+00> : vector<64x64xf32>
    %dot_general3A_379 = tpu.matmul %get3A_375, %convert_element_type3A_377, %dot_general3A_378 {dimension_numbers = #tpu.dot_dimension_numbers<[1], [0], [0], [1], [0, 0, 1, 1], [], []>, transpose_lhs_hint = false} : vector<64x128xf32>, vector<128x64xf32>, vector<64x64xf32> -> vector<64x64xf32>
    %iota3A_380 = tpu.iota {dimensions = array<i32: 1>} : vector<64x64xi32>
    %eq3A_381 = arith.constant 11 : i32
    %eq3A_382 = vector.broadcast %eq3A_381 : i32 to vector<64x64xi32>
    %eq3A_383 = arith.cmpi eq, %iota3A_380, %eq3A_382 : vector<64x64xi32>
    %select_n3A_384 = arith.select %eq3A_383, %dot_general3A_379, %select_n3A_351 : vector<64x64xi1>, vector<64x64xf32>
    %get3A_385 = arith.constant 12 : index
    %get3A_386 = memref.load %arg1[%get3A_385] : memref<64xi32, #tpu.memory_space<smem>>
    %jit3A_387 = arith.constant 128 : i32
    %eq3A_388 = arith.constant 0 : i32
    %eq3A_389 = arith.cmpi eq, %jit3A_387, %eq3A_388 : i32
    %jit3A_390 = arith.constant 1 : i32
    %select_n3A_391 = arith.select %eq3A_389, %jit3A_390, %jit3A_387 : i32
    %rem3A_392 = arith.remsi %get3A_386, %select_n3A_391 : i32
    %ne3A_393 = arith.constant 0 : i32
    %ne3A_394 = arith.cmpi ne, %rem3A_392, %ne3A_393 : i32
    %lt3A_395 = arith.constant 0 : i32
    %lt3A_396 = arith.cmpi slt, %rem3A_392, %lt3A_395 : i32
    %lt3A_397 = arith.constant 0 : i32
    %lt3A_398 = arith.cmpi slt, %select_n3A_391, %lt3A_397 : i32
    %ne3A_399 = arith.xori %lt3A_396, %lt3A_398 : i1
    %and3A_400 = arith.andi %ne3A_399, %ne3A_394 : i1
    %add3A_401 = arith.addi %rem3A_392, %select_n3A_391 : i32
    %select_n3A_402 = arith.select %and3A_400, %add3A_401, %rem3A_392 : i32
    %iota3A_403 = tpu.iota {dimensions = array<i32: 0>} : vector<128x64xi32>
    %eq3A_404 = vector.broadcast %select_n3A_402 : i32 to vector<128x64xi32>
    %eq3A_405 = arith.cmpi eq, %iota3A_403, %eq3A_404 : vector<128x64xi32>
    %get3A_406 = arith.constant 0 : index
    %get3A_407 = arith.constant 0 : index
    %get3A_408 = vector.load %arg14[%get3A_406, %get3A_407] : memref<64x128xf32, #tpu.memory_space<vmem>>, vector<64x128xf32>
    %convert_element_type3A_409 = arith.extui %eq3A_405 : vector<128x64xi1> to vector<128x64xi32>
    %convert_element_type3A_410 = arith.sitofp %convert_element_type3A_409 : vector<128x64xi32> to vector<128x64xf32>
    %dot_general3A_411 = arith.constant dense<0.000000e+00> : vector<64x64xf32>
    %dot_general3A_412 = tpu.matmul %get3A_408, %convert_element_type3A_410, %dot_general3A_411 {dimension_numbers = #tpu.dot_dimension_numbers<[1], [0], [0], [1], [0, 0, 1, 1], [], []>, transpose_lhs_hint = false} : vector<64x128xf32>, vector<128x64xf32>, vector<64x64xf32> -> vector<64x64xf32>
    %iota3A_413 = tpu.iota {dimensions = array<i32: 1>} : vector<64x64xi32>
    %eq3A_414 = arith.constant 12 : i32
    %eq3A_415 = vector.broadcast %eq3A_414 : i32 to vector<64x64xi32>
    %eq3A_416 = arith.cmpi eq, %iota3A_413, %eq3A_415 : vector<64x64xi32>
    %select_n3A_417 = arith.select %eq3A_416, %dot_general3A_412, %select_n3A_384 : vector<64x64xi1>, vector<64x64xf32>
    %get3A_418 = arith.constant 13 : index
    %get3A_419 = memref.load %arg1[%get3A_418] : memref<64xi32, #tpu.memory_space<smem>>
    %jit3A_420 = arith.constant 128 : i32
    %eq3A_421 = arith.constant 0 : i32
    %eq3A_422 = arith.cmpi eq, %jit3A_420, %eq3A_421 : i32
    %jit3A_423 = arith.constant 1 : i32
    %select_n3A_424 = arith.select %eq3A_422, %jit3A_423, %jit3A_420 : i32
    %rem3A_425 = arith.remsi %get3A_419, %select_n3A_424 : i32
    %ne3A_426 = arith.constant 0 : i32
    %ne3A_427 = arith.cmpi ne, %rem3A_425, %ne3A_426 : i32
    %lt3A_428 = arith.constant 0 : i32
    %lt3A_429 = arith.cmpi slt, %rem3A_425, %lt3A_428 : i32
    %lt3A_430 = arith.constant 0 : i32
    %lt3A_431 = arith.cmpi slt, %select_n3A_424, %lt3A_430 : i32
    %ne3A_432 = arith.xori %lt3A_429, %lt3A_431 : i1
    %and3A_433 = arith.andi %ne3A_432, %ne3A_427 : i1
    %add3A_434 = arith.addi %rem3A_425, %select_n3A_424 : i32
    %select_n3A_435 = arith.select %and3A_433, %add3A_434, %rem3A_425 : i32
    %iota3A_436 = tpu.iota {dimensions = array<i32: 0>} : vector<128x64xi32>
    %eq3A_437 = vector.broadcast %select_n3A_435 : i32 to vector<128x64xi32>
    %eq3A_438 = arith.cmpi eq, %iota3A_436, %eq3A_437 : vector<128x64xi32>
    %get3A_439 = arith.constant 0 : index
    %get3A_440 = arith.constant 0 : index
    %get3A_441 = vector.load %arg15[%get3A_439, %get3A_440] : memref<64x128xf32, #tpu.memory_space<vmem>>, vector<64x128xf32>
    %convert_element_type3A_442 = arith.extui %eq3A_438 : vector<128x64xi1> to vector<128x64xi32>
    %convert_element_type3A_443 = arith.sitofp %convert_element_type3A_442 : vector<128x64xi32> to vector<128x64xf32>
    %dot_general3A_444 = arith.constant dense<0.000000e+00> : vector<64x64xf32>
    %dot_general3A_445 = tpu.matmul %get3A_441, %convert_element_type3A_443, %dot_general3A_444 {dimension_numbers = #tpu.dot_dimension_numbers<[1], [0], [0], [1], [0, 0, 1, 1], [], []>, transpose_lhs_hint = false} : vector<64x128xf32>, vector<128x64xf32>, vector<64x64xf32> -> vector<64x64xf32>
    %iota3A_446 = tpu.iota {dimensions = array<i32: 1>} : vector<64x64xi32>
    %eq3A_447 = arith.constant 13 : i32
    %eq3A_448 = vector.broadcast %eq3A_447 : i32 to vector<64x64xi32>
    %eq3A_449 = arith.cmpi eq, %iota3A_446, %eq3A_448 : vector<64x64xi32>
    %select_n3A_450 = arith.select %eq3A_449, %dot_general3A_445, %select_n3A_417 : vector<64x64xi1>, vector<64x64xf32>
    %get3A_451 = arith.constant 14 : index
    %get3A_452 = memref.load %arg1[%get3A_451] : memref<64xi32, #tpu.memory_space<smem>>
    %jit3A_453 = arith.constant 128 : i32
    %eq3A_454 = arith.constant 0 : i32
    %eq3A_455 = arith.cmpi eq, %jit3A_453, %eq3A_454 : i32
    %jit3A_456 = arith.constant 1 : i32
    %select_n3A_457 = arith.select %eq3A_455, %jit3A_456, %jit3A_453 : i32
    %rem3A_458 = arith.remsi %get3A_452, %select_n3A_457 : i32
    %ne3A_459 = arith.constant 0 : i32
    %ne3A_460 = arith.cmpi ne, %rem3A_458, %ne3A_459 : i32
    %lt3A_461 = arith.constant 0 : i32
    %lt3A_462 = arith.cmpi slt, %rem3A_458, %lt3A_461 : i32
    %lt3A_463 = arith.constant 0 : i32
    %lt3A_464 = arith.cmpi slt, %select_n3A_457, %lt3A_463 : i32
    %ne3A_465 = arith.xori %lt3A_462, %lt3A_464 : i1
    %and3A_466 = arith.andi %ne3A_465, %ne3A_460 : i1
    %add3A_467 = arith.addi %rem3A_458, %select_n3A_457 : i32
    %select_n3A_468 = arith.select %and3A_466, %add3A_467, %rem3A_458 : i32
    %iota3A_469 = tpu.iota {dimensions = array<i32: 0>} : vector<128x64xi32>
    %eq3A_470 = vector.broadcast %select_n3A_468 : i32 to vector<128x64xi32>
    %eq3A_471 = arith.cmpi eq, %iota3A_469, %eq3A_470 : vector<128x64xi32>
    %get3A_472 = arith.constant 0 : index
    %get3A_473 = arith.constant 0 : index
    %get3A_474 = vector.load %arg16[%get3A_472, %get3A_473] : memref<64x128xf32, #tpu.memory_space<vmem>>, vector<64x128xf32>
    %convert_element_type3A_475 = arith.extui %eq3A_471 : vector<128x64xi1> to vector<128x64xi32>
    %convert_element_type3A_476 = arith.sitofp %convert_element_type3A_475 : vector<128x64xi32> to vector<128x64xf32>
    %dot_general3A_477 = arith.constant dense<0.000000e+00> : vector<64x64xf32>
    %dot_general3A_478 = tpu.matmul %get3A_474, %convert_element_type3A_476, %dot_general3A_477 {dimension_numbers = #tpu.dot_dimension_numbers<[1], [0], [0], [1], [0, 0, 1, 1], [], []>, transpose_lhs_hint = false} : vector<64x128xf32>, vector<128x64xf32>, vector<64x64xf32> -> vector<64x64xf32>
    %iota3A_479 = tpu.iota {dimensions = array<i32: 1>} : vector<64x64xi32>
    %eq3A_480 = arith.constant 14 : i32
    %eq3A_481 = vector.broadcast %eq3A_480 : i32 to vector<64x64xi32>
    %eq3A_482 = arith.cmpi eq, %iota3A_479, %eq3A_481 : vector<64x64xi32>
    %select_n3A_483 = arith.select %eq3A_482, %dot_general3A_478, %select_n3A_450 : vector<64x64xi1>, vector<64x64xf32>
    %get3A_484 = arith.constant 15 : index
    %get3A_485 = memref.load %arg1[%get3A_484] : memref<64xi32, #tpu.memory_space<smem>>
    %jit3A_486 = arith.constant 128 : i32
    %eq3A_487 = arith.constant 0 : i32
    %eq3A_488 = arith.cmpi eq, %jit3A_486, %eq3A_487 : i32
    %jit3A_489 = arith.constant 1 : i32
    %select_n3A_490 = arith.select %eq3A_488, %jit3A_489, %jit3A_486 : i32
    %rem3A_491 = arith.remsi %get3A_485, %select_n3A_490 : i32
    %ne3A_492 = arith.constant 0 : i32
    %ne3A_493 = arith.cmpi ne, %rem3A_491, %ne3A_492 : i32
    %lt3A_494 = arith.constant 0 : i32
    %lt3A_495 = arith.cmpi slt, %rem3A_491, %lt3A_494 : i32
    %lt3A_496 = arith.constant 0 : i32
    %lt3A_497 = arith.cmpi slt, %select_n3A_490, %lt3A_496 : i32
    %ne3A_498 = arith.xori %lt3A_495, %lt3A_497 : i1
    %and3A_499 = arith.andi %ne3A_498, %ne3A_493 : i1
    %add3A_500 = arith.addi %rem3A_491, %select_n3A_490 : i32
    %select_n3A_501 = arith.select %and3A_499, %add3A_500, %rem3A_491 : i32
    %iota3A_502 = tpu.iota {dimensions = array<i32: 0>} : vector<128x64xi32>
    %eq3A_503 = vector.broadcast %select_n3A_501 : i32 to vector<128x64xi32>
    %eq3A_504 = arith.cmpi eq, %iota3A_502, %eq3A_503 : vector<128x64xi32>
    %get3A_505 = arith.constant 0 : index
    %get3A_506 = arith.constant 0 : index
    %get3A_507 = vector.load %arg17[%get3A_505, %get3A_506] : memref<64x128xf32, #tpu.memory_space<vmem>>, vector<64x128xf32>
    %convert_element_type3A_508 = arith.extui %eq3A_504 : vector<128x64xi1> to vector<128x64xi32>
    %convert_element_type3A_509 = arith.sitofp %convert_element_type3A_508 : vector<128x64xi32> to vector<128x64xf32>
    %dot_general3A_510 = arith.constant dense<0.000000e+00> : vector<64x64xf32>
    %dot_general3A_511 = tpu.matmul %get3A_507, %convert_element_type3A_509, %dot_general3A_510 {dimension_numbers = #tpu.dot_dimension_numbers<[1], [0], [0], [1], [0, 0, 1, 1], [], []>, transpose_lhs_hint = false} : vector<64x128xf32>, vector<128x64xf32>, vector<64x64xf32> -> vector<64x64xf32>
    %iota3A_512 = tpu.iota {dimensions = array<i32: 1>} : vector<64x64xi32>
    %eq3A_513 = arith.constant 15 : i32
    %eq3A_514 = vector.broadcast %eq3A_513 : i32 to vector<64x64xi32>
    %eq3A_515 = arith.cmpi eq, %iota3A_512, %eq3A_514 : vector<64x64xi32>
    %select_n3A_516 = arith.select %eq3A_515, %dot_general3A_511, %select_n3A_483 : vector<64x64xi1>, vector<64x64xf32>
    %get3A_517 = arith.constant 16 : index
    %get3A_518 = memref.load %arg1[%get3A_517] : memref<64xi32, #tpu.memory_space<smem>>
    %jit3A_519 = arith.constant 128 : i32
    %eq3A_520 = arith.constant 0 : i32
    %eq3A_521 = arith.cmpi eq, %jit3A_519, %eq3A_520 : i32
    %jit3A_522 = arith.constant 1 : i32
    %select_n3A_523 = arith.select %eq3A_521, %jit3A_522, %jit3A_519 : i32
    %rem3A_524 = arith.remsi %get3A_518, %select_n3A_523 : i32
    %ne3A_525 = arith.constant 0 : i32
    %ne3A_526 = arith.cmpi ne, %rem3A_524, %ne3A_525 : i32
    %lt3A_527 = arith.constant 0 : i32
    %lt3A_528 = arith.cmpi slt, %rem3A_524, %lt3A_527 : i32
    %lt3A_529 = arith.constant 0 : i32
    %lt3A_530 = arith.cmpi slt, %select_n3A_523, %lt3A_529 : i32
    %ne3A_531 = arith.xori %lt3A_528, %lt3A_530 : i1
    %and3A_532 = arith.andi %ne3A_531, %ne3A_526 : i1
    %add3A_533 = arith.addi %rem3A_524, %select_n3A_523 : i32
    %select_n3A_534 = arith.select %and3A_532, %add3A_533, %rem3A_524 : i32
    %iota3A_535 = tpu.iota {dimensions = array<i32: 0>} : vector<128x64xi32>
    %eq3A_536 = vector.broadcast %select_n3A_534 : i32 to vector<128x64xi32>
    %eq3A_537 = arith.cmpi eq, %iota3A_535, %eq3A_536 : vector<128x64xi32>
    %get3A_538 = arith.constant 0 : index
    %get3A_539 = arith.constant 0 : index
    %get3A_540 = vector.load %arg18[%get3A_538, %get3A_539] : memref<64x128xf32, #tpu.memory_space<vmem>>, vector<64x128xf32>
    %convert_element_type3A_541 = arith.extui %eq3A_537 : vector<128x64xi1> to vector<128x64xi32>
    %convert_element_type3A_542 = arith.sitofp %convert_element_type3A_541 : vector<128x64xi32> to vector<128x64xf32>
    %dot_general3A_543 = arith.constant dense<0.000000e+00> : vector<64x64xf32>
    %dot_general3A_544 = tpu.matmul %get3A_540, %convert_element_type3A_542, %dot_general3A_543 {dimension_numbers = #tpu.dot_dimension_numbers<[1], [0], [0], [1], [0, 0, 1, 1], [], []>, transpose_lhs_hint = false} : vector<64x128xf32>, vector<128x64xf32>, vector<64x64xf32> -> vector<64x64xf32>
    %iota3A_545 = tpu.iota {dimensions = array<i32: 1>} : vector<64x64xi32>
    %eq3A_546 = arith.constant 16 : i32
    %eq3A_547 = vector.broadcast %eq3A_546 : i32 to vector<64x64xi32>
    %eq3A_548 = arith.cmpi eq, %iota3A_545, %eq3A_547 : vector<64x64xi32>
    %select_n3A_549 = arith.select %eq3A_548, %dot_general3A_544, %select_n3A_516 : vector<64x64xi1>, vector<64x64xf32>
    %get3A_550 = arith.constant 17 : index
    %get3A_551 = memref.load %arg1[%get3A_550] : memref<64xi32, #tpu.memory_space<smem>>
    %jit3A_552 = arith.constant 128 : i32
    %eq3A_553 = arith.constant 0 : i32
    %eq3A_554 = arith.cmpi eq, %jit3A_552, %eq3A_553 : i32
    %jit3A_555 = arith.constant 1 : i32
    %select_n3A_556 = arith.select %eq3A_554, %jit3A_555, %jit3A_552 : i32
    %rem3A_557 = arith.remsi %get3A_551, %select_n3A_556 : i32
    %ne3A_558 = arith.constant 0 : i32
    %ne3A_559 = arith.cmpi ne, %rem3A_557, %ne3A_558 : i32
    %lt3A_560 = arith.constant 0 : i32
    %lt3A_561 = arith.cmpi slt, %rem3A_557, %lt3A_560 : i32
    %lt3A_562 = arith.constant 0 : i32
    %lt3A_563 = arith.cmpi slt, %select_n3A_556, %lt3A_562 : i32
    %ne3A_564 = arith.xori %lt3A_561, %lt3A_563 : i1
    %and3A_565 = arith.andi %ne3A_564, %ne3A_559 : i1
    %add3A_566 = arith.addi %rem3A_557, %select_n3A_556 : i32
    %select_n3A_567 = arith.select %and3A_565, %add3A_566, %rem3A_557 : i32
    %iota3A_568 = tpu.iota {dimensions = array<i32: 0>} : vector<128x64xi32>
    %eq3A_569 = vector.broadcast %select_n3A_567 : i32 to vector<128x64xi32>
    %eq3A_570 = arith.cmpi eq, %iota3A_568, %eq3A_569 : vector<128x64xi32>
    %get3A_571 = arith.constant 0 : index
    %get3A_572 = arith.constant 0 : index
    %get3A_573 = vector.load %arg19[%get3A_571, %get3A_572] : memref<64x128xf32, #tpu.memory_space<vmem>>, vector<64x128xf32>
    %convert_element_type3A_574 = arith.extui %eq3A_570 : vector<128x64xi1> to vector<128x64xi32>
    %convert_element_type3A_575 = arith.sitofp %convert_element_type3A_574 : vector<128x64xi32> to vector<128x64xf32>
    %dot_general3A_576 = arith.constant dense<0.000000e+00> : vector<64x64xf32>
    %dot_general3A_577 = tpu.matmul %get3A_573, %convert_element_type3A_575, %dot_general3A_576 {dimension_numbers = #tpu.dot_dimension_numbers<[1], [0], [0], [1], [0, 0, 1, 1], [], []>, transpose_lhs_hint = false} : vector<64x128xf32>, vector<128x64xf32>, vector<64x64xf32> -> vector<64x64xf32>
    %iota3A_578 = tpu.iota {dimensions = array<i32: 1>} : vector<64x64xi32>
    %eq3A_579 = arith.constant 17 : i32
    %eq3A_580 = vector.broadcast %eq3A_579 : i32 to vector<64x64xi32>
    %eq3A_581 = arith.cmpi eq, %iota3A_578, %eq3A_580 : vector<64x64xi32>
    %select_n3A_582 = arith.select %eq3A_581, %dot_general3A_577, %select_n3A_549 : vector<64x64xi1>, vector<64x64xf32>
    %get3A_583 = arith.constant 18 : index
    %get3A_584 = memref.load %arg1[%get3A_583] : memref<64xi32, #tpu.memory_space<smem>>
    %jit3A_585 = arith.constant 128 : i32
    %eq3A_586 = arith.constant 0 : i32
    %eq3A_587 = arith.cmpi eq, %jit3A_585, %eq3A_586 : i32
    %jit3A_588 = arith.constant 1 : i32
    %select_n3A_589 = arith.select %eq3A_587, %jit3A_588, %jit3A_585 : i32
    %rem3A_590 = arith.remsi %get3A_584, %select_n3A_589 : i32
    %ne3A_591 = arith.constant 0 : i32
    %ne3A_592 = arith.cmpi ne, %rem3A_590, %ne3A_591 : i32
    %lt3A_593 = arith.constant 0 : i32
    %lt3A_594 = arith.cmpi slt, %rem3A_590, %lt3A_593 : i32
    %lt3A_595 = arith.constant 0 : i32
    %lt3A_596 = arith.cmpi slt, %select_n3A_589, %lt3A_595 : i32
    %ne3A_597 = arith.xori %lt3A_594, %lt3A_596 : i1
    %and3A_598 = arith.andi %ne3A_597, %ne3A_592 : i1
    %add3A_599 = arith.addi %rem3A_590, %select_n3A_589 : i32
    %select_n3A_600 = arith.select %and3A_598, %add3A_599, %rem3A_590 : i32
    %iota3A_601 = tpu.iota {dimensions = array<i32: 0>} : vector<128x64xi32>
    %eq3A_602 = vector.broadcast %select_n3A_600 : i32 to vector<128x64xi32>
    %eq3A_603 = arith.cmpi eq, %iota3A_601, %eq3A_602 : vector<128x64xi32>
    %get3A_604 = arith.constant 0 : index
    %get3A_605 = arith.constant 0 : index
    %get3A_606 = vector.load %arg20[%get3A_604, %get3A_605] : memref<64x128xf32, #tpu.memory_space<vmem>>, vector<64x128xf32>
    %convert_element_type3A_607 = arith.extui %eq3A_603 : vector<128x64xi1> to vector<128x64xi32>
    %convert_element_type3A_608 = arith.sitofp %convert_element_type3A_607 : vector<128x64xi32> to vector<128x64xf32>
    %dot_general3A_609 = arith.constant dense<0.000000e+00> : vector<64x64xf32>
    %dot_general3A_610 = tpu.matmul %get3A_606, %convert_element_type3A_608, %dot_general3A_609 {dimension_numbers = #tpu.dot_dimension_numbers<[1], [0], [0], [1], [0, 0, 1, 1], [], []>, transpose_lhs_hint = false} : vector<64x128xf32>, vector<128x64xf32>, vector<64x64xf32> -> vector<64x64xf32>
    %iota3A_611 = tpu.iota {dimensions = array<i32: 1>} : vector<64x64xi32>
    %eq3A_612 = arith.constant 18 : i32
    %eq3A_613 = vector.broadcast %eq3A_612 : i32 to vector<64x64xi32>
    %eq3A_614 = arith.cmpi eq, %iota3A_611, %eq3A_613 : vector<64x64xi32>
    %select_n3A_615 = arith.select %eq3A_614, %dot_general3A_610, %select_n3A_582 : vector<64x64xi1>, vector<64x64xf32>
    %get3A_616 = arith.constant 19 : index
    %get3A_617 = memref.load %arg1[%get3A_616] : memref<64xi32, #tpu.memory_space<smem>>
    %jit3A_618 = arith.constant 128 : i32
    %eq3A_619 = arith.constant 0 : i32
    %eq3A_620 = arith.cmpi eq, %jit3A_618, %eq3A_619 : i32
    %jit3A_621 = arith.constant 1 : i32
    %select_n3A_622 = arith.select %eq3A_620, %jit3A_621, %jit3A_618 : i32
    %rem3A_623 = arith.remsi %get3A_617, %select_n3A_622 : i32
    %ne3A_624 = arith.constant 0 : i32
    %ne3A_625 = arith.cmpi ne, %rem3A_623, %ne3A_624 : i32
    %lt3A_626 = arith.constant 0 : i32
    %lt3A_627 = arith.cmpi slt, %rem3A_623, %lt3A_626 : i32
    %lt3A_628 = arith.constant 0 : i32
    %lt3A_629 = arith.cmpi slt, %select_n3A_622, %lt3A_628 : i32
    %ne3A_630 = arith.xori %lt3A_627, %lt3A_629 : i1
    %and3A_631 = arith.andi %ne3A_630, %ne3A_625 : i1
    %add3A_632 = arith.addi %rem3A_623, %select_n3A_622 : i32
    %select_n3A_633 = arith.select %and3A_631, %add3A_632, %rem3A_623 : i32
    %iota3A_634 = tpu.iota {dimensions = array<i32: 0>} : vector<128x64xi32>
    %eq3A_635 = vector.broadcast %select_n3A_633 : i32 to vector<128x64xi32>
    %eq3A_636 = arith.cmpi eq, %iota3A_634, %eq3A_635 : vector<128x64xi32>
    %get3A_637 = arith.constant 0 : index
    %get3A_638 = arith.constant 0 : index
    %get3A_639 = vector.load %arg21[%get3A_637, %get3A_638] : memref<64x128xf32, #tpu.memory_space<vmem>>, vector<64x128xf32>
    %convert_element_type3A_640 = arith.extui %eq3A_636 : vector<128x64xi1> to vector<128x64xi32>
    %convert_element_type3A_641 = arith.sitofp %convert_element_type3A_640 : vector<128x64xi32> to vector<128x64xf32>
    %dot_general3A_642 = arith.constant dense<0.000000e+00> : vector<64x64xf32>
    %dot_general3A_643 = tpu.matmul %get3A_639, %convert_element_type3A_641, %dot_general3A_642 {dimension_numbers = #tpu.dot_dimension_numbers<[1], [0], [0], [1], [0, 0, 1, 1], [], []>, transpose_lhs_hint = false} : vector<64x128xf32>, vector<128x64xf32>, vector<64x64xf32> -> vector<64x64xf32>
    %iota3A_644 = tpu.iota {dimensions = array<i32: 1>} : vector<64x64xi32>
    %eq3A_645 = arith.constant 19 : i32
    %eq3A_646 = vector.broadcast %eq3A_645 : i32 to vector<64x64xi32>
    %eq3A_647 = arith.cmpi eq, %iota3A_644, %eq3A_646 : vector<64x64xi32>
    %select_n3A_648 = arith.select %eq3A_647, %dot_general3A_643, %select_n3A_615 : vector<64x64xi1>, vector<64x64xf32>
    %get3A_649 = arith.constant 20 : index
    %get3A_650 = memref.load %arg1[%get3A_649] : memref<64xi32, #tpu.memory_space<smem>>
    %jit3A_651 = arith.constant 128 : i32
    %eq3A_652 = arith.constant 0 : i32
    %eq3A_653 = arith.cmpi eq, %jit3A_651, %eq3A_652 : i32
    %jit3A_654 = arith.constant 1 : i32
    %select_n3A_655 = arith.select %eq3A_653, %jit3A_654, %jit3A_651 : i32
    %rem3A_656 = arith.remsi %get3A_650, %select_n3A_655 : i32
    %ne3A_657 = arith.constant 0 : i32
    %ne3A_658 = arith.cmpi ne, %rem3A_656, %ne3A_657 : i32
    %lt3A_659 = arith.constant 0 : i32
    %lt3A_660 = arith.cmpi slt, %rem3A_656, %lt3A_659 : i32
    %lt3A_661 = arith.constant 0 : i32
    %lt3A_662 = arith.cmpi slt, %select_n3A_655, %lt3A_661 : i32
    %ne3A_663 = arith.xori %lt3A_660, %lt3A_662 : i1
    %and3A_664 = arith.andi %ne3A_663, %ne3A_658 : i1
    %add3A_665 = arith.addi %rem3A_656, %select_n3A_655 : i32
    %select_n3A_666 = arith.select %and3A_664, %add3A_665, %rem3A_656 : i32
    %iota3A_667 = tpu.iota {dimensions = array<i32: 0>} : vector<128x64xi32>
    %eq3A_668 = vector.broadcast %select_n3A_666 : i32 to vector<128x64xi32>
    %eq3A_669 = arith.cmpi eq, %iota3A_667, %eq3A_668 : vector<128x64xi32>
    %get3A_670 = arith.constant 0 : index
    %get3A_671 = arith.constant 0 : index
    %get3A_672 = vector.load %arg22[%get3A_670, %get3A_671] : memref<64x128xf32, #tpu.memory_space<vmem>>, vector<64x128xf32>
    %convert_element_type3A_673 = arith.extui %eq3A_669 : vector<128x64xi1> to vector<128x64xi32>
    %convert_element_type3A_674 = arith.sitofp %convert_element_type3A_673 : vector<128x64xi32> to vector<128x64xf32>
    %dot_general3A_675 = arith.constant dense<0.000000e+00> : vector<64x64xf32>
    %dot_general3A_676 = tpu.matmul %get3A_672, %convert_element_type3A_674, %dot_general3A_675 {dimension_numbers = #tpu.dot_dimension_numbers<[1], [0], [0], [1], [0, 0, 1, 1], [], []>, transpose_lhs_hint = false} : vector<64x128xf32>, vector<128x64xf32>, vector<64x64xf32> -> vector<64x64xf32>
    %iota3A_677 = tpu.iota {dimensions = array<i32: 1>} : vector<64x64xi32>
    %eq3A_678 = arith.constant 20 : i32
    %eq3A_679 = vector.broadcast %eq3A_678 : i32 to vector<64x64xi32>
    %eq3A_680 = arith.cmpi eq, %iota3A_677, %eq3A_679 : vector<64x64xi32>
    %select_n3A_681 = arith.select %eq3A_680, %dot_general3A_676, %select_n3A_648 : vector<64x64xi1>, vector<64x64xf32>
    %get3A_682 = arith.constant 21 : index
    %get3A_683 = memref.load %arg1[%get3A_682] : memref<64xi32, #tpu.memory_space<smem>>
    %jit3A_684 = arith.constant 128 : i32
    %eq3A_685 = arith.constant 0 : i32
    %eq3A_686 = arith.cmpi eq, %jit3A_684, %eq3A_685 : i32
    %jit3A_687 = arith.constant 1 : i32
    %select_n3A_688 = arith.select %eq3A_686, %jit3A_687, %jit3A_684 : i32
    %rem3A_689 = arith.remsi %get3A_683, %select_n3A_688 : i32
    %ne3A_690 = arith.constant 0 : i32
    %ne3A_691 = arith.cmpi ne, %rem3A_689, %ne3A_690 : i32
    %lt3A_692 = arith.constant 0 : i32
    %lt3A_693 = arith.cmpi slt, %rem3A_689, %lt3A_692 : i32
    %lt3A_694 = arith.constant 0 : i32
    %lt3A_695 = arith.cmpi slt, %select_n3A_688, %lt3A_694 : i32
    %ne3A_696 = arith.xori %lt3A_693, %lt3A_695 : i1
    %and3A_697 = arith.andi %ne3A_696, %ne3A_691 : i1
    %add3A_698 = arith.addi %rem3A_689, %select_n3A_688 : i32
    %select_n3A_699 = arith.select %and3A_697, %add3A_698, %rem3A_689 : i32
    %iota3A_700 = tpu.iota {dimensions = array<i32: 0>} : vector<128x64xi32>
    %eq3A_701 = vector.broadcast %select_n3A_699 : i32 to vector<128x64xi32>
    %eq3A_702 = arith.cmpi eq, %iota3A_700, %eq3A_701 : vector<128x64xi32>
    %get3A_703 = arith.constant 0 : index
    %get3A_704 = arith.constant 0 : index
    %get3A_705 = vector.load %arg23[%get3A_703, %get3A_704] : memref<64x128xf32, #tpu.memory_space<vmem>>, vector<64x128xf32>
    %convert_element_type3A_706 = arith.extui %eq3A_702 : vector<128x64xi1> to vector<128x64xi32>
    %convert_element_type3A_707 = arith.sitofp %convert_element_type3A_706 : vector<128x64xi32> to vector<128x64xf32>
    %dot_general3A_708 = arith.constant dense<0.000000e+00> : vector<64x64xf32>
    %dot_general3A_709 = tpu.matmul %get3A_705, %convert_element_type3A_707, %dot_general3A_708 {dimension_numbers = #tpu.dot_dimension_numbers<[1], [0], [0], [1], [0, 0, 1, 1], [], []>, transpose_lhs_hint = false} : vector<64x128xf32>, vector<128x64xf32>, vector<64x64xf32> -> vector<64x64xf32>
    %iota3A_710 = tpu.iota {dimensions = array<i32: 1>} : vector<64x64xi32>
    %eq3A_711 = arith.constant 21 : i32
    %eq3A_712 = vector.broadcast %eq3A_711 : i32 to vector<64x64xi32>
    %eq3A_713 = arith.cmpi eq, %iota3A_710, %eq3A_712 : vector<64x64xi32>
    %select_n3A_714 = arith.select %eq3A_713, %dot_general3A_709, %select_n3A_681 : vector<64x64xi1>, vector<64x64xf32>
    %get3A_715 = arith.constant 22 : index
    %get3A_716 = memref.load %arg1[%get3A_715] : memref<64xi32, #tpu.memory_space<smem>>
    %jit3A_717 = arith.constant 128 : i32
    %eq3A_718 = arith.constant 0 : i32
    %eq3A_719 = arith.cmpi eq, %jit3A_717, %eq3A_718 : i32
    %jit3A_720 = arith.constant 1 : i32
    %select_n3A_721 = arith.select %eq3A_719, %jit3A_720, %jit3A_717 : i32
    %rem3A_722 = arith.remsi %get3A_716, %select_n3A_721 : i32
    %ne3A_723 = arith.constant 0 : i32
    %ne3A_724 = arith.cmpi ne, %rem3A_722, %ne3A_723 : i32
    %lt3A_725 = arith.constant 0 : i32
    %lt3A_726 = arith.cmpi slt, %rem3A_722, %lt3A_725 : i32
    %lt3A_727 = arith.constant 0 : i32
    %lt3A_728 = arith.cmpi slt, %select_n3A_721, %lt3A_727 : i32
    %ne3A_729 = arith.xori %lt3A_726, %lt3A_728 : i1
    %and3A_730 = arith.andi %ne3A_729, %ne3A_724 : i1
    %add3A_731 = arith.addi %rem3A_722, %select_n3A_721 : i32
    %select_n3A_732 = arith.select %and3A_730, %add3A_731, %rem3A_722 : i32
    %iota3A_733 = tpu.iota {dimensions = array<i32: 0>} : vector<128x64xi32>
    %eq3A_734 = vector.broadcast %select_n3A_732 : i32 to vector<128x64xi32>
    %eq3A_735 = arith.cmpi eq, %iota3A_733, %eq3A_734 : vector<128x64xi32>
    %get3A_736 = arith.constant 0 : index
    %get3A_737 = arith.constant 0 : index
    %get3A_738 = vector.load %arg24[%get3A_736, %get3A_737] : memref<64x128xf32, #tpu.memory_space<vmem>>, vector<64x128xf32>
    %convert_element_type3A_739 = arith.extui %eq3A_735 : vector<128x64xi1> to vector<128x64xi32>
    %convert_element_type3A_740 = arith.sitofp %convert_element_type3A_739 : vector<128x64xi32> to vector<128x64xf32>
    %dot_general3A_741 = arith.constant dense<0.000000e+00> : vector<64x64xf32>
    %dot_general3A_742 = tpu.matmul %get3A_738, %convert_element_type3A_740, %dot_general3A_741 {dimension_numbers = #tpu.dot_dimension_numbers<[1], [0], [0], [1], [0, 0, 1, 1], [], []>, transpose_lhs_hint = false} : vector<64x128xf32>, vector<128x64xf32>, vector<64x64xf32> -> vector<64x64xf32>
    %iota3A_743 = tpu.iota {dimensions = array<i32: 1>} : vector<64x64xi32>
    %eq3A_744 = arith.constant 22 : i32
    %eq3A_745 = vector.broadcast %eq3A_744 : i32 to vector<64x64xi32>
    %eq3A_746 = arith.cmpi eq, %iota3A_743, %eq3A_745 : vector<64x64xi32>
    %select_n3A_747 = arith.select %eq3A_746, %dot_general3A_742, %select_n3A_714 : vector<64x64xi1>, vector<64x64xf32>
    %get3A_748 = arith.constant 23 : index
    %get3A_749 = memref.load %arg1[%get3A_748] : memref<64xi32, #tpu.memory_space<smem>>
    %jit3A_750 = arith.constant 128 : i32
    %eq3A_751 = arith.constant 0 : i32
    %eq3A_752 = arith.cmpi eq, %jit3A_750, %eq3A_751 : i32
    %jit3A_753 = arith.constant 1 : i32
    %select_n3A_754 = arith.select %eq3A_752, %jit3A_753, %jit3A_750 : i32
    %rem3A_755 = arith.remsi %get3A_749, %select_n3A_754 : i32
    %ne3A_756 = arith.constant 0 : i32
    %ne3A_757 = arith.cmpi ne, %rem3A_755, %ne3A_756 : i32
    %lt3A_758 = arith.constant 0 : i32
    %lt3A_759 = arith.cmpi slt, %rem3A_755, %lt3A_758 : i32
    %lt3A_760 = arith.constant 0 : i32
    %lt3A_761 = arith.cmpi slt, %select_n3A_754, %lt3A_760 : i32
    %ne3A_762 = arith.xori %lt3A_759, %lt3A_761 : i1
    %and3A_763 = arith.andi %ne3A_762, %ne3A_757 : i1
    %add3A_764 = arith.addi %rem3A_755, %select_n3A_754 : i32
    %select_n3A_765 = arith.select %and3A_763, %add3A_764, %rem3A_755 : i32
    %iota3A_766 = tpu.iota {dimensions = array<i32: 0>} : vector<128x64xi32>
    %eq3A_767 = vector.broadcast %select_n3A_765 : i32 to vector<128x64xi32>
    %eq3A_768 = arith.cmpi eq, %iota3A_766, %eq3A_767 : vector<128x64xi32>
    %get3A_769 = arith.constant 0 : index
    %get3A_770 = arith.constant 0 : index
    %get3A_771 = vector.load %arg25[%get3A_769, %get3A_770] : memref<64x128xf32, #tpu.memory_space<vmem>>, vector<64x128xf32>
    %convert_element_type3A_772 = arith.extui %eq3A_768 : vector<128x64xi1> to vector<128x64xi32>
    %convert_element_type3A_773 = arith.sitofp %convert_element_type3A_772 : vector<128x64xi32> to vector<128x64xf32>
    %dot_general3A_774 = arith.constant dense<0.000000e+00> : vector<64x64xf32>
    %dot_general3A_775 = tpu.matmul %get3A_771, %convert_element_type3A_773, %dot_general3A_774 {dimension_numbers = #tpu.dot_dimension_numbers<[1], [0], [0], [1], [0, 0, 1, 1], [], []>, transpose_lhs_hint = false} : vector<64x128xf32>, vector<128x64xf32>, vector<64x64xf32> -> vector<64x64xf32>
    %iota3A_776 = tpu.iota {dimensions = array<i32: 1>} : vector<64x64xi32>
    %eq3A_777 = arith.constant 23 : i32
    %eq3A_778 = vector.broadcast %eq3A_777 : i32 to vector<64x64xi32>
    %eq3A_779 = arith.cmpi eq, %iota3A_776, %eq3A_778 : vector<64x64xi32>
    %select_n3A_780 = arith.select %eq3A_779, %dot_general3A_775, %select_n3A_747 : vector<64x64xi1>, vector<64x64xf32>
    %get3A_781 = arith.constant 24 : index
    %get3A_782 = memref.load %arg1[%get3A_781] : memref<64xi32, #tpu.memory_space<smem>>
    %jit3A_783 = arith.constant 128 : i32
    %eq3A_784 = arith.constant 0 : i32
    %eq3A_785 = arith.cmpi eq, %jit3A_783, %eq3A_784 : i32
    %jit3A_786 = arith.constant 1 : i32
    %select_n3A_787 = arith.select %eq3A_785, %jit3A_786, %jit3A_783 : i32
    %rem3A_788 = arith.remsi %get3A_782, %select_n3A_787 : i32
    %ne3A_789 = arith.constant 0 : i32
    %ne3A_790 = arith.cmpi ne, %rem3A_788, %ne3A_789 : i32
    %lt3A_791 = arith.constant 0 : i32
    %lt3A_792 = arith.cmpi slt, %rem3A_788, %lt3A_791 : i32
    %lt3A_793 = arith.constant 0 : i32
    %lt3A_794 = arith.cmpi slt, %select_n3A_787, %lt3A_793 : i32
    %ne3A_795 = arith.xori %lt3A_792, %lt3A_794 : i1
    %and3A_796 = arith.andi %ne3A_795, %ne3A_790 : i1
    %add3A_797 = arith.addi %rem3A_788, %select_n3A_787 : i32
    %select_n3A_798 = arith.select %and3A_796, %add3A_797, %rem3A_788 : i32
    %iota3A_799 = tpu.iota {dimensions = array<i32: 0>} : vector<128x64xi32>
    %eq3A_800 = vector.broadcast %select_n3A_798 : i32 to vector<128x64xi32>
    %eq3A_801 = arith.cmpi eq, %iota3A_799, %eq3A_800 : vector<128x64xi32>
    %get3A_802 = arith.constant 0 : index
    %get3A_803 = arith.constant 0 : index
    %get3A_804 = vector.load %arg26[%get3A_802, %get3A_803] : memref<64x128xf32, #tpu.memory_space<vmem>>, vector<64x128xf32>
    %convert_element_type3A_805 = arith.extui %eq3A_801 : vector<128x64xi1> to vector<128x64xi32>
    %convert_element_type3A_806 = arith.sitofp %convert_element_type3A_805 : vector<128x64xi32> to vector<128x64xf32>
    %dot_general3A_807 = arith.constant dense<0.000000e+00> : vector<64x64xf32>
    %dot_general3A_808 = tpu.matmul %get3A_804, %convert_element_type3A_806, %dot_general3A_807 {dimension_numbers = #tpu.dot_dimension_numbers<[1], [0], [0], [1], [0, 0, 1, 1], [], []>, transpose_lhs_hint = false} : vector<64x128xf32>, vector<128x64xf32>, vector<64x64xf32> -> vector<64x64xf32>
    %iota3A_809 = tpu.iota {dimensions = array<i32: 1>} : vector<64x64xi32>
    %eq3A_810 = arith.constant 24 : i32
    %eq3A_811 = vector.broadcast %eq3A_810 : i32 to vector<64x64xi32>
    %eq3A_812 = arith.cmpi eq, %iota3A_809, %eq3A_811 : vector<64x64xi32>
    %select_n3A_813 = arith.select %eq3A_812, %dot_general3A_808, %select_n3A_780 : vector<64x64xi1>, vector<64x64xf32>
    %get3A_814 = arith.constant 25 : index
    %get3A_815 = memref.load %arg1[%get3A_814] : memref<64xi32, #tpu.memory_space<smem>>
    %jit3A_816 = arith.constant 128 : i32
    %eq3A_817 = arith.constant 0 : i32
    %eq3A_818 = arith.cmpi eq, %jit3A_816, %eq3A_817 : i32
    %jit3A_819 = arith.constant 1 : i32
    %select_n3A_820 = arith.select %eq3A_818, %jit3A_819, %jit3A_816 : i32
    %rem3A_821 = arith.remsi %get3A_815, %select_n3A_820 : i32
    %ne3A_822 = arith.constant 0 : i32
    %ne3A_823 = arith.cmpi ne, %rem3A_821, %ne3A_822 : i32
    %lt3A_824 = arith.constant 0 : i32
    %lt3A_825 = arith.cmpi slt, %rem3A_821, %lt3A_824 : i32
    %lt3A_826 = arith.constant 0 : i32
    %lt3A_827 = arith.cmpi slt, %select_n3A_820, %lt3A_826 : i32
    %ne3A_828 = arith.xori %lt3A_825, %lt3A_827 : i1
    %and3A_829 = arith.andi %ne3A_828, %ne3A_823 : i1
    %add3A_830 = arith.addi %rem3A_821, %select_n3A_820 : i32
    %select_n3A_831 = arith.select %and3A_829, %add3A_830, %rem3A_821 : i32
    %iota3A_832 = tpu.iota {dimensions = array<i32: 0>} : vector<128x64xi32>
    %eq3A_833 = vector.broadcast %select_n3A_831 : i32 to vector<128x64xi32>
    %eq3A_834 = arith.cmpi eq, %iota3A_832, %eq3A_833 : vector<128x64xi32>
    %get3A_835 = arith.constant 0 : index
    %get3A_836 = arith.constant 0 : index
    %get3A_837 = vector.load %arg27[%get3A_835, %get3A_836] : memref<64x128xf32, #tpu.memory_space<vmem>>, vector<64x128xf32>
    %convert_element_type3A_838 = arith.extui %eq3A_834 : vector<128x64xi1> to vector<128x64xi32>
    %convert_element_type3A_839 = arith.sitofp %convert_element_type3A_838 : vector<128x64xi32> to vector<128x64xf32>
    %dot_general3A_840 = arith.constant dense<0.000000e+00> : vector<64x64xf32>
    %dot_general3A_841 = tpu.matmul %get3A_837, %convert_element_type3A_839, %dot_general3A_840 {dimension_numbers = #tpu.dot_dimension_numbers<[1], [0], [0], [1], [0, 0, 1, 1], [], []>, transpose_lhs_hint = false} : vector<64x128xf32>, vector<128x64xf32>, vector<64x64xf32> -> vector<64x64xf32>
    %iota3A_842 = tpu.iota {dimensions = array<i32: 1>} : vector<64x64xi32>
    %eq3A_843 = arith.constant 25 : i32
    %eq3A_844 = vector.broadcast %eq3A_843 : i32 to vector<64x64xi32>
    %eq3A_845 = arith.cmpi eq, %iota3A_842, %eq3A_844 : vector<64x64xi32>
    %select_n3A_846 = arith.select %eq3A_845, %dot_general3A_841, %select_n3A_813 : vector<64x64xi1>, vector<64x64xf32>
    %get3A_847 = arith.constant 26 : index
    %get3A_848 = memref.load %arg1[%get3A_847] : memref<64xi32, #tpu.memory_space<smem>>
    %jit3A_849 = arith.constant 128 : i32
    %eq3A_850 = arith.constant 0 : i32
    %eq3A_851 = arith.cmpi eq, %jit3A_849, %eq3A_850 : i32
    %jit3A_852 = arith.constant 1 : i32
    %select_n3A_853 = arith.select %eq3A_851, %jit3A_852, %jit3A_849 : i32
    %rem3A_854 = arith.remsi %get3A_848, %select_n3A_853 : i32
    %ne3A_855 = arith.constant 0 : i32
    %ne3A_856 = arith.cmpi ne, %rem3A_854, %ne3A_855 : i32
    %lt3A_857 = arith.constant 0 : i32
    %lt3A_858 = arith.cmpi slt, %rem3A_854, %lt3A_857 : i32
    %lt3A_859 = arith.constant 0 : i32
    %lt3A_860 = arith.cmpi slt, %select_n3A_853, %lt3A_859 : i32
    %ne3A_861 = arith.xori %lt3A_858, %lt3A_860 : i1
    %and3A_862 = arith.andi %ne3A_861, %ne3A_856 : i1
    %add3A_863 = arith.addi %rem3A_854, %select_n3A_853 : i32
    %select_n3A_864 = arith.select %and3A_862, %add3A_863, %rem3A_854 : i32
    %iota3A_865 = tpu.iota {dimensions = array<i32: 0>} : vector<128x64xi32>
    %eq3A_866 = vector.broadcast %select_n3A_864 : i32 to vector<128x64xi32>
    %eq3A_867 = arith.cmpi eq, %iota3A_865, %eq3A_866 : vector<128x64xi32>
    %get3A_868 = arith.constant 0 : index
    %get3A_869 = arith.constant 0 : index
    %get3A_870 = vector.load %arg28[%get3A_868, %get3A_869] : memref<64x128xf32, #tpu.memory_space<vmem>>, vector<64x128xf32>
    %convert_element_type3A_871 = arith.extui %eq3A_867 : vector<128x64xi1> to vector<128x64xi32>
    %convert_element_type3A_872 = arith.sitofp %convert_element_type3A_871 : vector<128x64xi32> to vector<128x64xf32>
    %dot_general3A_873 = arith.constant dense<0.000000e+00> : vector<64x64xf32>
    %dot_general3A_874 = tpu.matmul %get3A_870, %convert_element_type3A_872, %dot_general3A_873 {dimension_numbers = #tpu.dot_dimension_numbers<[1], [0], [0], [1], [0, 0, 1, 1], [], []>, transpose_lhs_hint = false} : vector<64x128xf32>, vector<128x64xf32>, vector<64x64xf32> -> vector<64x64xf32>
    %iota3A_875 = tpu.iota {dimensions = array<i32: 1>} : vector<64x64xi32>
    %eq3A_876 = arith.constant 26 : i32
    %eq3A_877 = vector.broadcast %eq3A_876 : i32 to vector<64x64xi32>
    %eq3A_878 = arith.cmpi eq, %iota3A_875, %eq3A_877 : vector<64x64xi32>
    %select_n3A_879 = arith.select %eq3A_878, %dot_general3A_874, %select_n3A_846 : vector<64x64xi1>, vector<64x64xf32>
    %get3A_880 = arith.constant 27 : index
    %get3A_881 = memref.load %arg1[%get3A_880] : memref<64xi32, #tpu.memory_space<smem>>
    %jit3A_882 = arith.constant 128 : i32
    %eq3A_883 = arith.constant 0 : i32
    %eq3A_884 = arith.cmpi eq, %jit3A_882, %eq3A_883 : i32
    %jit3A_885 = arith.constant 1 : i32
    %select_n3A_886 = arith.select %eq3A_884, %jit3A_885, %jit3A_882 : i32
    %rem3A_887 = arith.remsi %get3A_881, %select_n3A_886 : i32
    %ne3A_888 = arith.constant 0 : i32
    %ne3A_889 = arith.cmpi ne, %rem3A_887, %ne3A_888 : i32
    %lt3A_890 = arith.constant 0 : i32
    %lt3A_891 = arith.cmpi slt, %rem3A_887, %lt3A_890 : i32
    %lt3A_892 = arith.constant 0 : i32
    %lt3A_893 = arith.cmpi slt, %select_n3A_886, %lt3A_892 : i32
    %ne3A_894 = arith.xori %lt3A_891, %lt3A_893 : i1
    %and3A_895 = arith.andi %ne3A_894, %ne3A_889 : i1
    %add3A_896 = arith.addi %rem3A_887, %select_n3A_886 : i32
    %select_n3A_897 = arith.select %and3A_895, %add3A_896, %rem3A_887 : i32
    %iota3A_898 = tpu.iota {dimensions = array<i32: 0>} : vector<128x64xi32>
    %eq3A_899 = vector.broadcast %select_n3A_897 : i32 to vector<128x64xi32>
    %eq3A_900 = arith.cmpi eq, %iota3A_898, %eq3A_899 : vector<128x64xi32>
    %get3A_901 = arith.constant 0 : index
    %get3A_902 = arith.constant 0 : index
    %get3A_903 = vector.load %arg29[%get3A_901, %get3A_902] : memref<64x128xf32, #tpu.memory_space<vmem>>, vector<64x128xf32>
    %convert_element_type3A_904 = arith.extui %eq3A_900 : vector<128x64xi1> to vector<128x64xi32>
    %convert_element_type3A_905 = arith.sitofp %convert_element_type3A_904 : vector<128x64xi32> to vector<128x64xf32>
    %dot_general3A_906 = arith.constant dense<0.000000e+00> : vector<64x64xf32>
    %dot_general3A_907 = tpu.matmul %get3A_903, %convert_element_type3A_905, %dot_general3A_906 {dimension_numbers = #tpu.dot_dimension_numbers<[1], [0], [0], [1], [0, 0, 1, 1], [], []>, transpose_lhs_hint = false} : vector<64x128xf32>, vector<128x64xf32>, vector<64x64xf32> -> vector<64x64xf32>
    %iota3A_908 = tpu.iota {dimensions = array<i32: 1>} : vector<64x64xi32>
    %eq3A_909 = arith.constant 27 : i32
    %eq3A_910 = vector.broadcast %eq3A_909 : i32 to vector<64x64xi32>
    %eq3A_911 = arith.cmpi eq, %iota3A_908, %eq3A_910 : vector<64x64xi32>
    %select_n3A_912 = arith.select %eq3A_911, %dot_general3A_907, %select_n3A_879 : vector<64x64xi1>, vector<64x64xf32>
    %get3A_913 = arith.constant 28 : index
    %get3A_914 = memref.load %arg1[%get3A_913] : memref<64xi32, #tpu.memory_space<smem>>
    %jit3A_915 = arith.constant 128 : i32
    %eq3A_916 = arith.constant 0 : i32
    %eq3A_917 = arith.cmpi eq, %jit3A_915, %eq3A_916 : i32
    %jit3A_918 = arith.constant 1 : i32
    %select_n3A_919 = arith.select %eq3A_917, %jit3A_918, %jit3A_915 : i32
    %rem3A_920 = arith.remsi %get3A_914, %select_n3A_919 : i32
    %ne3A_921 = arith.constant 0 : i32
    %ne3A_922 = arith.cmpi ne, %rem3A_920, %ne3A_921 : i32
    %lt3A_923 = arith.constant 0 : i32
    %lt3A_924 = arith.cmpi slt, %rem3A_920, %lt3A_923 : i32
    %lt3A_925 = arith.constant 0 : i32
    %lt3A_926 = arith.cmpi slt, %select_n3A_919, %lt3A_925 : i32
    %ne3A_927 = arith.xori %lt3A_924, %lt3A_926 : i1
    %and3A_928 = arith.andi %ne3A_927, %ne3A_922 : i1
    %add3A_929 = arith.addi %rem3A_920, %select_n3A_919 : i32
    %select_n3A_930 = arith.select %and3A_928, %add3A_929, %rem3A_920 : i32
    %iota3A_931 = tpu.iota {dimensions = array<i32: 0>} : vector<128x64xi32>
    %eq3A_932 = vector.broadcast %select_n3A_930 : i32 to vector<128x64xi32>
    %eq3A_933 = arith.cmpi eq, %iota3A_931, %eq3A_932 : vector<128x64xi32>
    %get3A_934 = arith.constant 0 : index
    %get3A_935 = arith.constant 0 : index
    %get3A_936 = vector.load %arg30[%get3A_934, %get3A_935] : memref<64x128xf32, #tpu.memory_space<vmem>>, vector<64x128xf32>
    %convert_element_type3A_937 = arith.extui %eq3A_933 : vector<128x64xi1> to vector<128x64xi32>
    %convert_element_type3A_938 = arith.sitofp %convert_element_type3A_937 : vector<128x64xi32> to vector<128x64xf32>
    %dot_general3A_939 = arith.constant dense<0.000000e+00> : vector<64x64xf32>
    %dot_general3A_940 = tpu.matmul %get3A_936, %convert_element_type3A_938, %dot_general3A_939 {dimension_numbers = #tpu.dot_dimension_numbers<[1], [0], [0], [1], [0, 0, 1, 1], [], []>, transpose_lhs_hint = false} : vector<64x128xf32>, vector<128x64xf32>, vector<64x64xf32> -> vector<64x64xf32>
    %iota3A_941 = tpu.iota {dimensions = array<i32: 1>} : vector<64x64xi32>
    %eq3A_942 = arith.constant 28 : i32
    %eq3A_943 = vector.broadcast %eq3A_942 : i32 to vector<64x64xi32>
    %eq3A_944 = arith.cmpi eq, %iota3A_941, %eq3A_943 : vector<64x64xi32>
    %select_n3A_945 = arith.select %eq3A_944, %dot_general3A_940, %select_n3A_912 : vector<64x64xi1>, vector<64x64xf32>
    %get3A_946 = arith.constant 29 : index
    %get3A_947 = memref.load %arg1[%get3A_946] : memref<64xi32, #tpu.memory_space<smem>>
    %jit3A_948 = arith.constant 128 : i32
    %eq3A_949 = arith.constant 0 : i32
    %eq3A_950 = arith.cmpi eq, %jit3A_948, %eq3A_949 : i32
    %jit3A_951 = arith.constant 1 : i32
    %select_n3A_952 = arith.select %eq3A_950, %jit3A_951, %jit3A_948 : i32
    %rem3A_953 = arith.remsi %get3A_947, %select_n3A_952 : i32
    %ne3A_954 = arith.constant 0 : i32
    %ne3A_955 = arith.cmpi ne, %rem3A_953, %ne3A_954 : i32
    %lt3A_956 = arith.constant 0 : i32
    %lt3A_957 = arith.cmpi slt, %rem3A_953, %lt3A_956 : i32
    %lt3A_958 = arith.constant 0 : i32
    %lt3A_959 = arith.cmpi slt, %select_n3A_952, %lt3A_958 : i32
    %ne3A_960 = arith.xori %lt3A_957, %lt3A_959 : i1
    %and3A_961 = arith.andi %ne3A_960, %ne3A_955 : i1
    %add3A_962 = arith.addi %rem3A_953, %select_n3A_952 : i32
    %select_n3A_963 = arith.select %and3A_961, %add3A_962, %rem3A_953 : i32
    %iota3A_964 = tpu.iota {dimensions = array<i32: 0>} : vector<128x64xi32>
    %eq3A_965 = vector.broadcast %select_n3A_963 : i32 to vector<128x64xi32>
    %eq3A_966 = arith.cmpi eq, %iota3A_964, %eq3A_965 : vector<128x64xi32>
    %get3A_967 = arith.constant 0 : index
    %get3A_968 = arith.constant 0 : index
    %get3A_969 = vector.load %arg31[%get3A_967, %get3A_968] : memref<64x128xf32, #tpu.memory_space<vmem>>, vector<64x128xf32>
    %convert_element_type3A_970 = arith.extui %eq3A_966 : vector<128x64xi1> to vector<128x64xi32>
    %convert_element_type3A_971 = arith.sitofp %convert_element_type3A_970 : vector<128x64xi32> to vector<128x64xf32>
    %dot_general3A_972 = arith.constant dense<0.000000e+00> : vector<64x64xf32>
    %dot_general3A_973 = tpu.matmul %get3A_969, %convert_element_type3A_971, %dot_general3A_972 {dimension_numbers = #tpu.dot_dimension_numbers<[1], [0], [0], [1], [0, 0, 1, 1], [], []>, transpose_lhs_hint = false} : vector<64x128xf32>, vector<128x64xf32>, vector<64x64xf32> -> vector<64x64xf32>
    %iota3A_974 = tpu.iota {dimensions = array<i32: 1>} : vector<64x64xi32>
    %eq3A_975 = arith.constant 29 : i32
    %eq3A_976 = vector.broadcast %eq3A_975 : i32 to vector<64x64xi32>
    %eq3A_977 = arith.cmpi eq, %iota3A_974, %eq3A_976 : vector<64x64xi32>
    %select_n3A_978 = arith.select %eq3A_977, %dot_general3A_973, %select_n3A_945 : vector<64x64xi1>, vector<64x64xf32>
    %get3A_979 = arith.constant 30 : index
    %get3A_980 = memref.load %arg1[%get3A_979] : memref<64xi32, #tpu.memory_space<smem>>
    %jit3A_981 = arith.constant 128 : i32
    %eq3A_982 = arith.constant 0 : i32
    %eq3A_983 = arith.cmpi eq, %jit3A_981, %eq3A_982 : i32
    %jit3A_984 = arith.constant 1 : i32
    %select_n3A_985 = arith.select %eq3A_983, %jit3A_984, %jit3A_981 : i32
    %rem3A_986 = arith.remsi %get3A_980, %select_n3A_985 : i32
    %ne3A_987 = arith.constant 0 : i32
    %ne3A_988 = arith.cmpi ne, %rem3A_986, %ne3A_987 : i32
    %lt3A_989 = arith.constant 0 : i32
    %lt3A_990 = arith.cmpi slt, %rem3A_986, %lt3A_989 : i32
    %lt3A_991 = arith.constant 0 : i32
    %lt3A_992 = arith.cmpi slt, %select_n3A_985, %lt3A_991 : i32
    %ne3A_993 = arith.xori %lt3A_990, %lt3A_992 : i1
    %and3A_994 = arith.andi %ne3A_993, %ne3A_988 : i1
    %add3A_995 = arith.addi %rem3A_986, %select_n3A_985 : i32
    %select_n3A_996 = arith.select %and3A_994, %add3A_995, %rem3A_986 : i32
    %iota3A_997 = tpu.iota {dimensions = array<i32: 0>} : vector<128x64xi32>
    %eq3A_998 = vector.broadcast %select_n3A_996 : i32 to vector<128x64xi32>
    %eq3A_999 = arith.cmpi eq, %iota3A_997, %eq3A_998 : vector<128x64xi32>
    %get3A_1000 = arith.constant 0 : index
    %get3A_1001 = arith.constant 0 : index
    %get3A_1002 = vector.load %arg32[%get3A_1000, %get3A_1001] : memref<64x128xf32, #tpu.memory_space<vmem>>, vector<64x128xf32>
    %convert_element_type3A_1003 = arith.extui %eq3A_999 : vector<128x64xi1> to vector<128x64xi32>
    %convert_element_type3A_1004 = arith.sitofp %convert_element_type3A_1003 : vector<128x64xi32> to vector<128x64xf32>
    %dot_general3A_1005 = arith.constant dense<0.000000e+00> : vector<64x64xf32>
    %dot_general3A_1006 = tpu.matmul %get3A_1002, %convert_element_type3A_1004, %dot_general3A_1005 {dimension_numbers = #tpu.dot_dimension_numbers<[1], [0], [0], [1], [0, 0, 1, 1], [], []>, transpose_lhs_hint = false} : vector<64x128xf32>, vector<128x64xf32>, vector<64x64xf32> -> vector<64x64xf32>
    %iota3A_1007 = tpu.iota {dimensions = array<i32: 1>} : vector<64x64xi32>
    %eq3A_1008 = arith.constant 30 : i32
    %eq3A_1009 = vector.broadcast %eq3A_1008 : i32 to vector<64x64xi32>
    %eq3A_1010 = arith.cmpi eq, %iota3A_1007, %eq3A_1009 : vector<64x64xi32>
    %select_n3A_1011 = arith.select %eq3A_1010, %dot_general3A_1006, %select_n3A_978 : vector<64x64xi1>, vector<64x64xf32>
    %get3A_1012 = arith.constant 31 : index
    %get3A_1013 = memref.load %arg1[%get3A_1012] : memref<64xi32, #tpu.memory_space<smem>>
    %jit3A_1014 = arith.constant 128 : i32
    %eq3A_1015 = arith.constant 0 : i32
    %eq3A_1016 = arith.cmpi eq, %jit3A_1014, %eq3A_1015 : i32
    %jit3A_1017 = arith.constant 1 : i32
    %select_n3A_1018 = arith.select %eq3A_1016, %jit3A_1017, %jit3A_1014 : i32
    %rem3A_1019 = arith.remsi %get3A_1013, %select_n3A_1018 : i32
    %ne3A_1020 = arith.constant 0 : i32
    %ne3A_1021 = arith.cmpi ne, %rem3A_1019, %ne3A_1020 : i32
    %lt3A_1022 = arith.constant 0 : i32
    %lt3A_1023 = arith.cmpi slt, %rem3A_1019, %lt3A_1022 : i32
    %lt3A_1024 = arith.constant 0 : i32
    %lt3A_1025 = arith.cmpi slt, %select_n3A_1018, %lt3A_1024 : i32
    %ne3A_1026 = arith.xori %lt3A_1023, %lt3A_1025 : i1
    %and3A_1027 = arith.andi %ne3A_1026, %ne3A_1021 : i1
    %add3A_1028 = arith.addi %rem3A_1019, %select_n3A_1018 : i32
    %select_n3A_1029 = arith.select %and3A_1027, %add3A_1028, %rem3A_1019 : i32
    %iota3A_1030 = tpu.iota {dimensions = array<i32: 0>} : vector<128x64xi32>
    %eq3A_1031 = vector.broadcast %select_n3A_1029 : i32 to vector<128x64xi32>
    %eq3A_1032 = arith.cmpi eq, %iota3A_1030, %eq3A_1031 : vector<128x64xi32>
    %get3A_1033 = arith.constant 0 : index
    %get3A_1034 = arith.constant 0 : index
    %get3A_1035 = vector.load %arg33[%get3A_1033, %get3A_1034] : memref<64x128xf32, #tpu.memory_space<vmem>>, vector<64x128xf32>
    %convert_element_type3A_1036 = arith.extui %eq3A_1032 : vector<128x64xi1> to vector<128x64xi32>
    %convert_element_type3A_1037 = arith.sitofp %convert_element_type3A_1036 : vector<128x64xi32> to vector<128x64xf32>
    %dot_general3A_1038 = arith.constant dense<0.000000e+00> : vector<64x64xf32>
    %dot_general3A_1039 = tpu.matmul %get3A_1035, %convert_element_type3A_1037, %dot_general3A_1038 {dimension_numbers = #tpu.dot_dimension_numbers<[1], [0], [0], [1], [0, 0, 1, 1], [], []>, transpose_lhs_hint = false} : vector<64x128xf32>, vector<128x64xf32>, vector<64x64xf32> -> vector<64x64xf32>
    %iota3A_1040 = tpu.iota {dimensions = array<i32: 1>} : vector<64x64xi32>
    %eq3A_1041 = arith.constant 31 : i32
    %eq3A_1042 = vector.broadcast %eq3A_1041 : i32 to vector<64x64xi32>
    %eq3A_1043 = arith.cmpi eq, %iota3A_1040, %eq3A_1042 : vector<64x64xi32>
    %select_n3A_1044 = arith.select %eq3A_1043, %dot_general3A_1039, %select_n3A_1011 : vector<64x64xi1>, vector<64x64xf32>
    %get3A_1045 = arith.constant 32 : index
    %get3A_1046 = memref.load %arg1[%get3A_1045] : memref<64xi32, #tpu.memory_space<smem>>
    %jit3A_1047 = arith.constant 128 : i32
    %eq3A_1048 = arith.constant 0 : i32
    %eq3A_1049 = arith.cmpi eq, %jit3A_1047, %eq3A_1048 : i32
    %jit3A_1050 = arith.constant 1 : i32
    %select_n3A_1051 = arith.select %eq3A_1049, %jit3A_1050, %jit3A_1047 : i32
    %rem3A_1052 = arith.remsi %get3A_1046, %select_n3A_1051 : i32
    %ne3A_1053 = arith.constant 0 : i32
    %ne3A_1054 = arith.cmpi ne, %rem3A_1052, %ne3A_1053 : i32
    %lt3A_1055 = arith.constant 0 : i32
    %lt3A_1056 = arith.cmpi slt, %rem3A_1052, %lt3A_1055 : i32
    %lt3A_1057 = arith.constant 0 : i32
    %lt3A_1058 = arith.cmpi slt, %select_n3A_1051, %lt3A_1057 : i32
    %ne3A_1059 = arith.xori %lt3A_1056, %lt3A_1058 : i1
    %and3A_1060 = arith.andi %ne3A_1059, %ne3A_1054 : i1
    %add3A_1061 = arith.addi %rem3A_1052, %select_n3A_1051 : i32
    %select_n3A_1062 = arith.select %and3A_1060, %add3A_1061, %rem3A_1052 : i32
    %iota3A_1063 = tpu.iota {dimensions = array<i32: 0>} : vector<128x64xi32>
    %eq3A_1064 = vector.broadcast %select_n3A_1062 : i32 to vector<128x64xi32>
    %eq3A_1065 = arith.cmpi eq, %iota3A_1063, %eq3A_1064 : vector<128x64xi32>
    %get3A_1066 = arith.constant 0 : index
    %get3A_1067 = arith.constant 0 : index
    %get3A_1068 = vector.load %arg34[%get3A_1066, %get3A_1067] : memref<64x128xf32, #tpu.memory_space<vmem>>, vector<64x128xf32>
    %convert_element_type3A_1069 = arith.extui %eq3A_1065 : vector<128x64xi1> to vector<128x64xi32>
    %convert_element_type3A_1070 = arith.sitofp %convert_element_type3A_1069 : vector<128x64xi32> to vector<128x64xf32>
    %dot_general3A_1071 = arith.constant dense<0.000000e+00> : vector<64x64xf32>
    %dot_general3A_1072 = tpu.matmul %get3A_1068, %convert_element_type3A_1070, %dot_general3A_1071 {dimension_numbers = #tpu.dot_dimension_numbers<[1], [0], [0], [1], [0, 0, 1, 1], [], []>, transpose_lhs_hint = false} : vector<64x128xf32>, vector<128x64xf32>, vector<64x64xf32> -> vector<64x64xf32>
    %iota3A_1073 = tpu.iota {dimensions = array<i32: 1>} : vector<64x64xi32>
    %eq3A_1074 = arith.constant 32 : i32
    %eq3A_1075 = vector.broadcast %eq3A_1074 : i32 to vector<64x64xi32>
    %eq3A_1076 = arith.cmpi eq, %iota3A_1073, %eq3A_1075 : vector<64x64xi32>
    %select_n3A_1077 = arith.select %eq3A_1076, %dot_general3A_1072, %select_n3A_1044 : vector<64x64xi1>, vector<64x64xf32>
    %get3A_1078 = arith.constant 33 : index
    %get3A_1079 = memref.load %arg1[%get3A_1078] : memref<64xi32, #tpu.memory_space<smem>>
    %jit3A_1080 = arith.constant 128 : i32
    %eq3A_1081 = arith.constant 0 : i32
    %eq3A_1082 = arith.cmpi eq, %jit3A_1080, %eq3A_1081 : i32
    %jit3A_1083 = arith.constant 1 : i32
    %select_n3A_1084 = arith.select %eq3A_1082, %jit3A_1083, %jit3A_1080 : i32
    %rem3A_1085 = arith.remsi %get3A_1079, %select_n3A_1084 : i32
    %ne3A_1086 = arith.constant 0 : i32
    %ne3A_1087 = arith.cmpi ne, %rem3A_1085, %ne3A_1086 : i32
    %lt3A_1088 = arith.constant 0 : i32
    %lt3A_1089 = arith.cmpi slt, %rem3A_1085, %lt3A_1088 : i32
    %lt3A_1090 = arith.constant 0 : i32
    %lt3A_1091 = arith.cmpi slt, %select_n3A_1084, %lt3A_1090 : i32
    %ne3A_1092 = arith.xori %lt3A_1089, %lt3A_1091 : i1
    %and3A_1093 = arith.andi %ne3A_1092, %ne3A_1087 : i1
    %add3A_1094 = arith.addi %rem3A_1085, %select_n3A_1084 : i32
    %select_n3A_1095 = arith.select %and3A_1093, %add3A_1094, %rem3A_1085 : i32
    %iota3A_1096 = tpu.iota {dimensions = array<i32: 0>} : vector<128x64xi32>
    %eq3A_1097 = vector.broadcast %select_n3A_1095 : i32 to vector<128x64xi32>
    %eq3A_1098 = arith.cmpi eq, %iota3A_1096, %eq3A_1097 : vector<128x64xi32>
    %get3A_1099 = arith.constant 0 : index
    %get3A_1100 = arith.constant 0 : index
    %get3A_1101 = vector.load %arg35[%get3A_1099, %get3A_1100] : memref<64x128xf32, #tpu.memory_space<vmem>>, vector<64x128xf32>
    %convert_element_type3A_1102 = arith.extui %eq3A_1098 : vector<128x64xi1> to vector<128x64xi32>
    %convert_element_type3A_1103 = arith.sitofp %convert_element_type3A_1102 : vector<128x64xi32> to vector<128x64xf32>
    %dot_general3A_1104 = arith.constant dense<0.000000e+00> : vector<64x64xf32>
    %dot_general3A_1105 = tpu.matmul %get3A_1101, %convert_element_type3A_1103, %dot_general3A_1104 {dimension_numbers = #tpu.dot_dimension_numbers<[1], [0], [0], [1], [0, 0, 1, 1], [], []>, transpose_lhs_hint = false} : vector<64x128xf32>, vector<128x64xf32>, vector<64x64xf32> -> vector<64x64xf32>
    %iota3A_1106 = tpu.iota {dimensions = array<i32: 1>} : vector<64x64xi32>
    %eq3A_1107 = arith.constant 33 : i32
    %eq3A_1108 = vector.broadcast %eq3A_1107 : i32 to vector<64x64xi32>
    %eq3A_1109 = arith.cmpi eq, %iota3A_1106, %eq3A_1108 : vector<64x64xi32>
    %select_n3A_1110 = arith.select %eq3A_1109, %dot_general3A_1105, %select_n3A_1077 : vector<64x64xi1>, vector<64x64xf32>
    %get3A_1111 = arith.constant 34 : index
    %get3A_1112 = memref.load %arg1[%get3A_1111] : memref<64xi32, #tpu.memory_space<smem>>
    %jit3A_1113 = arith.constant 128 : i32
    %eq3A_1114 = arith.constant 0 : i32
    %eq3A_1115 = arith.cmpi eq, %jit3A_1113, %eq3A_1114 : i32
    %jit3A_1116 = arith.constant 1 : i32
    %select_n3A_1117 = arith.select %eq3A_1115, %jit3A_1116, %jit3A_1113 : i32
    %rem3A_1118 = arith.remsi %get3A_1112, %select_n3A_1117 : i32
    %ne3A_1119 = arith.constant 0 : i32
    %ne3A_1120 = arith.cmpi ne, %rem3A_1118, %ne3A_1119 : i32
    %lt3A_1121 = arith.constant 0 : i32
    %lt3A_1122 = arith.cmpi slt, %rem3A_1118, %lt3A_1121 : i32
    %lt3A_1123 = arith.constant 0 : i32
    %lt3A_1124 = arith.cmpi slt, %select_n3A_1117, %lt3A_1123 : i32
    %ne3A_1125 = arith.xori %lt3A_1122, %lt3A_1124 : i1
    %and3A_1126 = arith.andi %ne3A_1125, %ne3A_1120 : i1
    %add3A_1127 = arith.addi %rem3A_1118, %select_n3A_1117 : i32
    %select_n3A_1128 = arith.select %and3A_1126, %add3A_1127, %rem3A_1118 : i32
    %iota3A_1129 = tpu.iota {dimensions = array<i32: 0>} : vector<128x64xi32>
    %eq3A_1130 = vector.broadcast %select_n3A_1128 : i32 to vector<128x64xi32>
    %eq3A_1131 = arith.cmpi eq, %iota3A_1129, %eq3A_1130 : vector<128x64xi32>
    %get3A_1132 = arith.constant 0 : index
    %get3A_1133 = arith.constant 0 : index
    %get3A_1134 = vector.load %arg36[%get3A_1132, %get3A_1133] : memref<64x128xf32, #tpu.memory_space<vmem>>, vector<64x128xf32>
    %convert_element_type3A_1135 = arith.extui %eq3A_1131 : vector<128x64xi1> to vector<128x64xi32>
    %convert_element_type3A_1136 = arith.sitofp %convert_element_type3A_1135 : vector<128x64xi32> to vector<128x64xf32>
    %dot_general3A_1137 = arith.constant dense<0.000000e+00> : vector<64x64xf32>
    %dot_general3A_1138 = tpu.matmul %get3A_1134, %convert_element_type3A_1136, %dot_general3A_1137 {dimension_numbers = #tpu.dot_dimension_numbers<[1], [0], [0], [1], [0, 0, 1, 1], [], []>, transpose_lhs_hint = false} : vector<64x128xf32>, vector<128x64xf32>, vector<64x64xf32> -> vector<64x64xf32>
    %iota3A_1139 = tpu.iota {dimensions = array<i32: 1>} : vector<64x64xi32>
    %eq3A_1140 = arith.constant 34 : i32
    %eq3A_1141 = vector.broadcast %eq3A_1140 : i32 to vector<64x64xi32>
    %eq3A_1142 = arith.cmpi eq, %iota3A_1139, %eq3A_1141 : vector<64x64xi32>
    %select_n3A_1143 = arith.select %eq3A_1142, %dot_general3A_1138, %select_n3A_1110 : vector<64x64xi1>, vector<64x64xf32>
    %get3A_1144 = arith.constant 35 : index
    %get3A_1145 = memref.load %arg1[%get3A_1144] : memref<64xi32, #tpu.memory_space<smem>>
    %jit3A_1146 = arith.constant 128 : i32
    %eq3A_1147 = arith.constant 0 : i32
    %eq3A_1148 = arith.cmpi eq, %jit3A_1146, %eq3A_1147 : i32
    %jit3A_1149 = arith.constant 1 : i32
    %select_n3A_1150 = arith.select %eq3A_1148, %jit3A_1149, %jit3A_1146 : i32
    %rem3A_1151 = arith.remsi %get3A_1145, %select_n3A_1150 : i32
    %ne3A_1152 = arith.constant 0 : i32
    %ne3A_1153 = arith.cmpi ne, %rem3A_1151, %ne3A_1152 : i32
    %lt3A_1154 = arith.constant 0 : i32
    %lt3A_1155 = arith.cmpi slt, %rem3A_1151, %lt3A_1154 : i32
    %lt3A_1156 = arith.constant 0 : i32
    %lt3A_1157 = arith.cmpi slt, %select_n3A_1150, %lt3A_1156 : i32
    %ne3A_1158 = arith.xori %lt3A_1155, %lt3A_1157 : i1
    %and3A_1159 = arith.andi %ne3A_1158, %ne3A_1153 : i1
    %add3A_1160 = arith.addi %rem3A_1151, %select_n3A_1150 : i32
    %select_n3A_1161 = arith.select %and3A_1159, %add3A_1160, %rem3A_1151 : i32
    %iota3A_1162 = tpu.iota {dimensions = array<i32: 0>} : vector<128x64xi32>
    %eq3A_1163 = vector.broadcast %select_n3A_1161 : i32 to vector<128x64xi32>
    %eq3A_1164 = arith.cmpi eq, %iota3A_1162, %eq3A_1163 : vector<128x64xi32>
    %get3A_1165 = arith.constant 0 : index
    %get3A_1166 = arith.constant 0 : index
    %get3A_1167 = vector.load %arg37[%get3A_1165, %get3A_1166] : memref<64x128xf32, #tpu.memory_space<vmem>>, vector<64x128xf32>
    %convert_element_type3A_1168 = arith.extui %eq3A_1164 : vector<128x64xi1> to vector<128x64xi32>
    %convert_element_type3A_1169 = arith.sitofp %convert_element_type3A_1168 : vector<128x64xi32> to vector<128x64xf32>
    %dot_general3A_1170 = arith.constant dense<0.000000e+00> : vector<64x64xf32>
    %dot_general3A_1171 = tpu.matmul %get3A_1167, %convert_element_type3A_1169, %dot_general3A_1170 {dimension_numbers = #tpu.dot_dimension_numbers<[1], [0], [0], [1], [0, 0, 1, 1], [], []>, transpose_lhs_hint = false} : vector<64x128xf32>, vector<128x64xf32>, vector<64x64xf32> -> vector<64x64xf32>
    %iota3A_1172 = tpu.iota {dimensions = array<i32: 1>} : vector<64x64xi32>
    %eq3A_1173 = arith.constant 35 : i32
    %eq3A_1174 = vector.broadcast %eq3A_1173 : i32 to vector<64x64xi32>
    %eq3A_1175 = arith.cmpi eq, %iota3A_1172, %eq3A_1174 : vector<64x64xi32>
    %select_n3A_1176 = arith.select %eq3A_1175, %dot_general3A_1171, %select_n3A_1143 : vector<64x64xi1>, vector<64x64xf32>
    %get3A_1177 = arith.constant 36 : index
    %get3A_1178 = memref.load %arg1[%get3A_1177] : memref<64xi32, #tpu.memory_space<smem>>
    %jit3A_1179 = arith.constant 128 : i32
    %eq3A_1180 = arith.constant 0 : i32
    %eq3A_1181 = arith.cmpi eq, %jit3A_1179, %eq3A_1180 : i32
    %jit3A_1182 = arith.constant 1 : i32
    %select_n3A_1183 = arith.select %eq3A_1181, %jit3A_1182, %jit3A_1179 : i32
    %rem3A_1184 = arith.remsi %get3A_1178, %select_n3A_1183 : i32
    %ne3A_1185 = arith.constant 0 : i32
    %ne3A_1186 = arith.cmpi ne, %rem3A_1184, %ne3A_1185 : i32
    %lt3A_1187 = arith.constant 0 : i32
    %lt3A_1188 = arith.cmpi slt, %rem3A_1184, %lt3A_1187 : i32
    %lt3A_1189 = arith.constant 0 : i32
    %lt3A_1190 = arith.cmpi slt, %select_n3A_1183, %lt3A_1189 : i32
    %ne3A_1191 = arith.xori %lt3A_1188, %lt3A_1190 : i1
    %and3A_1192 = arith.andi %ne3A_1191, %ne3A_1186 : i1
    %add3A_1193 = arith.addi %rem3A_1184, %select_n3A_1183 : i32
    %select_n3A_1194 = arith.select %and3A_1192, %add3A_1193, %rem3A_1184 : i32
    %iota3A_1195 = tpu.iota {dimensions = array<i32: 0>} : vector<128x64xi32>
    %eq3A_1196 = vector.broadcast %select_n3A_1194 : i32 to vector<128x64xi32>
    %eq3A_1197 = arith.cmpi eq, %iota3A_1195, %eq3A_1196 : vector<128x64xi32>
    %get3A_1198 = arith.constant 0 : index
    %get3A_1199 = arith.constant 0 : index
    %get3A_1200 = vector.load %arg38[%get3A_1198, %get3A_1199] : memref<64x128xf32, #tpu.memory_space<vmem>>, vector<64x128xf32>
    %convert_element_type3A_1201 = arith.extui %eq3A_1197 : vector<128x64xi1> to vector<128x64xi32>
    %convert_element_type3A_1202 = arith.sitofp %convert_element_type3A_1201 : vector<128x64xi32> to vector<128x64xf32>
    %dot_general3A_1203 = arith.constant dense<0.000000e+00> : vector<64x64xf32>
    %dot_general3A_1204 = tpu.matmul %get3A_1200, %convert_element_type3A_1202, %dot_general3A_1203 {dimension_numbers = #tpu.dot_dimension_numbers<[1], [0], [0], [1], [0, 0, 1, 1], [], []>, transpose_lhs_hint = false} : vector<64x128xf32>, vector<128x64xf32>, vector<64x64xf32> -> vector<64x64xf32>
    %iota3A_1205 = tpu.iota {dimensions = array<i32: 1>} : vector<64x64xi32>
    %eq3A_1206 = arith.constant 36 : i32
    %eq3A_1207 = vector.broadcast %eq3A_1206 : i32 to vector<64x64xi32>
    %eq3A_1208 = arith.cmpi eq, %iota3A_1205, %eq3A_1207 : vector<64x64xi32>
    %select_n3A_1209 = arith.select %eq3A_1208, %dot_general3A_1204, %select_n3A_1176 : vector<64x64xi1>, vector<64x64xf32>
    %get3A_1210 = arith.constant 37 : index
    %get3A_1211 = memref.load %arg1[%get3A_1210] : memref<64xi32, #tpu.memory_space<smem>>
    %jit3A_1212 = arith.constant 128 : i32
    %eq3A_1213 = arith.constant 0 : i32
    %eq3A_1214 = arith.cmpi eq, %jit3A_1212, %eq3A_1213 : i32
    %jit3A_1215 = arith.constant 1 : i32
    %select_n3A_1216 = arith.select %eq3A_1214, %jit3A_1215, %jit3A_1212 : i32
    %rem3A_1217 = arith.remsi %get3A_1211, %select_n3A_1216 : i32
    %ne3A_1218 = arith.constant 0 : i32
    %ne3A_1219 = arith.cmpi ne, %rem3A_1217, %ne3A_1218 : i32
    %lt3A_1220 = arith.constant 0 : i32
    %lt3A_1221 = arith.cmpi slt, %rem3A_1217, %lt3A_1220 : i32
    %lt3A_1222 = arith.constant 0 : i32
    %lt3A_1223 = arith.cmpi slt, %select_n3A_1216, %lt3A_1222 : i32
    %ne3A_1224 = arith.xori %lt3A_1221, %lt3A_1223 : i1
    %and3A_1225 = arith.andi %ne3A_1224, %ne3A_1219 : i1
    %add3A_1226 = arith.addi %rem3A_1217, %select_n3A_1216 : i32
    %select_n3A_1227 = arith.select %and3A_1225, %add3A_1226, %rem3A_1217 : i32
    %iota3A_1228 = tpu.iota {dimensions = array<i32: 0>} : vector<128x64xi32>
    %eq3A_1229 = vector.broadcast %select_n3A_1227 : i32 to vector<128x64xi32>
    %eq3A_1230 = arith.cmpi eq, %iota3A_1228, %eq3A_1229 : vector<128x64xi32>
    %get3A_1231 = arith.constant 0 : index
    %get3A_1232 = arith.constant 0 : index
    %get3A_1233 = vector.load %arg39[%get3A_1231, %get3A_1232] : memref<64x128xf32, #tpu.memory_space<vmem>>, vector<64x128xf32>
    %convert_element_type3A_1234 = arith.extui %eq3A_1230 : vector<128x64xi1> to vector<128x64xi32>
    %convert_element_type3A_1235 = arith.sitofp %convert_element_type3A_1234 : vector<128x64xi32> to vector<128x64xf32>
    %dot_general3A_1236 = arith.constant dense<0.000000e+00> : vector<64x64xf32>
    %dot_general3A_1237 = tpu.matmul %get3A_1233, %convert_element_type3A_1235, %dot_general3A_1236 {dimension_numbers = #tpu.dot_dimension_numbers<[1], [0], [0], [1], [0, 0, 1, 1], [], []>, transpose_lhs_hint = false} : vector<64x128xf32>, vector<128x64xf32>, vector<64x64xf32> -> vector<64x64xf32>
    %iota3A_1238 = tpu.iota {dimensions = array<i32: 1>} : vector<64x64xi32>
    %eq3A_1239 = arith.constant 37 : i32
    %eq3A_1240 = vector.broadcast %eq3A_1239 : i32 to vector<64x64xi32>
    %eq3A_1241 = arith.cmpi eq, %iota3A_1238, %eq3A_1240 : vector<64x64xi32>
    %select_n3A_1242 = arith.select %eq3A_1241, %dot_general3A_1237, %select_n3A_1209 : vector<64x64xi1>, vector<64x64xf32>
    %get3A_1243 = arith.constant 38 : index
    %get3A_1244 = memref.load %arg1[%get3A_1243] : memref<64xi32, #tpu.memory_space<smem>>
    %jit3A_1245 = arith.constant 128 : i32
    %eq3A_1246 = arith.constant 0 : i32
    %eq3A_1247 = arith.cmpi eq, %jit3A_1245, %eq3A_1246 : i32
    %jit3A_1248 = arith.constant 1 : i32
    %select_n3A_1249 = arith.select %eq3A_1247, %jit3A_1248, %jit3A_1245 : i32
    %rem3A_1250 = arith.remsi %get3A_1244, %select_n3A_1249 : i32
    %ne3A_1251 = arith.constant 0 : i32
    %ne3A_1252 = arith.cmpi ne, %rem3A_1250, %ne3A_1251 : i32
    %lt3A_1253 = arith.constant 0 : i32
    %lt3A_1254 = arith.cmpi slt, %rem3A_1250, %lt3A_1253 : i32
    %lt3A_1255 = arith.constant 0 : i32
    %lt3A_1256 = arith.cmpi slt, %select_n3A_1249, %lt3A_1255 : i32
    %ne3A_1257 = arith.xori %lt3A_1254, %lt3A_1256 : i1
    %and3A_1258 = arith.andi %ne3A_1257, %ne3A_1252 : i1
    %add3A_1259 = arith.addi %rem3A_1250, %select_n3A_1249 : i32
    %select_n3A_1260 = arith.select %and3A_1258, %add3A_1259, %rem3A_1250 : i32
    %iota3A_1261 = tpu.iota {dimensions = array<i32: 0>} : vector<128x64xi32>
    %eq3A_1262 = vector.broadcast %select_n3A_1260 : i32 to vector<128x64xi32>
    %eq3A_1263 = arith.cmpi eq, %iota3A_1261, %eq3A_1262 : vector<128x64xi32>
    %get3A_1264 = arith.constant 0 : index
    %get3A_1265 = arith.constant 0 : index
    %get3A_1266 = vector.load %arg40[%get3A_1264, %get3A_1265] : memref<64x128xf32, #tpu.memory_space<vmem>>, vector<64x128xf32>
    %convert_element_type3A_1267 = arith.extui %eq3A_1263 : vector<128x64xi1> to vector<128x64xi32>
    %convert_element_type3A_1268 = arith.sitofp %convert_element_type3A_1267 : vector<128x64xi32> to vector<128x64xf32>
    %dot_general3A_1269 = arith.constant dense<0.000000e+00> : vector<64x64xf32>
    %dot_general3A_1270 = tpu.matmul %get3A_1266, %convert_element_type3A_1268, %dot_general3A_1269 {dimension_numbers = #tpu.dot_dimension_numbers<[1], [0], [0], [1], [0, 0, 1, 1], [], []>, transpose_lhs_hint = false} : vector<64x128xf32>, vector<128x64xf32>, vector<64x64xf32> -> vector<64x64xf32>
    %iota3A_1271 = tpu.iota {dimensions = array<i32: 1>} : vector<64x64xi32>
    %eq3A_1272 = arith.constant 38 : i32
    %eq3A_1273 = vector.broadcast %eq3A_1272 : i32 to vector<64x64xi32>
    %eq3A_1274 = arith.cmpi eq, %iota3A_1271, %eq3A_1273 : vector<64x64xi32>
    %select_n3A_1275 = arith.select %eq3A_1274, %dot_general3A_1270, %select_n3A_1242 : vector<64x64xi1>, vector<64x64xf32>
    %get3A_1276 = arith.constant 39 : index
    %get3A_1277 = memref.load %arg1[%get3A_1276] : memref<64xi32, #tpu.memory_space<smem>>
    %jit3A_1278 = arith.constant 128 : i32
    %eq3A_1279 = arith.constant 0 : i32
    %eq3A_1280 = arith.cmpi eq, %jit3A_1278, %eq3A_1279 : i32
    %jit3A_1281 = arith.constant 1 : i32
    %select_n3A_1282 = arith.select %eq3A_1280, %jit3A_1281, %jit3A_1278 : i32
    %rem3A_1283 = arith.remsi %get3A_1277, %select_n3A_1282 : i32
    %ne3A_1284 = arith.constant 0 : i32
    %ne3A_1285 = arith.cmpi ne, %rem3A_1283, %ne3A_1284 : i32
    %lt3A_1286 = arith.constant 0 : i32
    %lt3A_1287 = arith.cmpi slt, %rem3A_1283, %lt3A_1286 : i32
    %lt3A_1288 = arith.constant 0 : i32
    %lt3A_1289 = arith.cmpi slt, %select_n3A_1282, %lt3A_1288 : i32
    %ne3A_1290 = arith.xori %lt3A_1287, %lt3A_1289 : i1
    %and3A_1291 = arith.andi %ne3A_1290, %ne3A_1285 : i1
    %add3A_1292 = arith.addi %rem3A_1283, %select_n3A_1282 : i32
    %select_n3A_1293 = arith.select %and3A_1291, %add3A_1292, %rem3A_1283 : i32
    %iota3A_1294 = tpu.iota {dimensions = array<i32: 0>} : vector<128x64xi32>
    %eq3A_1295 = vector.broadcast %select_n3A_1293 : i32 to vector<128x64xi32>
    %eq3A_1296 = arith.cmpi eq, %iota3A_1294, %eq3A_1295 : vector<128x64xi32>
    %get3A_1297 = arith.constant 0 : index
    %get3A_1298 = arith.constant 0 : index
    %get3A_1299 = vector.load %arg41[%get3A_1297, %get3A_1298] : memref<64x128xf32, #tpu.memory_space<vmem>>, vector<64x128xf32>
    %convert_element_type3A_1300 = arith.extui %eq3A_1296 : vector<128x64xi1> to vector<128x64xi32>
    %convert_element_type3A_1301 = arith.sitofp %convert_element_type3A_1300 : vector<128x64xi32> to vector<128x64xf32>
    %dot_general3A_1302 = arith.constant dense<0.000000e+00> : vector<64x64xf32>
    %dot_general3A_1303 = tpu.matmul %get3A_1299, %convert_element_type3A_1301, %dot_general3A_1302 {dimension_numbers = #tpu.dot_dimension_numbers<[1], [0], [0], [1], [0, 0, 1, 1], [], []>, transpose_lhs_hint = false} : vector<64x128xf32>, vector<128x64xf32>, vector<64x64xf32> -> vector<64x64xf32>
    %iota3A_1304 = tpu.iota {dimensions = array<i32: 1>} : vector<64x64xi32>
    %eq3A_1305 = arith.constant 39 : i32
    %eq3A_1306 = vector.broadcast %eq3A_1305 : i32 to vector<64x64xi32>
    %eq3A_1307 = arith.cmpi eq, %iota3A_1304, %eq3A_1306 : vector<64x64xi32>
    %select_n3A_1308 = arith.select %eq3A_1307, %dot_general3A_1303, %select_n3A_1275 : vector<64x64xi1>, vector<64x64xf32>
    %get3A_1309 = arith.constant 40 : index
    %get3A_1310 = memref.load %arg1[%get3A_1309] : memref<64xi32, #tpu.memory_space<smem>>
    %jit3A_1311 = arith.constant 128 : i32
    %eq3A_1312 = arith.constant 0 : i32
    %eq3A_1313 = arith.cmpi eq, %jit3A_1311, %eq3A_1312 : i32
    %jit3A_1314 = arith.constant 1 : i32
    %select_n3A_1315 = arith.select %eq3A_1313, %jit3A_1314, %jit3A_1311 : i32
    %rem3A_1316 = arith.remsi %get3A_1310, %select_n3A_1315 : i32
    %ne3A_1317 = arith.constant 0 : i32
    %ne3A_1318 = arith.cmpi ne, %rem3A_1316, %ne3A_1317 : i32
    %lt3A_1319 = arith.constant 0 : i32
    %lt3A_1320 = arith.cmpi slt, %rem3A_1316, %lt3A_1319 : i32
    %lt3A_1321 = arith.constant 0 : i32
    %lt3A_1322 = arith.cmpi slt, %select_n3A_1315, %lt3A_1321 : i32
    %ne3A_1323 = arith.xori %lt3A_1320, %lt3A_1322 : i1
    %and3A_1324 = arith.andi %ne3A_1323, %ne3A_1318 : i1
    %add3A_1325 = arith.addi %rem3A_1316, %select_n3A_1315 : i32
    %select_n3A_1326 = arith.select %and3A_1324, %add3A_1325, %rem3A_1316 : i32
    %iota3A_1327 = tpu.iota {dimensions = array<i32: 0>} : vector<128x64xi32>
    %eq3A_1328 = vector.broadcast %select_n3A_1326 : i32 to vector<128x64xi32>
    %eq3A_1329 = arith.cmpi eq, %iota3A_1327, %eq3A_1328 : vector<128x64xi32>
    %get3A_1330 = arith.constant 0 : index
    %get3A_1331 = arith.constant 0 : index
    %get3A_1332 = vector.load %arg42[%get3A_1330, %get3A_1331] : memref<64x128xf32, #tpu.memory_space<vmem>>, vector<64x128xf32>
    %convert_element_type3A_1333 = arith.extui %eq3A_1329 : vector<128x64xi1> to vector<128x64xi32>
    %convert_element_type3A_1334 = arith.sitofp %convert_element_type3A_1333 : vector<128x64xi32> to vector<128x64xf32>
    %dot_general3A_1335 = arith.constant dense<0.000000e+00> : vector<64x64xf32>
    %dot_general3A_1336 = tpu.matmul %get3A_1332, %convert_element_type3A_1334, %dot_general3A_1335 {dimension_numbers = #tpu.dot_dimension_numbers<[1], [0], [0], [1], [0, 0, 1, 1], [], []>, transpose_lhs_hint = false} : vector<64x128xf32>, vector<128x64xf32>, vector<64x64xf32> -> vector<64x64xf32>
    %iota3A_1337 = tpu.iota {dimensions = array<i32: 1>} : vector<64x64xi32>
    %eq3A_1338 = arith.constant 40 : i32
    %eq3A_1339 = vector.broadcast %eq3A_1338 : i32 to vector<64x64xi32>
    %eq3A_1340 = arith.cmpi eq, %iota3A_1337, %eq3A_1339 : vector<64x64xi32>
    %select_n3A_1341 = arith.select %eq3A_1340, %dot_general3A_1336, %select_n3A_1308 : vector<64x64xi1>, vector<64x64xf32>
    %get3A_1342 = arith.constant 41 : index
    %get3A_1343 = memref.load %arg1[%get3A_1342] : memref<64xi32, #tpu.memory_space<smem>>
    %jit3A_1344 = arith.constant 128 : i32
    %eq3A_1345 = arith.constant 0 : i32
    %eq3A_1346 = arith.cmpi eq, %jit3A_1344, %eq3A_1345 : i32
    %jit3A_1347 = arith.constant 1 : i32
    %select_n3A_1348 = arith.select %eq3A_1346, %jit3A_1347, %jit3A_1344 : i32
    %rem3A_1349 = arith.remsi %get3A_1343, %select_n3A_1348 : i32
    %ne3A_1350 = arith.constant 0 : i32
    %ne3A_1351 = arith.cmpi ne, %rem3A_1349, %ne3A_1350 : i32
    %lt3A_1352 = arith.constant 0 : i32
    %lt3A_1353 = arith.cmpi slt, %rem3A_1349, %lt3A_1352 : i32
    %lt3A_1354 = arith.constant 0 : i32
    %lt3A_1355 = arith.cmpi slt, %select_n3A_1348, %lt3A_1354 : i32
    %ne3A_1356 = arith.xori %lt3A_1353, %lt3A_1355 : i1
    %and3A_1357 = arith.andi %ne3A_1356, %ne3A_1351 : i1
    %add3A_1358 = arith.addi %rem3A_1349, %select_n3A_1348 : i32
    %select_n3A_1359 = arith.select %and3A_1357, %add3A_1358, %rem3A_1349 : i32
    %iota3A_1360 = tpu.iota {dimensions = array<i32: 0>} : vector<128x64xi32>
    %eq3A_1361 = vector.broadcast %select_n3A_1359 : i32 to vector<128x64xi32>
    %eq3A_1362 = arith.cmpi eq, %iota3A_1360, %eq3A_1361 : vector<128x64xi32>
    %get3A_1363 = arith.constant 0 : index
    %get3A_1364 = arith.constant 0 : index
    %get3A_1365 = vector.load %arg43[%get3A_1363, %get3A_1364] : memref<64x128xf32, #tpu.memory_space<vmem>>, vector<64x128xf32>
    %convert_element_type3A_1366 = arith.extui %eq3A_1362 : vector<128x64xi1> to vector<128x64xi32>
    %convert_element_type3A_1367 = arith.sitofp %convert_element_type3A_1366 : vector<128x64xi32> to vector<128x64xf32>
    %dot_general3A_1368 = arith.constant dense<0.000000e+00> : vector<64x64xf32>
    %dot_general3A_1369 = tpu.matmul %get3A_1365, %convert_element_type3A_1367, %dot_general3A_1368 {dimension_numbers = #tpu.dot_dimension_numbers<[1], [0], [0], [1], [0, 0, 1, 1], [], []>, transpose_lhs_hint = false} : vector<64x128xf32>, vector<128x64xf32>, vector<64x64xf32> -> vector<64x64xf32>
    %iota3A_1370 = tpu.iota {dimensions = array<i32: 1>} : vector<64x64xi32>
    %eq3A_1371 = arith.constant 41 : i32
    %eq3A_1372 = vector.broadcast %eq3A_1371 : i32 to vector<64x64xi32>
    %eq3A_1373 = arith.cmpi eq, %iota3A_1370, %eq3A_1372 : vector<64x64xi32>
    %select_n3A_1374 = arith.select %eq3A_1373, %dot_general3A_1369, %select_n3A_1341 : vector<64x64xi1>, vector<64x64xf32>
    %get3A_1375 = arith.constant 42 : index
    %get3A_1376 = memref.load %arg1[%get3A_1375] : memref<64xi32, #tpu.memory_space<smem>>
    %jit3A_1377 = arith.constant 128 : i32
    %eq3A_1378 = arith.constant 0 : i32
    %eq3A_1379 = arith.cmpi eq, %jit3A_1377, %eq3A_1378 : i32
    %jit3A_1380 = arith.constant 1 : i32
    %select_n3A_1381 = arith.select %eq3A_1379, %jit3A_1380, %jit3A_1377 : i32
    %rem3A_1382 = arith.remsi %get3A_1376, %select_n3A_1381 : i32
    %ne3A_1383 = arith.constant 0 : i32
    %ne3A_1384 = arith.cmpi ne, %rem3A_1382, %ne3A_1383 : i32
    %lt3A_1385 = arith.constant 0 : i32
    %lt3A_1386 = arith.cmpi slt, %rem3A_1382, %lt3A_1385 : i32
    %lt3A_1387 = arith.constant 0 : i32
    %lt3A_1388 = arith.cmpi slt, %select_n3A_1381, %lt3A_1387 : i32
    %ne3A_1389 = arith.xori %lt3A_1386, %lt3A_1388 : i1
    %and3A_1390 = arith.andi %ne3A_1389, %ne3A_1384 : i1
    %add3A_1391 = arith.addi %rem3A_1382, %select_n3A_1381 : i32
    %select_n3A_1392 = arith.select %and3A_1390, %add3A_1391, %rem3A_1382 : i32
    %iota3A_1393 = tpu.iota {dimensions = array<i32: 0>} : vector<128x64xi32>
    %eq3A_1394 = vector.broadcast %select_n3A_1392 : i32 to vector<128x64xi32>
    %eq3A_1395 = arith.cmpi eq, %iota3A_1393, %eq3A_1394 : vector<128x64xi32>
    %get3A_1396 = arith.constant 0 : index
    %get3A_1397 = arith.constant 0 : index
    %get3A_1398 = vector.load %arg44[%get3A_1396, %get3A_1397] : memref<64x128xf32, #tpu.memory_space<vmem>>, vector<64x128xf32>
    %convert_element_type3A_1399 = arith.extui %eq3A_1395 : vector<128x64xi1> to vector<128x64xi32>
    %convert_element_type3A_1400 = arith.sitofp %convert_element_type3A_1399 : vector<128x64xi32> to vector<128x64xf32>
    %dot_general3A_1401 = arith.constant dense<0.000000e+00> : vector<64x64xf32>
    %dot_general3A_1402 = tpu.matmul %get3A_1398, %convert_element_type3A_1400, %dot_general3A_1401 {dimension_numbers = #tpu.dot_dimension_numbers<[1], [0], [0], [1], [0, 0, 1, 1], [], []>, transpose_lhs_hint = false} : vector<64x128xf32>, vector<128x64xf32>, vector<64x64xf32> -> vector<64x64xf32>
    %iota3A_1403 = tpu.iota {dimensions = array<i32: 1>} : vector<64x64xi32>
    %eq3A_1404 = arith.constant 42 : i32
    %eq3A_1405 = vector.broadcast %eq3A_1404 : i32 to vector<64x64xi32>
    %eq3A_1406 = arith.cmpi eq, %iota3A_1403, %eq3A_1405 : vector<64x64xi32>
    %select_n3A_1407 = arith.select %eq3A_1406, %dot_general3A_1402, %select_n3A_1374 : vector<64x64xi1>, vector<64x64xf32>
    %get3A_1408 = arith.constant 43 : index
    %get3A_1409 = memref.load %arg1[%get3A_1408] : memref<64xi32, #tpu.memory_space<smem>>
    %jit3A_1410 = arith.constant 128 : i32
    %eq3A_1411 = arith.constant 0 : i32
    %eq3A_1412 = arith.cmpi eq, %jit3A_1410, %eq3A_1411 : i32
    %jit3A_1413 = arith.constant 1 : i32
    %select_n3A_1414 = arith.select %eq3A_1412, %jit3A_1413, %jit3A_1410 : i32
    %rem3A_1415 = arith.remsi %get3A_1409, %select_n3A_1414 : i32
    %ne3A_1416 = arith.constant 0 : i32
    %ne3A_1417 = arith.cmpi ne, %rem3A_1415, %ne3A_1416 : i32
    %lt3A_1418 = arith.constant 0 : i32
    %lt3A_1419 = arith.cmpi slt, %rem3A_1415, %lt3A_1418 : i32
    %lt3A_1420 = arith.constant 0 : i32
    %lt3A_1421 = arith.cmpi slt, %select_n3A_1414, %lt3A_1420 : i32
    %ne3A_1422 = arith.xori %lt3A_1419, %lt3A_1421 : i1
    %and3A_1423 = arith.andi %ne3A_1422, %ne3A_1417 : i1
    %add3A_1424 = arith.addi %rem3A_1415, %select_n3A_1414 : i32
    %select_n3A_1425 = arith.select %and3A_1423, %add3A_1424, %rem3A_1415 : i32
    %iota3A_1426 = tpu.iota {dimensions = array<i32: 0>} : vector<128x64xi32>
    %eq3A_1427 = vector.broadcast %select_n3A_1425 : i32 to vector<128x64xi32>
    %eq3A_1428 = arith.cmpi eq, %iota3A_1426, %eq3A_1427 : vector<128x64xi32>
    %get3A_1429 = arith.constant 0 : index
    %get3A_1430 = arith.constant 0 : index
    %get3A_1431 = vector.load %arg45[%get3A_1429, %get3A_1430] : memref<64x128xf32, #tpu.memory_space<vmem>>, vector<64x128xf32>
    %convert_element_type3A_1432 = arith.extui %eq3A_1428 : vector<128x64xi1> to vector<128x64xi32>
    %convert_element_type3A_1433 = arith.sitofp %convert_element_type3A_1432 : vector<128x64xi32> to vector<128x64xf32>
    %dot_general3A_1434 = arith.constant dense<0.000000e+00> : vector<64x64xf32>
    %dot_general3A_1435 = tpu.matmul %get3A_1431, %convert_element_type3A_1433, %dot_general3A_1434 {dimension_numbers = #tpu.dot_dimension_numbers<[1], [0], [0], [1], [0, 0, 1, 1], [], []>, transpose_lhs_hint = false} : vector<64x128xf32>, vector<128x64xf32>, vector<64x64xf32> -> vector<64x64xf32>
    %iota3A_1436 = tpu.iota {dimensions = array<i32: 1>} : vector<64x64xi32>
    %eq3A_1437 = arith.constant 43 : i32
    %eq3A_1438 = vector.broadcast %eq3A_1437 : i32 to vector<64x64xi32>
    %eq3A_1439 = arith.cmpi eq, %iota3A_1436, %eq3A_1438 : vector<64x64xi32>
    %select_n3A_1440 = arith.select %eq3A_1439, %dot_general3A_1435, %select_n3A_1407 : vector<64x64xi1>, vector<64x64xf32>
    %get3A_1441 = arith.constant 44 : index
    %get3A_1442 = memref.load %arg1[%get3A_1441] : memref<64xi32, #tpu.memory_space<smem>>
    %jit3A_1443 = arith.constant 128 : i32
    %eq3A_1444 = arith.constant 0 : i32
    %eq3A_1445 = arith.cmpi eq, %jit3A_1443, %eq3A_1444 : i32
    %jit3A_1446 = arith.constant 1 : i32
    %select_n3A_1447 = arith.select %eq3A_1445, %jit3A_1446, %jit3A_1443 : i32
    %rem3A_1448 = arith.remsi %get3A_1442, %select_n3A_1447 : i32
    %ne3A_1449 = arith.constant 0 : i32
    %ne3A_1450 = arith.cmpi ne, %rem3A_1448, %ne3A_1449 : i32
    %lt3A_1451 = arith.constant 0 : i32
    %lt3A_1452 = arith.cmpi slt, %rem3A_1448, %lt3A_1451 : i32
    %lt3A_1453 = arith.constant 0 : i32
    %lt3A_1454 = arith.cmpi slt, %select_n3A_1447, %lt3A_1453 : i32
    %ne3A_1455 = arith.xori %lt3A_1452, %lt3A_1454 : i1
    %and3A_1456 = arith.andi %ne3A_1455, %ne3A_1450 : i1
    %add3A_1457 = arith.addi %rem3A_1448, %select_n3A_1447 : i32
    %select_n3A_1458 = arith.select %and3A_1456, %add3A_1457, %rem3A_1448 : i32
    %iota3A_1459 = tpu.iota {dimensions = array<i32: 0>} : vector<128x64xi32>
    %eq3A_1460 = vector.broadcast %select_n3A_1458 : i32 to vector<128x64xi32>
    %eq3A_1461 = arith.cmpi eq, %iota3A_1459, %eq3A_1460 : vector<128x64xi32>
    %get3A_1462 = arith.constant 0 : index
    %get3A_1463 = arith.constant 0 : index
    %get3A_1464 = vector.load %arg46[%get3A_1462, %get3A_1463] : memref<64x128xf32, #tpu.memory_space<vmem>>, vector<64x128xf32>
    %convert_element_type3A_1465 = arith.extui %eq3A_1461 : vector<128x64xi1> to vector<128x64xi32>
    %convert_element_type3A_1466 = arith.sitofp %convert_element_type3A_1465 : vector<128x64xi32> to vector<128x64xf32>
    %dot_general3A_1467 = arith.constant dense<0.000000e+00> : vector<64x64xf32>
    %dot_general3A_1468 = tpu.matmul %get3A_1464, %convert_element_type3A_1466, %dot_general3A_1467 {dimension_numbers = #tpu.dot_dimension_numbers<[1], [0], [0], [1], [0, 0, 1, 1], [], []>, transpose_lhs_hint = false} : vector<64x128xf32>, vector<128x64xf32>, vector<64x64xf32> -> vector<64x64xf32>
    %iota3A_1469 = tpu.iota {dimensions = array<i32: 1>} : vector<64x64xi32>
    %eq3A_1470 = arith.constant 44 : i32
    %eq3A_1471 = vector.broadcast %eq3A_1470 : i32 to vector<64x64xi32>
    %eq3A_1472 = arith.cmpi eq, %iota3A_1469, %eq3A_1471 : vector<64x64xi32>
    %select_n3A_1473 = arith.select %eq3A_1472, %dot_general3A_1468, %select_n3A_1440 : vector<64x64xi1>, vector<64x64xf32>
    %get3A_1474 = arith.constant 45 : index
    %get3A_1475 = memref.load %arg1[%get3A_1474] : memref<64xi32, #tpu.memory_space<smem>>
    %jit3A_1476 = arith.constant 128 : i32
    %eq3A_1477 = arith.constant 0 : i32
    %eq3A_1478 = arith.cmpi eq, %jit3A_1476, %eq3A_1477 : i32
    %jit3A_1479 = arith.constant 1 : i32
    %select_n3A_1480 = arith.select %eq3A_1478, %jit3A_1479, %jit3A_1476 : i32
    %rem3A_1481 = arith.remsi %get3A_1475, %select_n3A_1480 : i32
    %ne3A_1482 = arith.constant 0 : i32
    %ne3A_1483 = arith.cmpi ne, %rem3A_1481, %ne3A_1482 : i32
    %lt3A_1484 = arith.constant 0 : i32
    %lt3A_1485 = arith.cmpi slt, %rem3A_1481, %lt3A_1484 : i32
    %lt3A_1486 = arith.constant 0 : i32
    %lt3A_1487 = arith.cmpi slt, %select_n3A_1480, %lt3A_1486 : i32
    %ne3A_1488 = arith.xori %lt3A_1485, %lt3A_1487 : i1
    %and3A_1489 = arith.andi %ne3A_1488, %ne3A_1483 : i1
    %add3A_1490 = arith.addi %rem3A_1481, %select_n3A_1480 : i32
    %select_n3A_1491 = arith.select %and3A_1489, %add3A_1490, %rem3A_1481 : i32
    %iota3A_1492 = tpu.iota {dimensions = array<i32: 0>} : vector<128x64xi32>
    %eq3A_1493 = vector.broadcast %select_n3A_1491 : i32 to vector<128x64xi32>
    %eq3A_1494 = arith.cmpi eq, %iota3A_1492, %eq3A_1493 : vector<128x64xi32>
    %get3A_1495 = arith.constant 0 : index
    %get3A_1496 = arith.constant 0 : index
    %get3A_1497 = vector.load %arg47[%get3A_1495, %get3A_1496] : memref<64x128xf32, #tpu.memory_space<vmem>>, vector<64x128xf32>
    %convert_element_type3A_1498 = arith.extui %eq3A_1494 : vector<128x64xi1> to vector<128x64xi32>
    %convert_element_type3A_1499 = arith.sitofp %convert_element_type3A_1498 : vector<128x64xi32> to vector<128x64xf32>
    %dot_general3A_1500 = arith.constant dense<0.000000e+00> : vector<64x64xf32>
    %dot_general3A_1501 = tpu.matmul %get3A_1497, %convert_element_type3A_1499, %dot_general3A_1500 {dimension_numbers = #tpu.dot_dimension_numbers<[1], [0], [0], [1], [0, 0, 1, 1], [], []>, transpose_lhs_hint = false} : vector<64x128xf32>, vector<128x64xf32>, vector<64x64xf32> -> vector<64x64xf32>
    %iota3A_1502 = tpu.iota {dimensions = array<i32: 1>} : vector<64x64xi32>
    %eq3A_1503 = arith.constant 45 : i32
    %eq3A_1504 = vector.broadcast %eq3A_1503 : i32 to vector<64x64xi32>
    %eq3A_1505 = arith.cmpi eq, %iota3A_1502, %eq3A_1504 : vector<64x64xi32>
    %select_n3A_1506 = arith.select %eq3A_1505, %dot_general3A_1501, %select_n3A_1473 : vector<64x64xi1>, vector<64x64xf32>
    %get3A_1507 = arith.constant 46 : index
    %get3A_1508 = memref.load %arg1[%get3A_1507] : memref<64xi32, #tpu.memory_space<smem>>
    %jit3A_1509 = arith.constant 128 : i32
    %eq3A_1510 = arith.constant 0 : i32
    %eq3A_1511 = arith.cmpi eq, %jit3A_1509, %eq3A_1510 : i32
    %jit3A_1512 = arith.constant 1 : i32
    %select_n3A_1513 = arith.select %eq3A_1511, %jit3A_1512, %jit3A_1509 : i32
    %rem3A_1514 = arith.remsi %get3A_1508, %select_n3A_1513 : i32
    %ne3A_1515 = arith.constant 0 : i32
    %ne3A_1516 = arith.cmpi ne, %rem3A_1514, %ne3A_1515 : i32
    %lt3A_1517 = arith.constant 0 : i32
    %lt3A_1518 = arith.cmpi slt, %rem3A_1514, %lt3A_1517 : i32
    %lt3A_1519 = arith.constant 0 : i32
    %lt3A_1520 = arith.cmpi slt, %select_n3A_1513, %lt3A_1519 : i32
    %ne3A_1521 = arith.xori %lt3A_1518, %lt3A_1520 : i1
    %and3A_1522 = arith.andi %ne3A_1521, %ne3A_1516 : i1
    %add3A_1523 = arith.addi %rem3A_1514, %select_n3A_1513 : i32
    %select_n3A_1524 = arith.select %and3A_1522, %add3A_1523, %rem3A_1514 : i32
    %iota3A_1525 = tpu.iota {dimensions = array<i32: 0>} : vector<128x64xi32>
    %eq3A_1526 = vector.broadcast %select_n3A_1524 : i32 to vector<128x64xi32>
    %eq3A_1527 = arith.cmpi eq, %iota3A_1525, %eq3A_1526 : vector<128x64xi32>
    %get3A_1528 = arith.constant 0 : index
    %get3A_1529 = arith.constant 0 : index
    %get3A_1530 = vector.load %arg48[%get3A_1528, %get3A_1529] : memref<64x128xf32, #tpu.memory_space<vmem>>, vector<64x128xf32>
    %convert_element_type3A_1531 = arith.extui %eq3A_1527 : vector<128x64xi1> to vector<128x64xi32>
    %convert_element_type3A_1532 = arith.sitofp %convert_element_type3A_1531 : vector<128x64xi32> to vector<128x64xf32>
    %dot_general3A_1533 = arith.constant dense<0.000000e+00> : vector<64x64xf32>
    %dot_general3A_1534 = tpu.matmul %get3A_1530, %convert_element_type3A_1532, %dot_general3A_1533 {dimension_numbers = #tpu.dot_dimension_numbers<[1], [0], [0], [1], [0, 0, 1, 1], [], []>, transpose_lhs_hint = false} : vector<64x128xf32>, vector<128x64xf32>, vector<64x64xf32> -> vector<64x64xf32>
    %iota3A_1535 = tpu.iota {dimensions = array<i32: 1>} : vector<64x64xi32>
    %eq3A_1536 = arith.constant 46 : i32
    %eq3A_1537 = vector.broadcast %eq3A_1536 : i32 to vector<64x64xi32>
    %eq3A_1538 = arith.cmpi eq, %iota3A_1535, %eq3A_1537 : vector<64x64xi32>
    %select_n3A_1539 = arith.select %eq3A_1538, %dot_general3A_1534, %select_n3A_1506 : vector<64x64xi1>, vector<64x64xf32>
    %get3A_1540 = arith.constant 47 : index
    %get3A_1541 = memref.load %arg1[%get3A_1540] : memref<64xi32, #tpu.memory_space<smem>>
    %jit3A_1542 = arith.constant 128 : i32
    %eq3A_1543 = arith.constant 0 : i32
    %eq3A_1544 = arith.cmpi eq, %jit3A_1542, %eq3A_1543 : i32
    %jit3A_1545 = arith.constant 1 : i32
    %select_n3A_1546 = arith.select %eq3A_1544, %jit3A_1545, %jit3A_1542 : i32
    %rem3A_1547 = arith.remsi %get3A_1541, %select_n3A_1546 : i32
    %ne3A_1548 = arith.constant 0 : i32
    %ne3A_1549 = arith.cmpi ne, %rem3A_1547, %ne3A_1548 : i32
    %lt3A_1550 = arith.constant 0 : i32
    %lt3A_1551 = arith.cmpi slt, %rem3A_1547, %lt3A_1550 : i32
    %lt3A_1552 = arith.constant 0 : i32
    %lt3A_1553 = arith.cmpi slt, %select_n3A_1546, %lt3A_1552 : i32
    %ne3A_1554 = arith.xori %lt3A_1551, %lt3A_1553 : i1
    %and3A_1555 = arith.andi %ne3A_1554, %ne3A_1549 : i1
    %add3A_1556 = arith.addi %rem3A_1547, %select_n3A_1546 : i32
    %select_n3A_1557 = arith.select %and3A_1555, %add3A_1556, %rem3A_1547 : i32
    %iota3A_1558 = tpu.iota {dimensions = array<i32: 0>} : vector<128x64xi32>
    %eq3A_1559 = vector.broadcast %select_n3A_1557 : i32 to vector<128x64xi32>
    %eq3A_1560 = arith.cmpi eq, %iota3A_1558, %eq3A_1559 : vector<128x64xi32>
    %get3A_1561 = arith.constant 0 : index
    %get3A_1562 = arith.constant 0 : index
    %get3A_1563 = vector.load %arg49[%get3A_1561, %get3A_1562] : memref<64x128xf32, #tpu.memory_space<vmem>>, vector<64x128xf32>
    %convert_element_type3A_1564 = arith.extui %eq3A_1560 : vector<128x64xi1> to vector<128x64xi32>
    %convert_element_type3A_1565 = arith.sitofp %convert_element_type3A_1564 : vector<128x64xi32> to vector<128x64xf32>
    %dot_general3A_1566 = arith.constant dense<0.000000e+00> : vector<64x64xf32>
    %dot_general3A_1567 = tpu.matmul %get3A_1563, %convert_element_type3A_1565, %dot_general3A_1566 {dimension_numbers = #tpu.dot_dimension_numbers<[1], [0], [0], [1], [0, 0, 1, 1], [], []>, transpose_lhs_hint = false} : vector<64x128xf32>, vector<128x64xf32>, vector<64x64xf32> -> vector<64x64xf32>
    %iota3A_1568 = tpu.iota {dimensions = array<i32: 1>} : vector<64x64xi32>
    %eq3A_1569 = arith.constant 47 : i32
    %eq3A_1570 = vector.broadcast %eq3A_1569 : i32 to vector<64x64xi32>
    %eq3A_1571 = arith.cmpi eq, %iota3A_1568, %eq3A_1570 : vector<64x64xi32>
    %select_n3A_1572 = arith.select %eq3A_1571, %dot_general3A_1567, %select_n3A_1539 : vector<64x64xi1>, vector<64x64xf32>
    %get3A_1573 = arith.constant 48 : index
    %get3A_1574 = memref.load %arg1[%get3A_1573] : memref<64xi32, #tpu.memory_space<smem>>
    %jit3A_1575 = arith.constant 128 : i32
    %eq3A_1576 = arith.constant 0 : i32
    %eq3A_1577 = arith.cmpi eq, %jit3A_1575, %eq3A_1576 : i32
    %jit3A_1578 = arith.constant 1 : i32
    %select_n3A_1579 = arith.select %eq3A_1577, %jit3A_1578, %jit3A_1575 : i32
    %rem3A_1580 = arith.remsi %get3A_1574, %select_n3A_1579 : i32
    %ne3A_1581 = arith.constant 0 : i32
    %ne3A_1582 = arith.cmpi ne, %rem3A_1580, %ne3A_1581 : i32
    %lt3A_1583 = arith.constant 0 : i32
    %lt3A_1584 = arith.cmpi slt, %rem3A_1580, %lt3A_1583 : i32
    %lt3A_1585 = arith.constant 0 : i32
    %lt3A_1586 = arith.cmpi slt, %select_n3A_1579, %lt3A_1585 : i32
    %ne3A_1587 = arith.xori %lt3A_1584, %lt3A_1586 : i1
    %and3A_1588 = arith.andi %ne3A_1587, %ne3A_1582 : i1
    %add3A_1589 = arith.addi %rem3A_1580, %select_n3A_1579 : i32
    %select_n3A_1590 = arith.select %and3A_1588, %add3A_1589, %rem3A_1580 : i32
    %iota3A_1591 = tpu.iota {dimensions = array<i32: 0>} : vector<128x64xi32>
    %eq3A_1592 = vector.broadcast %select_n3A_1590 : i32 to vector<128x64xi32>
    %eq3A_1593 = arith.cmpi eq, %iota3A_1591, %eq3A_1592 : vector<128x64xi32>
    %get3A_1594 = arith.constant 0 : index
    %get3A_1595 = arith.constant 0 : index
    %get3A_1596 = vector.load %arg50[%get3A_1594, %get3A_1595] : memref<64x128xf32, #tpu.memory_space<vmem>>, vector<64x128xf32>
    %convert_element_type3A_1597 = arith.extui %eq3A_1593 : vector<128x64xi1> to vector<128x64xi32>
    %convert_element_type3A_1598 = arith.sitofp %convert_element_type3A_1597 : vector<128x64xi32> to vector<128x64xf32>
    %dot_general3A_1599 = arith.constant dense<0.000000e+00> : vector<64x64xf32>
    %dot_general3A_1600 = tpu.matmul %get3A_1596, %convert_element_type3A_1598, %dot_general3A_1599 {dimension_numbers = #tpu.dot_dimension_numbers<[1], [0], [0], [1], [0, 0, 1, 1], [], []>, transpose_lhs_hint = false} : vector<64x128xf32>, vector<128x64xf32>, vector<64x64xf32> -> vector<64x64xf32>
    %iota3A_1601 = tpu.iota {dimensions = array<i32: 1>} : vector<64x64xi32>
    %eq3A_1602 = arith.constant 48 : i32
    %eq3A_1603 = vector.broadcast %eq3A_1602 : i32 to vector<64x64xi32>
    %eq3A_1604 = arith.cmpi eq, %iota3A_1601, %eq3A_1603 : vector<64x64xi32>
    %select_n3A_1605 = arith.select %eq3A_1604, %dot_general3A_1600, %select_n3A_1572 : vector<64x64xi1>, vector<64x64xf32>
    %get3A_1606 = arith.constant 49 : index
    %get3A_1607 = memref.load %arg1[%get3A_1606] : memref<64xi32, #tpu.memory_space<smem>>
    %jit3A_1608 = arith.constant 128 : i32
    %eq3A_1609 = arith.constant 0 : i32
    %eq3A_1610 = arith.cmpi eq, %jit3A_1608, %eq3A_1609 : i32
    %jit3A_1611 = arith.constant 1 : i32
    %select_n3A_1612 = arith.select %eq3A_1610, %jit3A_1611, %jit3A_1608 : i32
    %rem3A_1613 = arith.remsi %get3A_1607, %select_n3A_1612 : i32
    %ne3A_1614 = arith.constant 0 : i32
    %ne3A_1615 = arith.cmpi ne, %rem3A_1613, %ne3A_1614 : i32
    %lt3A_1616 = arith.constant 0 : i32
    %lt3A_1617 = arith.cmpi slt, %rem3A_1613, %lt3A_1616 : i32
    %lt3A_1618 = arith.constant 0 : i32
    %lt3A_1619 = arith.cmpi slt, %select_n3A_1612, %lt3A_1618 : i32
    %ne3A_1620 = arith.xori %lt3A_1617, %lt3A_1619 : i1
    %and3A_1621 = arith.andi %ne3A_1620, %ne3A_1615 : i1
    %add3A_1622 = arith.addi %rem3A_1613, %select_n3A_1612 : i32
    %select_n3A_1623 = arith.select %and3A_1621, %add3A_1622, %rem3A_1613 : i32
    %iota3A_1624 = tpu.iota {dimensions = array<i32: 0>} : vector<128x64xi32>
    %eq3A_1625 = vector.broadcast %select_n3A_1623 : i32 to vector<128x64xi32>
    %eq3A_1626 = arith.cmpi eq, %iota3A_1624, %eq3A_1625 : vector<128x64xi32>
    %get3A_1627 = arith.constant 0 : index
    %get3A_1628 = arith.constant 0 : index
    %get3A_1629 = vector.load %arg51[%get3A_1627, %get3A_1628] : memref<64x128xf32, #tpu.memory_space<vmem>>, vector<64x128xf32>
    %convert_element_type3A_1630 = arith.extui %eq3A_1626 : vector<128x64xi1> to vector<128x64xi32>
    %convert_element_type3A_1631 = arith.sitofp %convert_element_type3A_1630 : vector<128x64xi32> to vector<128x64xf32>
    %dot_general3A_1632 = arith.constant dense<0.000000e+00> : vector<64x64xf32>
    %dot_general3A_1633 = tpu.matmul %get3A_1629, %convert_element_type3A_1631, %dot_general3A_1632 {dimension_numbers = #tpu.dot_dimension_numbers<[1], [0], [0], [1], [0, 0, 1, 1], [], []>, transpose_lhs_hint = false} : vector<64x128xf32>, vector<128x64xf32>, vector<64x64xf32> -> vector<64x64xf32>
    %iota3A_1634 = tpu.iota {dimensions = array<i32: 1>} : vector<64x64xi32>
    %eq3A_1635 = arith.constant 49 : i32
    %eq3A_1636 = vector.broadcast %eq3A_1635 : i32 to vector<64x64xi32>
    %eq3A_1637 = arith.cmpi eq, %iota3A_1634, %eq3A_1636 : vector<64x64xi32>
    %select_n3A_1638 = arith.select %eq3A_1637, %dot_general3A_1633, %select_n3A_1605 : vector<64x64xi1>, vector<64x64xf32>
    %get3A_1639 = arith.constant 50 : index
    %get3A_1640 = memref.load %arg1[%get3A_1639] : memref<64xi32, #tpu.memory_space<smem>>
    %jit3A_1641 = arith.constant 128 : i32
    %eq3A_1642 = arith.constant 0 : i32
    %eq3A_1643 = arith.cmpi eq, %jit3A_1641, %eq3A_1642 : i32
    %jit3A_1644 = arith.constant 1 : i32
    %select_n3A_1645 = arith.select %eq3A_1643, %jit3A_1644, %jit3A_1641 : i32
    %rem3A_1646 = arith.remsi %get3A_1640, %select_n3A_1645 : i32
    %ne3A_1647 = arith.constant 0 : i32
    %ne3A_1648 = arith.cmpi ne, %rem3A_1646, %ne3A_1647 : i32
    %lt3A_1649 = arith.constant 0 : i32
    %lt3A_1650 = arith.cmpi slt, %rem3A_1646, %lt3A_1649 : i32
    %lt3A_1651 = arith.constant 0 : i32
    %lt3A_1652 = arith.cmpi slt, %select_n3A_1645, %lt3A_1651 : i32
    %ne3A_1653 = arith.xori %lt3A_1650, %lt3A_1652 : i1
    %and3A_1654 = arith.andi %ne3A_1653, %ne3A_1648 : i1
    %add3A_1655 = arith.addi %rem3A_1646, %select_n3A_1645 : i32
    %select_n3A_1656 = arith.select %and3A_1654, %add3A_1655, %rem3A_1646 : i32
    %iota3A_1657 = tpu.iota {dimensions = array<i32: 0>} : vector<128x64xi32>
    %eq3A_1658 = vector.broadcast %select_n3A_1656 : i32 to vector<128x64xi32>
    %eq3A_1659 = arith.cmpi eq, %iota3A_1657, %eq3A_1658 : vector<128x64xi32>
    %get3A_1660 = arith.constant 0 : index
    %get3A_1661 = arith.constant 0 : index
    %get3A_1662 = vector.load %arg52[%get3A_1660, %get3A_1661] : memref<64x128xf32, #tpu.memory_space<vmem>>, vector<64x128xf32>
    %convert_element_type3A_1663 = arith.extui %eq3A_1659 : vector<128x64xi1> to vector<128x64xi32>
    %convert_element_type3A_1664 = arith.sitofp %convert_element_type3A_1663 : vector<128x64xi32> to vector<128x64xf32>
    %dot_general3A_1665 = arith.constant dense<0.000000e+00> : vector<64x64xf32>
    %dot_general3A_1666 = tpu.matmul %get3A_1662, %convert_element_type3A_1664, %dot_general3A_1665 {dimension_numbers = #tpu.dot_dimension_numbers<[1], [0], [0], [1], [0, 0, 1, 1], [], []>, transpose_lhs_hint = false} : vector<64x128xf32>, vector<128x64xf32>, vector<64x64xf32> -> vector<64x64xf32>
    %iota3A_1667 = tpu.iota {dimensions = array<i32: 1>} : vector<64x64xi32>
    %eq3A_1668 = arith.constant 50 : i32
    %eq3A_1669 = vector.broadcast %eq3A_1668 : i32 to vector<64x64xi32>
    %eq3A_1670 = arith.cmpi eq, %iota3A_1667, %eq3A_1669 : vector<64x64xi32>
    %select_n3A_1671 = arith.select %eq3A_1670, %dot_general3A_1666, %select_n3A_1638 : vector<64x64xi1>, vector<64x64xf32>
    %get3A_1672 = arith.constant 51 : index
    %get3A_1673 = memref.load %arg1[%get3A_1672] : memref<64xi32, #tpu.memory_space<smem>>
    %jit3A_1674 = arith.constant 128 : i32
    %eq3A_1675 = arith.constant 0 : i32
    %eq3A_1676 = arith.cmpi eq, %jit3A_1674, %eq3A_1675 : i32
    %jit3A_1677 = arith.constant 1 : i32
    %select_n3A_1678 = arith.select %eq3A_1676, %jit3A_1677, %jit3A_1674 : i32
    %rem3A_1679 = arith.remsi %get3A_1673, %select_n3A_1678 : i32
    %ne3A_1680 = arith.constant 0 : i32
    %ne3A_1681 = arith.cmpi ne, %rem3A_1679, %ne3A_1680 : i32
    %lt3A_1682 = arith.constant 0 : i32
    %lt3A_1683 = arith.cmpi slt, %rem3A_1679, %lt3A_1682 : i32
    %lt3A_1684 = arith.constant 0 : i32
    %lt3A_1685 = arith.cmpi slt, %select_n3A_1678, %lt3A_1684 : i32
    %ne3A_1686 = arith.xori %lt3A_1683, %lt3A_1685 : i1
    %and3A_1687 = arith.andi %ne3A_1686, %ne3A_1681 : i1
    %add3A_1688 = arith.addi %rem3A_1679, %select_n3A_1678 : i32
    %select_n3A_1689 = arith.select %and3A_1687, %add3A_1688, %rem3A_1679 : i32
    %iota3A_1690 = tpu.iota {dimensions = array<i32: 0>} : vector<128x64xi32>
    %eq3A_1691 = vector.broadcast %select_n3A_1689 : i32 to vector<128x64xi32>
    %eq3A_1692 = arith.cmpi eq, %iota3A_1690, %eq3A_1691 : vector<128x64xi32>
    %get3A_1693 = arith.constant 0 : index
    %get3A_1694 = arith.constant 0 : index
    %get3A_1695 = vector.load %arg53[%get3A_1693, %get3A_1694] : memref<64x128xf32, #tpu.memory_space<vmem>>, vector<64x128xf32>
    %convert_element_type3A_1696 = arith.extui %eq3A_1692 : vector<128x64xi1> to vector<128x64xi32>
    %convert_element_type3A_1697 = arith.sitofp %convert_element_type3A_1696 : vector<128x64xi32> to vector<128x64xf32>
    %dot_general3A_1698 = arith.constant dense<0.000000e+00> : vector<64x64xf32>
    %dot_general3A_1699 = tpu.matmul %get3A_1695, %convert_element_type3A_1697, %dot_general3A_1698 {dimension_numbers = #tpu.dot_dimension_numbers<[1], [0], [0], [1], [0, 0, 1, 1], [], []>, transpose_lhs_hint = false} : vector<64x128xf32>, vector<128x64xf32>, vector<64x64xf32> -> vector<64x64xf32>
    %iota3A_1700 = tpu.iota {dimensions = array<i32: 1>} : vector<64x64xi32>
    %eq3A_1701 = arith.constant 51 : i32
    %eq3A_1702 = vector.broadcast %eq3A_1701 : i32 to vector<64x64xi32>
    %eq3A_1703 = arith.cmpi eq, %iota3A_1700, %eq3A_1702 : vector<64x64xi32>
    %select_n3A_1704 = arith.select %eq3A_1703, %dot_general3A_1699, %select_n3A_1671 : vector<64x64xi1>, vector<64x64xf32>
    %get3A_1705 = arith.constant 52 : index
    %get3A_1706 = memref.load %arg1[%get3A_1705] : memref<64xi32, #tpu.memory_space<smem>>
    %jit3A_1707 = arith.constant 128 : i32
    %eq3A_1708 = arith.constant 0 : i32
    %eq3A_1709 = arith.cmpi eq, %jit3A_1707, %eq3A_1708 : i32
    %jit3A_1710 = arith.constant 1 : i32
    %select_n3A_1711 = arith.select %eq3A_1709, %jit3A_1710, %jit3A_1707 : i32
    %rem3A_1712 = arith.remsi %get3A_1706, %select_n3A_1711 : i32
    %ne3A_1713 = arith.constant 0 : i32
    %ne3A_1714 = arith.cmpi ne, %rem3A_1712, %ne3A_1713 : i32
    %lt3A_1715 = arith.constant 0 : i32
    %lt3A_1716 = arith.cmpi slt, %rem3A_1712, %lt3A_1715 : i32
    %lt3A_1717 = arith.constant 0 : i32
    %lt3A_1718 = arith.cmpi slt, %select_n3A_1711, %lt3A_1717 : i32
    %ne3A_1719 = arith.xori %lt3A_1716, %lt3A_1718 : i1
    %and3A_1720 = arith.andi %ne3A_1719, %ne3A_1714 : i1
    %add3A_1721 = arith.addi %rem3A_1712, %select_n3A_1711 : i32
    %select_n3A_1722 = arith.select %and3A_1720, %add3A_1721, %rem3A_1712 : i32
    %iota3A_1723 = tpu.iota {dimensions = array<i32: 0>} : vector<128x64xi32>
    %eq3A_1724 = vector.broadcast %select_n3A_1722 : i32 to vector<128x64xi32>
    %eq3A_1725 = arith.cmpi eq, %iota3A_1723, %eq3A_1724 : vector<128x64xi32>
    %get3A_1726 = arith.constant 0 : index
    %get3A_1727 = arith.constant 0 : index
    %get3A_1728 = vector.load %arg54[%get3A_1726, %get3A_1727] : memref<64x128xf32, #tpu.memory_space<vmem>>, vector<64x128xf32>
    %convert_element_type3A_1729 = arith.extui %eq3A_1725 : vector<128x64xi1> to vector<128x64xi32>
    %convert_element_type3A_1730 = arith.sitofp %convert_element_type3A_1729 : vector<128x64xi32> to vector<128x64xf32>
    %dot_general3A_1731 = arith.constant dense<0.000000e+00> : vector<64x64xf32>
    %dot_general3A_1732 = tpu.matmul %get3A_1728, %convert_element_type3A_1730, %dot_general3A_1731 {dimension_numbers = #tpu.dot_dimension_numbers<[1], [0], [0], [1], [0, 0, 1, 1], [], []>, transpose_lhs_hint = false} : vector<64x128xf32>, vector<128x64xf32>, vector<64x64xf32> -> vector<64x64xf32>
    %iota3A_1733 = tpu.iota {dimensions = array<i32: 1>} : vector<64x64xi32>
    %eq3A_1734 = arith.constant 52 : i32
    %eq3A_1735 = vector.broadcast %eq3A_1734 : i32 to vector<64x64xi32>
    %eq3A_1736 = arith.cmpi eq, %iota3A_1733, %eq3A_1735 : vector<64x64xi32>
    %select_n3A_1737 = arith.select %eq3A_1736, %dot_general3A_1732, %select_n3A_1704 : vector<64x64xi1>, vector<64x64xf32>
    %get3A_1738 = arith.constant 53 : index
    %get3A_1739 = memref.load %arg1[%get3A_1738] : memref<64xi32, #tpu.memory_space<smem>>
    %jit3A_1740 = arith.constant 128 : i32
    %eq3A_1741 = arith.constant 0 : i32
    %eq3A_1742 = arith.cmpi eq, %jit3A_1740, %eq3A_1741 : i32
    %jit3A_1743 = arith.constant 1 : i32
    %select_n3A_1744 = arith.select %eq3A_1742, %jit3A_1743, %jit3A_1740 : i32
    %rem3A_1745 = arith.remsi %get3A_1739, %select_n3A_1744 : i32
    %ne3A_1746 = arith.constant 0 : i32
    %ne3A_1747 = arith.cmpi ne, %rem3A_1745, %ne3A_1746 : i32
    %lt3A_1748 = arith.constant 0 : i32
    %lt3A_1749 = arith.cmpi slt, %rem3A_1745, %lt3A_1748 : i32
    %lt3A_1750 = arith.constant 0 : i32
    %lt3A_1751 = arith.cmpi slt, %select_n3A_1744, %lt3A_1750 : i32
    %ne3A_1752 = arith.xori %lt3A_1749, %lt3A_1751 : i1
    %and3A_1753 = arith.andi %ne3A_1752, %ne3A_1747 : i1
    %add3A_1754 = arith.addi %rem3A_1745, %select_n3A_1744 : i32
    %select_n3A_1755 = arith.select %and3A_1753, %add3A_1754, %rem3A_1745 : i32
    %iota3A_1756 = tpu.iota {dimensions = array<i32: 0>} : vector<128x64xi32>
    %eq3A_1757 = vector.broadcast %select_n3A_1755 : i32 to vector<128x64xi32>
    %eq3A_1758 = arith.cmpi eq, %iota3A_1756, %eq3A_1757 : vector<128x64xi32>
    %get3A_1759 = arith.constant 0 : index
    %get3A_1760 = arith.constant 0 : index
    %get3A_1761 = vector.load %arg55[%get3A_1759, %get3A_1760] : memref<64x128xf32, #tpu.memory_space<vmem>>, vector<64x128xf32>
    %convert_element_type3A_1762 = arith.extui %eq3A_1758 : vector<128x64xi1> to vector<128x64xi32>
    %convert_element_type3A_1763 = arith.sitofp %convert_element_type3A_1762 : vector<128x64xi32> to vector<128x64xf32>
    %dot_general3A_1764 = arith.constant dense<0.000000e+00> : vector<64x64xf32>
    %dot_general3A_1765 = tpu.matmul %get3A_1761, %convert_element_type3A_1763, %dot_general3A_1764 {dimension_numbers = #tpu.dot_dimension_numbers<[1], [0], [0], [1], [0, 0, 1, 1], [], []>, transpose_lhs_hint = false} : vector<64x128xf32>, vector<128x64xf32>, vector<64x64xf32> -> vector<64x64xf32>
    %iota3A_1766 = tpu.iota {dimensions = array<i32: 1>} : vector<64x64xi32>
    %eq3A_1767 = arith.constant 53 : i32
    %eq3A_1768 = vector.broadcast %eq3A_1767 : i32 to vector<64x64xi32>
    %eq3A_1769 = arith.cmpi eq, %iota3A_1766, %eq3A_1768 : vector<64x64xi32>
    %select_n3A_1770 = arith.select %eq3A_1769, %dot_general3A_1765, %select_n3A_1737 : vector<64x64xi1>, vector<64x64xf32>
    %get3A_1771 = arith.constant 54 : index
    %get3A_1772 = memref.load %arg1[%get3A_1771] : memref<64xi32, #tpu.memory_space<smem>>
    %jit3A_1773 = arith.constant 128 : i32
    %eq3A_1774 = arith.constant 0 : i32
    %eq3A_1775 = arith.cmpi eq, %jit3A_1773, %eq3A_1774 : i32
    %jit3A_1776 = arith.constant 1 : i32
    %select_n3A_1777 = arith.select %eq3A_1775, %jit3A_1776, %jit3A_1773 : i32
    %rem3A_1778 = arith.remsi %get3A_1772, %select_n3A_1777 : i32
    %ne3A_1779 = arith.constant 0 : i32
    %ne3A_1780 = arith.cmpi ne, %rem3A_1778, %ne3A_1779 : i32
    %lt3A_1781 = arith.constant 0 : i32
    %lt3A_1782 = arith.cmpi slt, %rem3A_1778, %lt3A_1781 : i32
    %lt3A_1783 = arith.constant 0 : i32
    %lt3A_1784 = arith.cmpi slt, %select_n3A_1777, %lt3A_1783 : i32
    %ne3A_1785 = arith.xori %lt3A_1782, %lt3A_1784 : i1
    %and3A_1786 = arith.andi %ne3A_1785, %ne3A_1780 : i1
    %add3A_1787 = arith.addi %rem3A_1778, %select_n3A_1777 : i32
    %select_n3A_1788 = arith.select %and3A_1786, %add3A_1787, %rem3A_1778 : i32
    %iota3A_1789 = tpu.iota {dimensions = array<i32: 0>} : vector<128x64xi32>
    %eq3A_1790 = vector.broadcast %select_n3A_1788 : i32 to vector<128x64xi32>
    %eq3A_1791 = arith.cmpi eq, %iota3A_1789, %eq3A_1790 : vector<128x64xi32>
    %get3A_1792 = arith.constant 0 : index
    %get3A_1793 = arith.constant 0 : index
    %get3A_1794 = vector.load %arg56[%get3A_1792, %get3A_1793] : memref<64x128xf32, #tpu.memory_space<vmem>>, vector<64x128xf32>
    %convert_element_type3A_1795 = arith.extui %eq3A_1791 : vector<128x64xi1> to vector<128x64xi32>
    %convert_element_type3A_1796 = arith.sitofp %convert_element_type3A_1795 : vector<128x64xi32> to vector<128x64xf32>
    %dot_general3A_1797 = arith.constant dense<0.000000e+00> : vector<64x64xf32>
    %dot_general3A_1798 = tpu.matmul %get3A_1794, %convert_element_type3A_1796, %dot_general3A_1797 {dimension_numbers = #tpu.dot_dimension_numbers<[1], [0], [0], [1], [0, 0, 1, 1], [], []>, transpose_lhs_hint = false} : vector<64x128xf32>, vector<128x64xf32>, vector<64x64xf32> -> vector<64x64xf32>
    %iota3A_1799 = tpu.iota {dimensions = array<i32: 1>} : vector<64x64xi32>
    %eq3A_1800 = arith.constant 54 : i32
    %eq3A_1801 = vector.broadcast %eq3A_1800 : i32 to vector<64x64xi32>
    %eq3A_1802 = arith.cmpi eq, %iota3A_1799, %eq3A_1801 : vector<64x64xi32>
    %select_n3A_1803 = arith.select %eq3A_1802, %dot_general3A_1798, %select_n3A_1770 : vector<64x64xi1>, vector<64x64xf32>
    %get3A_1804 = arith.constant 55 : index
    %get3A_1805 = memref.load %arg1[%get3A_1804] : memref<64xi32, #tpu.memory_space<smem>>
    %jit3A_1806 = arith.constant 128 : i32
    %eq3A_1807 = arith.constant 0 : i32
    %eq3A_1808 = arith.cmpi eq, %jit3A_1806, %eq3A_1807 : i32
    %jit3A_1809 = arith.constant 1 : i32
    %select_n3A_1810 = arith.select %eq3A_1808, %jit3A_1809, %jit3A_1806 : i32
    %rem3A_1811 = arith.remsi %get3A_1805, %select_n3A_1810 : i32
    %ne3A_1812 = arith.constant 0 : i32
    %ne3A_1813 = arith.cmpi ne, %rem3A_1811, %ne3A_1812 : i32
    %lt3A_1814 = arith.constant 0 : i32
    %lt3A_1815 = arith.cmpi slt, %rem3A_1811, %lt3A_1814 : i32
    %lt3A_1816 = arith.constant 0 : i32
    %lt3A_1817 = arith.cmpi slt, %select_n3A_1810, %lt3A_1816 : i32
    %ne3A_1818 = arith.xori %lt3A_1815, %lt3A_1817 : i1
    %and3A_1819 = arith.andi %ne3A_1818, %ne3A_1813 : i1
    %add3A_1820 = arith.addi %rem3A_1811, %select_n3A_1810 : i32
    %select_n3A_1821 = arith.select %and3A_1819, %add3A_1820, %rem3A_1811 : i32
    %iota3A_1822 = tpu.iota {dimensions = array<i32: 0>} : vector<128x64xi32>
    %eq3A_1823 = vector.broadcast %select_n3A_1821 : i32 to vector<128x64xi32>
    %eq3A_1824 = arith.cmpi eq, %iota3A_1822, %eq3A_1823 : vector<128x64xi32>
    %get3A_1825 = arith.constant 0 : index
    %get3A_1826 = arith.constant 0 : index
    %get3A_1827 = vector.load %arg57[%get3A_1825, %get3A_1826] : memref<64x128xf32, #tpu.memory_space<vmem>>, vector<64x128xf32>
    %convert_element_type3A_1828 = arith.extui %eq3A_1824 : vector<128x64xi1> to vector<128x64xi32>
    %convert_element_type3A_1829 = arith.sitofp %convert_element_type3A_1828 : vector<128x64xi32> to vector<128x64xf32>
    %dot_general3A_1830 = arith.constant dense<0.000000e+00> : vector<64x64xf32>
    %dot_general3A_1831 = tpu.matmul %get3A_1827, %convert_element_type3A_1829, %dot_general3A_1830 {dimension_numbers = #tpu.dot_dimension_numbers<[1], [0], [0], [1], [0, 0, 1, 1], [], []>, transpose_lhs_hint = false} : vector<64x128xf32>, vector<128x64xf32>, vector<64x64xf32> -> vector<64x64xf32>
    %iota3A_1832 = tpu.iota {dimensions = array<i32: 1>} : vector<64x64xi32>
    %eq3A_1833 = arith.constant 55 : i32
    %eq3A_1834 = vector.broadcast %eq3A_1833 : i32 to vector<64x64xi32>
    %eq3A_1835 = arith.cmpi eq, %iota3A_1832, %eq3A_1834 : vector<64x64xi32>
    %select_n3A_1836 = arith.select %eq3A_1835, %dot_general3A_1831, %select_n3A_1803 : vector<64x64xi1>, vector<64x64xf32>
    %get3A_1837 = arith.constant 56 : index
    %get3A_1838 = memref.load %arg1[%get3A_1837] : memref<64xi32, #tpu.memory_space<smem>>
    %jit3A_1839 = arith.constant 128 : i32
    %eq3A_1840 = arith.constant 0 : i32
    %eq3A_1841 = arith.cmpi eq, %jit3A_1839, %eq3A_1840 : i32
    %jit3A_1842 = arith.constant 1 : i32
    %select_n3A_1843 = arith.select %eq3A_1841, %jit3A_1842, %jit3A_1839 : i32
    %rem3A_1844 = arith.remsi %get3A_1838, %select_n3A_1843 : i32
    %ne3A_1845 = arith.constant 0 : i32
    %ne3A_1846 = arith.cmpi ne, %rem3A_1844, %ne3A_1845 : i32
    %lt3A_1847 = arith.constant 0 : i32
    %lt3A_1848 = arith.cmpi slt, %rem3A_1844, %lt3A_1847 : i32
    %lt3A_1849 = arith.constant 0 : i32
    %lt3A_1850 = arith.cmpi slt, %select_n3A_1843, %lt3A_1849 : i32
    %ne3A_1851 = arith.xori %lt3A_1848, %lt3A_1850 : i1
    %and3A_1852 = arith.andi %ne3A_1851, %ne3A_1846 : i1
    %add3A_1853 = arith.addi %rem3A_1844, %select_n3A_1843 : i32
    %select_n3A_1854 = arith.select %and3A_1852, %add3A_1853, %rem3A_1844 : i32
    %iota3A_1855 = tpu.iota {dimensions = array<i32: 0>} : vector<128x64xi32>
    %eq3A_1856 = vector.broadcast %select_n3A_1854 : i32 to vector<128x64xi32>
    %eq3A_1857 = arith.cmpi eq, %iota3A_1855, %eq3A_1856 : vector<128x64xi32>
    %get3A_1858 = arith.constant 0 : index
    %get3A_1859 = arith.constant 0 : index
    %get3A_1860 = vector.load %arg58[%get3A_1858, %get3A_1859] : memref<64x128xf32, #tpu.memory_space<vmem>>, vector<64x128xf32>
    %convert_element_type3A_1861 = arith.extui %eq3A_1857 : vector<128x64xi1> to vector<128x64xi32>
    %convert_element_type3A_1862 = arith.sitofp %convert_element_type3A_1861 : vector<128x64xi32> to vector<128x64xf32>
    %dot_general3A_1863 = arith.constant dense<0.000000e+00> : vector<64x64xf32>
    %dot_general3A_1864 = tpu.matmul %get3A_1860, %convert_element_type3A_1862, %dot_general3A_1863 {dimension_numbers = #tpu.dot_dimension_numbers<[1], [0], [0], [1], [0, 0, 1, 1], [], []>, transpose_lhs_hint = false} : vector<64x128xf32>, vector<128x64xf32>, vector<64x64xf32> -> vector<64x64xf32>
    %iota3A_1865 = tpu.iota {dimensions = array<i32: 1>} : vector<64x64xi32>
    %eq3A_1866 = arith.constant 56 : i32
    %eq3A_1867 = vector.broadcast %eq3A_1866 : i32 to vector<64x64xi32>
    %eq3A_1868 = arith.cmpi eq, %iota3A_1865, %eq3A_1867 : vector<64x64xi32>
    %select_n3A_1869 = arith.select %eq3A_1868, %dot_general3A_1864, %select_n3A_1836 : vector<64x64xi1>, vector<64x64xf32>
    %get3A_1870 = arith.constant 57 : index
    %get3A_1871 = memref.load %arg1[%get3A_1870] : memref<64xi32, #tpu.memory_space<smem>>
    %jit3A_1872 = arith.constant 128 : i32
    %eq3A_1873 = arith.constant 0 : i32
    %eq3A_1874 = arith.cmpi eq, %jit3A_1872, %eq3A_1873 : i32
    %jit3A_1875 = arith.constant 1 : i32
    %select_n3A_1876 = arith.select %eq3A_1874, %jit3A_1875, %jit3A_1872 : i32
    %rem3A_1877 = arith.remsi %get3A_1871, %select_n3A_1876 : i32
    %ne3A_1878 = arith.constant 0 : i32
    %ne3A_1879 = arith.cmpi ne, %rem3A_1877, %ne3A_1878 : i32
    %lt3A_1880 = arith.constant 0 : i32
    %lt3A_1881 = arith.cmpi slt, %rem3A_1877, %lt3A_1880 : i32
    %lt3A_1882 = arith.constant 0 : i32
    %lt3A_1883 = arith.cmpi slt, %select_n3A_1876, %lt3A_1882 : i32
    %ne3A_1884 = arith.xori %lt3A_1881, %lt3A_1883 : i1
    %and3A_1885 = arith.andi %ne3A_1884, %ne3A_1879 : i1
    %add3A_1886 = arith.addi %rem3A_1877, %select_n3A_1876 : i32
    %select_n3A_1887 = arith.select %and3A_1885, %add3A_1886, %rem3A_1877 : i32
    %iota3A_1888 = tpu.iota {dimensions = array<i32: 0>} : vector<128x64xi32>
    %eq3A_1889 = vector.broadcast %select_n3A_1887 : i32 to vector<128x64xi32>
    %eq3A_1890 = arith.cmpi eq, %iota3A_1888, %eq3A_1889 : vector<128x64xi32>
    %get3A_1891 = arith.constant 0 : index
    %get3A_1892 = arith.constant 0 : index
    %get3A_1893 = vector.load %arg59[%get3A_1891, %get3A_1892] : memref<64x128xf32, #tpu.memory_space<vmem>>, vector<64x128xf32>
    %convert_element_type3A_1894 = arith.extui %eq3A_1890 : vector<128x64xi1> to vector<128x64xi32>
    %convert_element_type3A_1895 = arith.sitofp %convert_element_type3A_1894 : vector<128x64xi32> to vector<128x64xf32>
    %dot_general3A_1896 = arith.constant dense<0.000000e+00> : vector<64x64xf32>
    %dot_general3A_1897 = tpu.matmul %get3A_1893, %convert_element_type3A_1895, %dot_general3A_1896 {dimension_numbers = #tpu.dot_dimension_numbers<[1], [0], [0], [1], [0, 0, 1, 1], [], []>, transpose_lhs_hint = false} : vector<64x128xf32>, vector<128x64xf32>, vector<64x64xf32> -> vector<64x64xf32>
    %iota3A_1898 = tpu.iota {dimensions = array<i32: 1>} : vector<64x64xi32>
    %eq3A_1899 = arith.constant 57 : i32
    %eq3A_1900 = vector.broadcast %eq3A_1899 : i32 to vector<64x64xi32>
    %eq3A_1901 = arith.cmpi eq, %iota3A_1898, %eq3A_1900 : vector<64x64xi32>
    %select_n3A_1902 = arith.select %eq3A_1901, %dot_general3A_1897, %select_n3A_1869 : vector<64x64xi1>, vector<64x64xf32>
    %get3A_1903 = arith.constant 58 : index
    %get3A_1904 = memref.load %arg1[%get3A_1903] : memref<64xi32, #tpu.memory_space<smem>>
    %jit3A_1905 = arith.constant 128 : i32
    %eq3A_1906 = arith.constant 0 : i32
    %eq3A_1907 = arith.cmpi eq, %jit3A_1905, %eq3A_1906 : i32
    %jit3A_1908 = arith.constant 1 : i32
    %select_n3A_1909 = arith.select %eq3A_1907, %jit3A_1908, %jit3A_1905 : i32
    %rem3A_1910 = arith.remsi %get3A_1904, %select_n3A_1909 : i32
    %ne3A_1911 = arith.constant 0 : i32
    %ne3A_1912 = arith.cmpi ne, %rem3A_1910, %ne3A_1911 : i32
    %lt3A_1913 = arith.constant 0 : i32
    %lt3A_1914 = arith.cmpi slt, %rem3A_1910, %lt3A_1913 : i32
    %lt3A_1915 = arith.constant 0 : i32
    %lt3A_1916 = arith.cmpi slt, %select_n3A_1909, %lt3A_1915 : i32
    %ne3A_1917 = arith.xori %lt3A_1914, %lt3A_1916 : i1
    %and3A_1918 = arith.andi %ne3A_1917, %ne3A_1912 : i1
    %add3A_1919 = arith.addi %rem3A_1910, %select_n3A_1909 : i32
    %select_n3A_1920 = arith.select %and3A_1918, %add3A_1919, %rem3A_1910 : i32
    %iota3A_1921 = tpu.iota {dimensions = array<i32: 0>} : vector<128x64xi32>
    %eq3A_1922 = vector.broadcast %select_n3A_1920 : i32 to vector<128x64xi32>
    %eq3A_1923 = arith.cmpi eq, %iota3A_1921, %eq3A_1922 : vector<128x64xi32>
    %get3A_1924 = arith.constant 0 : index
    %get3A_1925 = arith.constant 0 : index
    %get3A_1926 = vector.load %arg60[%get3A_1924, %get3A_1925] : memref<64x128xf32, #tpu.memory_space<vmem>>, vector<64x128xf32>
    %convert_element_type3A_1927 = arith.extui %eq3A_1923 : vector<128x64xi1> to vector<128x64xi32>
    %convert_element_type3A_1928 = arith.sitofp %convert_element_type3A_1927 : vector<128x64xi32> to vector<128x64xf32>
    %dot_general3A_1929 = arith.constant dense<0.000000e+00> : vector<64x64xf32>
    %dot_general3A_1930 = tpu.matmul %get3A_1926, %convert_element_type3A_1928, %dot_general3A_1929 {dimension_numbers = #tpu.dot_dimension_numbers<[1], [0], [0], [1], [0, 0, 1, 1], [], []>, transpose_lhs_hint = false} : vector<64x128xf32>, vector<128x64xf32>, vector<64x64xf32> -> vector<64x64xf32>
    %iota3A_1931 = tpu.iota {dimensions = array<i32: 1>} : vector<64x64xi32>
    %eq3A_1932 = arith.constant 58 : i32
    %eq3A_1933 = vector.broadcast %eq3A_1932 : i32 to vector<64x64xi32>
    %eq3A_1934 = arith.cmpi eq, %iota3A_1931, %eq3A_1933 : vector<64x64xi32>
    %select_n3A_1935 = arith.select %eq3A_1934, %dot_general3A_1930, %select_n3A_1902 : vector<64x64xi1>, vector<64x64xf32>
    %get3A_1936 = arith.constant 59 : index
    %get3A_1937 = memref.load %arg1[%get3A_1936] : memref<64xi32, #tpu.memory_space<smem>>
    %jit3A_1938 = arith.constant 128 : i32
    %eq3A_1939 = arith.constant 0 : i32
    %eq3A_1940 = arith.cmpi eq, %jit3A_1938, %eq3A_1939 : i32
    %jit3A_1941 = arith.constant 1 : i32
    %select_n3A_1942 = arith.select %eq3A_1940, %jit3A_1941, %jit3A_1938 : i32
    %rem3A_1943 = arith.remsi %get3A_1937, %select_n3A_1942 : i32
    %ne3A_1944 = arith.constant 0 : i32
    %ne3A_1945 = arith.cmpi ne, %rem3A_1943, %ne3A_1944 : i32
    %lt3A_1946 = arith.constant 0 : i32
    %lt3A_1947 = arith.cmpi slt, %rem3A_1943, %lt3A_1946 : i32
    %lt3A_1948 = arith.constant 0 : i32
    %lt3A_1949 = arith.cmpi slt, %select_n3A_1942, %lt3A_1948 : i32
    %ne3A_1950 = arith.xori %lt3A_1947, %lt3A_1949 : i1
    %and3A_1951 = arith.andi %ne3A_1950, %ne3A_1945 : i1
    %add3A_1952 = arith.addi %rem3A_1943, %select_n3A_1942 : i32
    %select_n3A_1953 = arith.select %and3A_1951, %add3A_1952, %rem3A_1943 : i32
    %iota3A_1954 = tpu.iota {dimensions = array<i32: 0>} : vector<128x64xi32>
    %eq3A_1955 = vector.broadcast %select_n3A_1953 : i32 to vector<128x64xi32>
    %eq3A_1956 = arith.cmpi eq, %iota3A_1954, %eq3A_1955 : vector<128x64xi32>
    %get3A_1957 = arith.constant 0 : index
    %get3A_1958 = arith.constant 0 : index
    %get3A_1959 = vector.load %arg61[%get3A_1957, %get3A_1958] : memref<64x128xf32, #tpu.memory_space<vmem>>, vector<64x128xf32>
    %convert_element_type3A_1960 = arith.extui %eq3A_1956 : vector<128x64xi1> to vector<128x64xi32>
    %convert_element_type3A_1961 = arith.sitofp %convert_element_type3A_1960 : vector<128x64xi32> to vector<128x64xf32>
    %dot_general3A_1962 = arith.constant dense<0.000000e+00> : vector<64x64xf32>
    %dot_general3A_1963 = tpu.matmul %get3A_1959, %convert_element_type3A_1961, %dot_general3A_1962 {dimension_numbers = #tpu.dot_dimension_numbers<[1], [0], [0], [1], [0, 0, 1, 1], [], []>, transpose_lhs_hint = false} : vector<64x128xf32>, vector<128x64xf32>, vector<64x64xf32> -> vector<64x64xf32>
    %iota3A_1964 = tpu.iota {dimensions = array<i32: 1>} : vector<64x64xi32>
    %eq3A_1965 = arith.constant 59 : i32
    %eq3A_1966 = vector.broadcast %eq3A_1965 : i32 to vector<64x64xi32>
    %eq3A_1967 = arith.cmpi eq, %iota3A_1964, %eq3A_1966 : vector<64x64xi32>
    %select_n3A_1968 = arith.select %eq3A_1967, %dot_general3A_1963, %select_n3A_1935 : vector<64x64xi1>, vector<64x64xf32>
    %get3A_1969 = arith.constant 60 : index
    %get3A_1970 = memref.load %arg1[%get3A_1969] : memref<64xi32, #tpu.memory_space<smem>>
    %jit3A_1971 = arith.constant 128 : i32
    %eq3A_1972 = arith.constant 0 : i32
    %eq3A_1973 = arith.cmpi eq, %jit3A_1971, %eq3A_1972 : i32
    %jit3A_1974 = arith.constant 1 : i32
    %select_n3A_1975 = arith.select %eq3A_1973, %jit3A_1974, %jit3A_1971 : i32
    %rem3A_1976 = arith.remsi %get3A_1970, %select_n3A_1975 : i32
    %ne3A_1977 = arith.constant 0 : i32
    %ne3A_1978 = arith.cmpi ne, %rem3A_1976, %ne3A_1977 : i32
    %lt3A_1979 = arith.constant 0 : i32
    %lt3A_1980 = arith.cmpi slt, %rem3A_1976, %lt3A_1979 : i32
    %lt3A_1981 = arith.constant 0 : i32
    %lt3A_1982 = arith.cmpi slt, %select_n3A_1975, %lt3A_1981 : i32
    %ne3A_1983 = arith.xori %lt3A_1980, %lt3A_1982 : i1
    %and3A_1984 = arith.andi %ne3A_1983, %ne3A_1978 : i1
    %add3A_1985 = arith.addi %rem3A_1976, %select_n3A_1975 : i32
    %select_n3A_1986 = arith.select %and3A_1984, %add3A_1985, %rem3A_1976 : i32
    %iota3A_1987 = tpu.iota {dimensions = array<i32: 0>} : vector<128x64xi32>
    %eq3A_1988 = vector.broadcast %select_n3A_1986 : i32 to vector<128x64xi32>
    %eq3A_1989 = arith.cmpi eq, %iota3A_1987, %eq3A_1988 : vector<128x64xi32>
    %get3A_1990 = arith.constant 0 : index
    %get3A_1991 = arith.constant 0 : index
    %get3A_1992 = vector.load %arg62[%get3A_1990, %get3A_1991] : memref<64x128xf32, #tpu.memory_space<vmem>>, vector<64x128xf32>
    %convert_element_type3A_1993 = arith.extui %eq3A_1989 : vector<128x64xi1> to vector<128x64xi32>
    %convert_element_type3A_1994 = arith.sitofp %convert_element_type3A_1993 : vector<128x64xi32> to vector<128x64xf32>
    %dot_general3A_1995 = arith.constant dense<0.000000e+00> : vector<64x64xf32>
    %dot_general3A_1996 = tpu.matmul %get3A_1992, %convert_element_type3A_1994, %dot_general3A_1995 {dimension_numbers = #tpu.dot_dimension_numbers<[1], [0], [0], [1], [0, 0, 1, 1], [], []>, transpose_lhs_hint = false} : vector<64x128xf32>, vector<128x64xf32>, vector<64x64xf32> -> vector<64x64xf32>
    %iota3A_1997 = tpu.iota {dimensions = array<i32: 1>} : vector<64x64xi32>
    %eq3A_1998 = arith.constant 60 : i32
    %eq3A_1999 = vector.broadcast %eq3A_1998 : i32 to vector<64x64xi32>
    %eq3A_2000 = arith.cmpi eq, %iota3A_1997, %eq3A_1999 : vector<64x64xi32>
    %select_n3A_2001 = arith.select %eq3A_2000, %dot_general3A_1996, %select_n3A_1968 : vector<64x64xi1>, vector<64x64xf32>
    %get3A_2002 = arith.constant 61 : index
    %get3A_2003 = memref.load %arg1[%get3A_2002] : memref<64xi32, #tpu.memory_space<smem>>
    %jit3A_2004 = arith.constant 128 : i32
    %eq3A_2005 = arith.constant 0 : i32
    %eq3A_2006 = arith.cmpi eq, %jit3A_2004, %eq3A_2005 : i32
    %jit3A_2007 = arith.constant 1 : i32
    %select_n3A_2008 = arith.select %eq3A_2006, %jit3A_2007, %jit3A_2004 : i32
    %rem3A_2009 = arith.remsi %get3A_2003, %select_n3A_2008 : i32
    %ne3A_2010 = arith.constant 0 : i32
    %ne3A_2011 = arith.cmpi ne, %rem3A_2009, %ne3A_2010 : i32
    %lt3A_2012 = arith.constant 0 : i32
    %lt3A_2013 = arith.cmpi slt, %rem3A_2009, %lt3A_2012 : i32
    %lt3A_2014 = arith.constant 0 : i32
    %lt3A_2015 = arith.cmpi slt, %select_n3A_2008, %lt3A_2014 : i32
    %ne3A_2016 = arith.xori %lt3A_2013, %lt3A_2015 : i1
    %and3A_2017 = arith.andi %ne3A_2016, %ne3A_2011 : i1
    %add3A_2018 = arith.addi %rem3A_2009, %select_n3A_2008 : i32
    %select_n3A_2019 = arith.select %and3A_2017, %add3A_2018, %rem3A_2009 : i32
    %iota3A_2020 = tpu.iota {dimensions = array<i32: 0>} : vector<128x64xi32>
    %eq3A_2021 = vector.broadcast %select_n3A_2019 : i32 to vector<128x64xi32>
    %eq3A_2022 = arith.cmpi eq, %iota3A_2020, %eq3A_2021 : vector<128x64xi32>
    %get3A_2023 = arith.constant 0 : index
    %get3A_2024 = arith.constant 0 : index
    %get3A_2025 = vector.load %arg63[%get3A_2023, %get3A_2024] : memref<64x128xf32, #tpu.memory_space<vmem>>, vector<64x128xf32>
    %convert_element_type3A_2026 = arith.extui %eq3A_2022 : vector<128x64xi1> to vector<128x64xi32>
    %convert_element_type3A_2027 = arith.sitofp %convert_element_type3A_2026 : vector<128x64xi32> to vector<128x64xf32>
    %dot_general3A_2028 = arith.constant dense<0.000000e+00> : vector<64x64xf32>
    %dot_general3A_2029 = tpu.matmul %get3A_2025, %convert_element_type3A_2027, %dot_general3A_2028 {dimension_numbers = #tpu.dot_dimension_numbers<[1], [0], [0], [1], [0, 0, 1, 1], [], []>, transpose_lhs_hint = false} : vector<64x128xf32>, vector<128x64xf32>, vector<64x64xf32> -> vector<64x64xf32>
    %iota3A_2030 = tpu.iota {dimensions = array<i32: 1>} : vector<64x64xi32>
    %eq3A_2031 = arith.constant 61 : i32
    %eq3A_2032 = vector.broadcast %eq3A_2031 : i32 to vector<64x64xi32>
    %eq3A_2033 = arith.cmpi eq, %iota3A_2030, %eq3A_2032 : vector<64x64xi32>
    %select_n3A_2034 = arith.select %eq3A_2033, %dot_general3A_2029, %select_n3A_2001 : vector<64x64xi1>, vector<64x64xf32>
    %get3A_2035 = arith.constant 62 : index
    %get3A_2036 = memref.load %arg1[%get3A_2035] : memref<64xi32, #tpu.memory_space<smem>>
    %jit3A_2037 = arith.constant 128 : i32
    %eq3A_2038 = arith.constant 0 : i32
    %eq3A_2039 = arith.cmpi eq, %jit3A_2037, %eq3A_2038 : i32
    %jit3A_2040 = arith.constant 1 : i32
    %select_n3A_2041 = arith.select %eq3A_2039, %jit3A_2040, %jit3A_2037 : i32
    %rem3A_2042 = arith.remsi %get3A_2036, %select_n3A_2041 : i32
    %ne3A_2043 = arith.constant 0 : i32
    %ne3A_2044 = arith.cmpi ne, %rem3A_2042, %ne3A_2043 : i32
    %lt3A_2045 = arith.constant 0 : i32
    %lt3A_2046 = arith.cmpi slt, %rem3A_2042, %lt3A_2045 : i32
    %lt3A_2047 = arith.constant 0 : i32
    %lt3A_2048 = arith.cmpi slt, %select_n3A_2041, %lt3A_2047 : i32
    %ne3A_2049 = arith.xori %lt3A_2046, %lt3A_2048 : i1
    %and3A_2050 = arith.andi %ne3A_2049, %ne3A_2044 : i1
    %add3A_2051 = arith.addi %rem3A_2042, %select_n3A_2041 : i32
    %select_n3A_2052 = arith.select %and3A_2050, %add3A_2051, %rem3A_2042 : i32
    %iota3A_2053 = tpu.iota {dimensions = array<i32: 0>} : vector<128x64xi32>
    %eq3A_2054 = vector.broadcast %select_n3A_2052 : i32 to vector<128x64xi32>
    %eq3A_2055 = arith.cmpi eq, %iota3A_2053, %eq3A_2054 : vector<128x64xi32>
    %get3A_2056 = arith.constant 0 : index
    %get3A_2057 = arith.constant 0 : index
    %get3A_2058 = vector.load %arg64[%get3A_2056, %get3A_2057] : memref<64x128xf32, #tpu.memory_space<vmem>>, vector<64x128xf32>
    %convert_element_type3A_2059 = arith.extui %eq3A_2055 : vector<128x64xi1> to vector<128x64xi32>
    %convert_element_type3A_2060 = arith.sitofp %convert_element_type3A_2059 : vector<128x64xi32> to vector<128x64xf32>
    %dot_general3A_2061 = arith.constant dense<0.000000e+00> : vector<64x64xf32>
    %dot_general3A_2062 = tpu.matmul %get3A_2058, %convert_element_type3A_2060, %dot_general3A_2061 {dimension_numbers = #tpu.dot_dimension_numbers<[1], [0], [0], [1], [0, 0, 1, 1], [], []>, transpose_lhs_hint = false} : vector<64x128xf32>, vector<128x64xf32>, vector<64x64xf32> -> vector<64x64xf32>
    %iota3A_2063 = tpu.iota {dimensions = array<i32: 1>} : vector<64x64xi32>
    %eq3A_2064 = arith.constant 62 : i32
    %eq3A_2065 = vector.broadcast %eq3A_2064 : i32 to vector<64x64xi32>
    %eq3A_2066 = arith.cmpi eq, %iota3A_2063, %eq3A_2065 : vector<64x64xi32>
    %select_n3A_2067 = arith.select %eq3A_2066, %dot_general3A_2062, %select_n3A_2034 : vector<64x64xi1>, vector<64x64xf32>
    %get3A_2068 = arith.constant 63 : index
    %get3A_2069 = memref.load %arg1[%get3A_2068] : memref<64xi32, #tpu.memory_space<smem>>
    %jit3A_2070 = arith.constant 128 : i32
    %eq3A_2071 = arith.constant 0 : i32
    %eq3A_2072 = arith.cmpi eq, %jit3A_2070, %eq3A_2071 : i32
    %jit3A_2073 = arith.constant 1 : i32
    %select_n3A_2074 = arith.select %eq3A_2072, %jit3A_2073, %jit3A_2070 : i32
    %rem3A_2075 = arith.remsi %get3A_2069, %select_n3A_2074 : i32
    %ne3A_2076 = arith.constant 0 : i32
    %ne3A_2077 = arith.cmpi ne, %rem3A_2075, %ne3A_2076 : i32
    %lt3A_2078 = arith.constant 0 : i32
    %lt3A_2079 = arith.cmpi slt, %rem3A_2075, %lt3A_2078 : i32
    %lt3A_2080 = arith.constant 0 : i32
    %lt3A_2081 = arith.cmpi slt, %select_n3A_2074, %lt3A_2080 : i32
    %ne3A_2082 = arith.xori %lt3A_2079, %lt3A_2081 : i1
    %and3A_2083 = arith.andi %ne3A_2082, %ne3A_2077 : i1
    %add3A_2084 = arith.addi %rem3A_2075, %select_n3A_2074 : i32
    %select_n3A_2085 = arith.select %and3A_2083, %add3A_2084, %rem3A_2075 : i32
    %iota3A_2086 = tpu.iota {dimensions = array<i32: 0>} : vector<128x64xi32>
    %eq3A_2087 = vector.broadcast %select_n3A_2085 : i32 to vector<128x64xi32>
    %eq3A_2088 = arith.cmpi eq, %iota3A_2086, %eq3A_2087 : vector<128x64xi32>
    %get3A_2089 = arith.constant 0 : index
    %get3A_2090 = arith.constant 0 : index
    %get3A_2091 = vector.load %arg65[%get3A_2089, %get3A_2090] : memref<64x128xf32, #tpu.memory_space<vmem>>, vector<64x128xf32>
    %convert_element_type3A_2092 = arith.extui %eq3A_2088 : vector<128x64xi1> to vector<128x64xi32>
    %convert_element_type3A_2093 = arith.sitofp %convert_element_type3A_2092 : vector<128x64xi32> to vector<128x64xf32>
    %dot_general3A_2094 = arith.constant dense<0.000000e+00> : vector<64x64xf32>
    %dot_general3A_2095 = tpu.matmul %get3A_2091, %convert_element_type3A_2093, %dot_general3A_2094 {dimension_numbers = #tpu.dot_dimension_numbers<[1], [0], [0], [1], [0, 0, 1, 1], [], []>, transpose_lhs_hint = false} : vector<64x128xf32>, vector<128x64xf32>, vector<64x64xf32> -> vector<64x64xf32>
    %iota3A_2096 = tpu.iota {dimensions = array<i32: 1>} : vector<64x64xi32>
    %eq3A_2097 = arith.constant 63 : i32
    %eq3A_2098 = vector.broadcast %eq3A_2097 : i32 to vector<64x64xi32>
    %eq3A_2099 = arith.cmpi eq, %iota3A_2096, %eq3A_2098 : vector<64x64xi32>
    %select_n3A_2100 = arith.select %eq3A_2099, %dot_general3A_2095, %select_n3A_2067 : vector<64x64xi1>, vector<64x64xf32>
    %swap3A = arith.constant 0 : index
    %swap3A_2101 = arith.constant 0 : index
    %swap3A_2102 = vector.load %arg66[%swap3A, %swap3A_2101] : memref<64x64xf32, #tpu.memory_space<vmem>>, vector<64x64xf32>
    tpu.vector_store %arg66[%swap3A, %swap3A_2101], %select_n3A_2100 {strides = array<i32>} : memref<64x64xf32, #tpu.memory_space<vmem>>, vector<64x64xf32>,
    return
  }
  func.func @transform_0(%arg0: i32, %arg1: memref<64xi32, #tpu.memory_space<smem>>) -> (i32, i32) {
    %get3A = arith.constant 0 : index
    %get3A_0 = memref.load %arg1[%get3A] : memref<64xi32, #tpu.memory_space<smem>>
    %jit3A = arith.constant 128 : i32
    %div3A = arith.divsi %get3A_0, %jit3A : i32
    %sign3A = arith.constant 0 : i32
    %sign3A_1 = arith.cmpi sgt, %get3A_0, %sign3A : i32
    %sign3A_2 = arith.extui %sign3A_1 : i1 to i32
    %sign3A_3 = arith.constant 0 : i32
    %sign3A_4 = arith.cmpi slt, %get3A_0, %sign3A_3 : i32
    %sign3A_5 = arith.extui %sign3A_4 : i1 to i32
    %sign3A_6 = arith.subi %sign3A_2, %sign3A_5 : i32
    %sign3A_7 = arith.constant 0 : i32
    %sign3A_8 = arith.cmpi sgt, %jit3A, %sign3A_7 : i32
    %sign3A_9 = arith.extui %sign3A_8 : i1 to i32
    %sign3A_10 = arith.constant 0 : i32
    %sign3A_11 = arith.cmpi slt, %jit3A, %sign3A_10 : i32
    %sign3A_12 = arith.extui %sign3A_11 : i1 to i32
    %sign3A_13 = arith.subi %sign3A_9, %sign3A_12 : i32
    %ne3A = arith.cmpi ne, %sign3A_6, %sign3A_13 : i32
    %rem3A = arith.remsi %get3A_0, %jit3A : i32
    %ne3A_14 = arith.constant 0 : i32
    %ne3A_15 = arith.cmpi ne, %rem3A, %ne3A_14 : i32
    %and3A = arith.andi %ne3A, %ne3A_15 : i1
    %sub3A = arith.constant 1 : i32
    %sub3A_16 = arith.subi %div3A, %sub3A : i32
    %select_n3A = arith.select %and3A, %sub3A_16, %div3A : i32
    %c0_i32 = arith.constant 0 : i32
    %c0_i32_17 = arith.constant 0 : i32
    return %c0_i32, %select_n3A : i32, i32
  }
  func.func @transform_1(%arg0: i32, %arg1: memref<64xi32, #tpu.memory_space<smem>>) -> (i32, i32) {
    %get3A = arith.constant 1 : index
    %get3A_0 = memref.load %arg1[%get3A] : memref<64xi32, #tpu.memory_space<smem>>
    %jit3A = arith.constant 128 : i32
    %div3A = arith.divsi %get3A_0, %jit3A : i32
    %sign3A = arith.constant 0 : i32
    %sign3A_1 = arith.cmpi sgt, %get3A_0, %sign3A : i32
    %sign3A_2 = arith.extui %sign3A_1 : i1 to i32
    %sign3A_3 = arith.constant 0 : i32
    %sign3A_4 = arith.cmpi slt, %get3A_0, %sign3A_3 : i32
    %sign3A_5 = arith.extui %sign3A_4 : i1 to i32
    %sign3A_6 = arith.subi %sign3A_2, %sign3A_5 : i32
    %sign3A_7 = arith.constant 0 : i32
    %sign3A_8 = arith.cmpi sgt, %jit3A, %sign3A_7 : i32
    %sign3A_9 = arith.extui %sign3A_8 : i1 to i32
    %sign3A_10 = arith.constant 0 : i32
    %sign3A_11 = arith.cmpi slt, %jit3A, %sign3A_10 : i32
    %sign3A_12 = arith.extui %sign3A_11 : i1 to i32
    %sign3A_13 = arith.subi %sign3A_9, %sign3A_12 : i32
    %ne3A = arith.cmpi ne, %sign3A_6, %sign3A_13 : i32
    %rem3A = arith.remsi %get3A_0, %jit3A : i32
    %ne3A_14 = arith.constant 0 : i32
    %ne3A_15 = arith.cmpi ne, %rem3A, %ne3A_14 : i32
    %and3A = arith.andi %ne3A, %ne3A_15 : i1
    %sub3A = arith.constant 1 : i32
    %sub3A_16 = arith.subi %div3A, %sub3A : i32
    %select_n3A = arith.select %and3A, %sub3A_16, %div3A : i32
    %c0_i32 = arith.constant 0 : i32
    %c0_i32_17 = arith.constant 0 : i32
    return %c0_i32, %select_n3A : i32, i32
  }
  func.func @transform_2(%arg0: i32, %arg1: memref<64xi32, #tpu.memory_space<smem>>) -> (i32, i32) {
    %get3A = arith.constant 2 : index
    %get3A_0 = memref.load %arg1[%get3A] : memref<64xi32, #tpu.memory_space<smem>>
    %jit3A = arith.constant 128 : i32
    %div3A = arith.divsi %get3A_0, %jit3A : i32
    %sign3A = arith.constant 0 : i32
    %sign3A_1 = arith.cmpi sgt, %get3A_0, %sign3A : i32
    %sign3A_2 = arith.extui %sign3A_1 : i1 to i32
    %sign3A_3 = arith.constant 0 : i32
    %sign3A_4 = arith.cmpi slt, %get3A_0, %sign3A_3 : i32
    %sign3A_5 = arith.extui %sign3A_4 : i1 to i32
    %sign3A_6 = arith.subi %sign3A_2, %sign3A_5 : i32
    %sign3A_7 = arith.constant 0 : i32
    %sign3A_8 = arith.cmpi sgt, %jit3A, %sign3A_7 : i32
    %sign3A_9 = arith.extui %sign3A_8 : i1 to i32
    %sign3A_10 = arith.constant 0 : i32
    %sign3A_11 = arith.cmpi slt, %jit3A, %sign3A_10 : i32
    %sign3A_12 = arith.extui %sign3A_11 : i1 to i32
    %sign3A_13 = arith.subi %sign3A_9, %sign3A_12 : i32
    %ne3A = arith.cmpi ne, %sign3A_6, %sign3A_13 : i32
    %rem3A = arith.remsi %get3A_0, %jit3A : i32
    %ne3A_14 = arith.constant 0 : i32
    %ne3A_15 = arith.cmpi ne, %rem3A, %ne3A_14 : i32
    %and3A = arith.andi %ne3A, %ne3A_15 : i1
    %sub3A = arith.constant 1 : i32
    %sub3A_16 = arith.subi %div3A, %sub3A : i32
    %select_n3A = arith.select %and3A, %sub3A_16, %div3A : i32
    %c0_i32 = arith.constant 0 : i32
    %c0_i32_17 = arith.constant 0 : i32
    return %c0_i32, %select_n3A : i32, i32
  }
  func.func @transform_3(%arg0: i32, %arg1: memref<64xi32, #tpu.memory_space<smem>>) -> (i32, i32) {
    %get3A = arith.constant 3 : index
    %get3A_0 = memref.load %arg1[%get3A] : memref<64xi32, #tpu.memory_space<smem>>
    %jit3A = arith.constant 128 : i32
    %div3A = arith.divsi %get3A_0, %jit3A : i32
    %sign3A = arith.constant 0 : i32
    %sign3A_1 = arith.cmpi sgt, %get3A_0, %sign3A : i32
    %sign3A_2 = arith.extui %sign3A_1 : i1 to i32
    %sign3A_3 = arith.constant 0 : i32
    %sign3A_4 = arith.cmpi slt, %get3A_0, %sign3A_3 : i32
    %sign3A_5 = arith.extui %sign3A_4 : i1 to i32
    %sign3A_6 = arith.subi %sign3A_2, %sign3A_5 : i32
    %sign3A_7 = arith.constant 0 : i32
    %sign3A_8 = arith.cmpi sgt, %jit3A, %sign3A_7 : i32
    %sign3A_9 = arith.extui %sign3A_8 : i1 to i32
    %sign3A_10 = arith.constant 0 : i32
    %sign3A_11 = arith.cmpi slt, %jit3A, %sign3A_10 : i32
    %sign3A_12 = arith.extui %sign3A_11 : i1 to i32
    %sign3A_13 = arith.subi %sign3A_9, %sign3A_12 : i32
    %ne3A = arith.cmpi ne, %sign3A_6, %sign3A_13 : i32
    %rem3A = arith.remsi %get3A_0, %jit3A : i32
    %ne3A_14 = arith.constant 0 : i32
    %ne3A_15 = arith.cmpi ne, %rem3A, %ne3A_14 : i32
    %and3A = arith.andi %ne3A, %ne3A_15 : i1
    %sub3A = arith.constant 1 : i32
    %sub3A_16 = arith.subi %div3A, %sub3A : i32
    %select_n3A = arith.select %and3A, %sub3A_16, %div3A : i32
    %c0_i32 = arith.constant 0 : i32
    %c0_i32_17 = arith.constant 0 : i32
    return %c0_i32, %select_n3A : i32, i32
  }
  func.func @transform_4(%arg0: i32, %arg1: memref<64xi32, #tpu.memory_space<smem>>) -> (i32, i32) {
    %get3A = arith.constant 4 : index
    %get3A_0 = memref.load %arg1[%get3A] : memref<64xi32, #tpu.memory_space<smem>>
    %jit3A = arith.constant 128 : i32
    %div3A = arith.divsi %get3A_0, %jit3A : i32
    %sign3A = arith.constant 0 : i32
    %sign3A_1 = arith.cmpi sgt, %get3A_0, %sign3A : i32
    %sign3A_2 = arith.extui %sign3A_1 : i1 to i32
    %sign3A_3 = arith.constant 0 : i32
    %sign3A_4 = arith.cmpi slt, %get3A_0, %sign3A_3 : i32
    %sign3A_5 = arith.extui %sign3A_4 : i1 to i32
    %sign3A_6 = arith.subi %sign3A_2, %sign3A_5 : i32
    %sign3A_7 = arith.constant 0 : i32
    %sign3A_8 = arith.cmpi sgt, %jit3A, %sign3A_7 : i32
    %sign3A_9 = arith.extui %sign3A_8 : i1 to i32
    %sign3A_10 = arith.constant 0 : i32
    %sign3A_11 = arith.cmpi slt, %jit3A, %sign3A_10 : i32
    %sign3A_12 = arith.extui %sign3A_11 : i1 to i32
    %sign3A_13 = arith.subi %sign3A_9, %sign3A_12 : i32
    %ne3A = arith.cmpi ne, %sign3A_6, %sign3A_13 : i32
    %rem3A = arith.remsi %get3A_0, %jit3A : i32
    %ne3A_14 = arith.constant 0 : i32
    %ne3A_15 = arith.cmpi ne, %rem3A, %ne3A_14 : i32
    %and3A = arith.andi %ne3A, %ne3A_15 : i1
    %sub3A = arith.constant 1 : i32
    %sub3A_16 = arith.subi %div3A, %sub3A : i32
    %select_n3A = arith.select %and3A, %sub3A_16, %div3A : i32
    %c0_i32 = arith.constant 0 : i32
    %c0_i32_17 = arith.constant 0 : i32
    return %c0_i32, %select_n3A : i32, i32
  }
  func.func @transform_5(%arg0: i32, %arg1: memref<64xi32, #tpu.memory_space<smem>>) -> (i32, i32) {
    %get3A = arith.constant 5 : index
    %get3A_0 = memref.load %arg1[%get3A] : memref<64xi32, #tpu.memory_space<smem>>
    %jit3A = arith.constant 128 : i32
    %div3A = arith.divsi %get3A_0, %jit3A : i32
    %sign3A = arith.constant 0 : i32
    %sign3A_1 = arith.cmpi sgt, %get3A_0, %sign3A : i32
    %sign3A_2 = arith.extui %sign3A_1 : i1 to i32
    %sign3A_3 = arith.constant 0 : i32
    %sign3A_4 = arith.cmpi slt, %get3A_0, %sign3A_3 : i32
    %sign3A_5 = arith.extui %sign3A_4 : i1 to i32
    %sign3A_6 = arith.subi %sign3A_2, %sign3A_5 : i32
    %sign3A_7 = arith.constant 0 : i32
    %sign3A_8 = arith.cmpi sgt, %jit3A, %sign3A_7 : i32
    %sign3A_9 = arith.extui %sign3A_8 : i1 to i32
    %sign3A_10 = arith.constant 0 : i32
    %sign3A_11 = arith.cmpi slt, %jit3A, %sign3A_10 : i32
    %sign3A_12 = arith.extui %sign3A_11 : i1 to i32
    %sign3A_13 = arith.subi %sign3A_9, %sign3A_12 : i32
    %ne3A = arith.cmpi ne, %sign3A_6, %sign3A_13 : i32
    %rem3A = arith.remsi %get3A_0, %jit3A : i32
    %ne3A_14 = arith.constant 0 : i32
    %ne3A_15 = arith.cmpi ne, %rem3A, %ne3A_14 : i32
    %and3A = arith.andi %ne3A, %ne3A_15 : i1
    %sub3A = arith.constant 1 : i32
    %sub3A_16 = arith.subi %div3A, %sub3A : i32
    %select_n3A = arith.select %and3A, %sub3A_16, %div3A : i32
    %c0_i32 = arith.constant 0 : i32
    %c0_i32_17 = arith.constant 0 : i32
    return %c0_i32, %select_n3A : i32, i32
  }
  func.func @transform_6(%arg0: i32, %arg1: memref<64xi32, #tpu.memory_space<smem>>) -> (i32, i32) {
    %get3A = arith.constant 6 : index
    %get3A_0 = memref.load %arg1[%get3A] : memref<64xi32, #tpu.memory_space<smem>>
    %jit3A = arith.constant 128 : i32
    %div3A = arith.divsi %get3A_0, %jit3A : i32
    %sign3A = arith.constant 0 : i32
    %sign3A_1 = arith.cmpi sgt, %get3A_0, %sign3A : i32
    %sign3A_2 = arith.extui %sign3A_1 : i1 to i32
    %sign3A_3 = arith.constant 0 : i32
    %sign3A_4 = arith.cmpi slt, %get3A_0, %sign3A_3 : i32
    %sign3A_5 = arith.extui %sign3A_4 : i1 to i32
    %sign3A_6 = arith.subi %sign3A_2, %sign3A_5 : i32
    %sign3A_7 = arith.constant 0 : i32
    %sign3A_8 = arith.cmpi sgt, %jit3A, %sign3A_7 : i32
    %sign3A_9 = arith.extui %sign3A_8 : i1 to i32
    %sign3A_10 = arith.constant 0 : i32
    %sign3A_11 = arith.cmpi slt, %jit3A, %sign3A_10 : i32
    %sign3A_12 = arith.extui %sign3A_11 : i1 to i32
    %sign3A_13 = arith.subi %sign3A_9, %sign3A_12 : i32
    %ne3A = arith.cmpi ne, %sign3A_6, %sign3A_13 : i32
    %rem3A = arith.remsi %get3A_0, %jit3A : i32
    %ne3A_14 = arith.constant 0 : i32
    %ne3A_15 = arith.cmpi ne, %rem3A, %ne3A_14 : i32
    %and3A = arith.andi %ne3A, %ne3A_15 : i1
    %sub3A = arith.constant 1 : i32
    %sub3A_16 = arith.subi %div3A, %sub3A : i32
    %select_n3A = arith.select %and3A, %sub3A_16, %div3A : i32
    %c0_i32 = arith.constant 0 : i32
    %c0_i32_17 = arith.constant 0 : i32
    return %c0_i32, %select_n3A : i32, i32
  }
  func.func @transform_7(%arg0: i32, %arg1: memref<64xi32, #tpu.memory_space<smem>>) -> (i32, i32) {
    %get3A = arith.constant 7 : index
    %get3A_0 = memref.load %arg1[%get3A] : memref<64xi32, #tpu.memory_space<smem>>
    %jit3A = arith.constant 128 : i32
    %div3A = arith.divsi %get3A_0, %jit3A : i32
    %sign3A = arith.constant 0 : i32
    %sign3A_1 = arith.cmpi sgt, %get3A_0, %sign3A : i32
    %sign3A_2 = arith.extui %sign3A_1 : i1 to i32
    %sign3A_3 = arith.constant 0 : i32
    %sign3A_4 = arith.cmpi slt, %get3A_0, %sign3A_3 : i32
    %sign3A_5 = arith.extui %sign3A_4 : i1 to i32
    %sign3A_6 = arith.subi %sign3A_2, %sign3A_5 : i32
    %sign3A_7 = arith.constant 0 : i32
    %sign3A_8 = arith.cmpi sgt, %jit3A, %sign3A_7 : i32
    %sign3A_9 = arith.extui %sign3A_8 : i1 to i32
    %sign3A_10 = arith.constant 0 : i32
    %sign3A_11 = arith.cmpi slt, %jit3A, %sign3A_10 : i32
    %sign3A_12 = arith.extui %sign3A_11 : i1 to i32
    %sign3A_13 = arith.subi %sign3A_9, %sign3A_12 : i32
    %ne3A = arith.cmpi ne, %sign3A_6, %sign3A_13 : i32
    %rem3A = arith.remsi %get3A_0, %jit3A : i32
    %ne3A_14 = arith.constant 0 : i32
    %ne3A_15 = arith.cmpi ne, %rem3A, %ne3A_14 : i32
    %and3A = arith.andi %ne3A, %ne3A_15 : i1
    %sub3A = arith.constant 1 : i32
    %sub3A_16 = arith.subi %div3A, %sub3A : i32
    %select_n3A = arith.select %and3A, %sub3A_16, %div3A : i32
    %c0_i32 = arith.constant 0 : i32
    %c0_i32_17 = arith.constant 0 : i32
    return %c0_i32, %select_n3A : i32, i32
  }
  func.func @transform_8(%arg0: i32, %arg1: memref<64xi32, #tpu.memory_space<smem>>) -> (i32, i32) {
    %get3A = arith.constant 8 : index
    %get3A_0 = memref.load %arg1[%get3A] : memref<64xi32, #tpu.memory_space<smem>>
    %jit3A = arith.constant 128 : i32
    %div3A = arith.divsi %get3A_0, %jit3A : i32
    %sign3A = arith.constant 0 : i32
    %sign3A_1 = arith.cmpi sgt, %get3A_0, %sign3A : i32
    %sign3A_2 = arith.extui %sign3A_1 : i1 to i32
    %sign3A_3 = arith.constant 0 : i32
    %sign3A_4 = arith.cmpi slt, %get3A_0, %sign3A_3 : i32
    %sign3A_5 = arith.extui %sign3A_4 : i1 to i32
    %sign3A_6 = arith.subi %sign3A_2, %sign3A_5 : i32
    %sign3A_7 = arith.constant 0 : i32
    %sign3A_8 = arith.cmpi sgt, %jit3A, %sign3A_7 : i32
    %sign3A_9 = arith.extui %sign3A_8 : i1 to i32
    %sign3A_10 = arith.constant 0 : i32
    %sign3A_11 = arith.cmpi slt, %jit3A, %sign3A_10 : i32
    %sign3A_12 = arith.extui %sign3A_11 : i1 to i32
    %sign3A_13 = arith.subi %sign3A_9, %sign3A_12 : i32
    %ne3A = arith.cmpi ne, %sign3A_6, %sign3A_13 : i32
    %rem3A = arith.remsi %get3A_0, %jit3A : i32
    %ne3A_14 = arith.constant 0 : i32
    %ne3A_15 = arith.cmpi ne, %rem3A, %ne3A_14 : i32
    %and3A = arith.andi %ne3A, %ne3A_15 : i1
    %sub3A = arith.constant 1 : i32
    %sub3A_16 = arith.subi %div3A, %sub3A : i32
    %select_n3A = arith.select %and3A, %sub3A_16, %div3A : i32
    %c0_i32 = arith.constant 0 : i32
    %c0_i32_17 = arith.constant 0 : i32
    return %c0_i32, %select_n3A : i32, i32
  }
  func.func @transform_9(%arg0: i32, %arg1: memref<64xi32, #tpu.memory_space<smem>>) -> (i32, i32) {
    %get3A = arith.constant 9 : index
    %get3A_0 = memref.load %arg1[%get3A] : memref<64xi32, #tpu.memory_space<smem>>
    %jit3A = arith.constant 128 : i32
    %div3A = arith.divsi %get3A_0, %jit3A : i32
    %sign3A = arith.constant 0 : i32
    %sign3A_1 = arith.cmpi sgt, %get3A_0, %sign3A : i32
    %sign3A_2 = arith.extui %sign3A_1 : i1 to i32
    %sign3A_3 = arith.constant 0 : i32
    %sign3A_4 = arith.cmpi slt, %get3A_0, %sign3A_3 : i32
    %sign3A_5 = arith.extui %sign3A_4 : i1 to i32
    %sign3A_6 = arith.subi %sign3A_2, %sign3A_5 : i32
    %sign3A_7 = arith.constant 0 : i32
    %sign3A_8 = arith.cmpi sgt, %jit3A, %sign3A_7 : i32
    %sign3A_9 = arith.extui %sign3A_8 : i1 to i32
    %sign3A_10 = arith.constant 0 : i32
    %sign3A_11 = arith.cmpi slt, %jit3A, %sign3A_10 : i32
    %sign3A_12 = arith.extui %sign3A_11 : i1 to i32
    %sign3A_13 = arith.subi %sign3A_9, %sign3A_12 : i32
    %ne3A = arith.cmpi ne, %sign3A_6, %sign3A_13 : i32
    %rem3A = arith.remsi %get3A_0, %jit3A : i32
    %ne3A_14 = arith.constant 0 : i32
    %ne3A_15 = arith.cmpi ne, %rem3A, %ne3A_14 : i32
    %and3A = arith.andi %ne3A, %ne3A_15 : i1
    %sub3A = arith.constant 1 : i32
    %sub3A_16 = arith.subi %div3A, %sub3A : i32
    %select_n3A = arith.select %and3A, %sub3A_16, %div3A : i32
    %c0_i32 = arith.constant 0 : i32
    %c0_i32_17 = arith.constant 0 : i32
    return %c0_i32, %select_n3A : i32, i32
  }
  func.func @transform_10(%arg0: i32, %arg1: memref<64xi32, #tpu.memory_space<smem>>) -> (i32, i32) {
    %get3A = arith.constant 10 : index
    %get3A_0 = memref.load %arg1[%get3A] : memref<64xi32, #tpu.memory_space<smem>>
    %jit3A = arith.constant 128 : i32
    %div3A = arith.divsi %get3A_0, %jit3A : i32
    %sign3A = arith.constant 0 : i32
    %sign3A_1 = arith.cmpi sgt, %get3A_0, %sign3A : i32
    %sign3A_2 = arith.extui %sign3A_1 : i1 to i32
    %sign3A_3 = arith.constant 0 : i32
    %sign3A_4 = arith.cmpi slt, %get3A_0, %sign3A_3 : i32
    %sign3A_5 = arith.extui %sign3A_4 : i1 to i32
    %sign3A_6 = arith.subi %sign3A_2, %sign3A_5 : i32
    %sign3A_7 = arith.constant 0 : i32
    %sign3A_8 = arith.cmpi sgt, %jit3A, %sign3A_7 : i32
    %sign3A_9 = arith.extui %sign3A_8 : i1 to i32
    %sign3A_10 = arith.constant 0 : i32
    %sign3A_11 = arith.cmpi slt, %jit3A, %sign3A_10 : i32
    %sign3A_12 = arith.extui %sign3A_11 : i1 to i32
    %sign3A_13 = arith.subi %sign3A_9, %sign3A_12 : i32
    %ne3A = arith.cmpi ne, %sign3A_6, %sign3A_13 : i32
    %rem3A = arith.remsi %get3A_0, %jit3A : i32
    %ne3A_14 = arith.constant 0 : i32
    %ne3A_15 = arith.cmpi ne, %rem3A, %ne3A_14 : i32
    %and3A = arith.andi %ne3A, %ne3A_15 : i1
    %sub3A = arith.constant 1 : i32
    %sub3A_16 = arith.subi %div3A, %sub3A : i32
    %select_n3A = arith.select %and3A, %sub3A_16, %div3A : i32
    %c0_i32 = arith.constant 0 : i32
    %c0_i32_17 = arith.constant 0 : i32
    return %c0_i32, %select_n3A : i32, i32
  }
  func.func @transform_11(%arg0: i32, %arg1: memref<64xi32, #tpu.memory_space<smem>>) -> (i32, i32) {
    %get3A = arith.constant 11 : index
    %get3A_0 = memref.load %arg1[%get3A] : memref<64xi32, #tpu.memory_space<smem>>
    %jit3A = arith.constant 128 : i32
    %div3A = arith.divsi %get3A_0, %jit3A : i32
    %sign3A = arith.constant 0 : i32
    %sign3A_1 = arith.cmpi sgt, %get3A_0, %sign3A : i32
    %sign3A_2 = arith.extui %sign3A_1 : i1 to i32
    %sign3A_3 = arith.constant 0 : i32
    %sign3A_4 = arith.cmpi slt, %get3A_0, %sign3A_3 : i32
    %sign3A_5 = arith.extui %sign3A_4 : i1 to i32
    %sign3A_6 = arith.subi %sign3A_2, %sign3A_5 : i32
    %sign3A_7 = arith.constant 0 : i32
    %sign3A_8 = arith.cmpi sgt, %jit3A, %sign3A_7 : i32
    %sign3A_9 = arith.extui %sign3A_8 : i1 to i32
    %sign3A_10 = arith.constant 0 : i32
    %sign3A_11 = arith.cmpi slt, %jit3A, %sign3A_10 : i32
    %sign3A_12 = arith.extui %sign3A_11 : i1 to i32
    %sign3A_13 = arith.subi %sign3A_9, %sign3A_12 : i32
    %ne3A = arith.cmpi ne, %sign3A_6, %sign3A_13 : i32
    %rem3A = arith.remsi %get3A_0, %jit3A : i32
    %ne3A_14 = arith.constant 0 : i32
    %ne3A_15 = arith.cmpi ne, %rem3A, %ne3A_14 : i32
    %and3A = arith.andi %ne3A, %ne3A_15 : i1
    %sub3A = arith.constant 1 : i32
    %sub3A_16 = arith.subi %div3A, %sub3A : i32
    %select_n3A = arith.select %and3A, %sub3A_16, %div3A : i32
    %c0_i32 = arith.constant 0 : i32
    %c0_i32_17 = arith.constant 0 : i32
    return %c0_i32, %select_n3A : i32, i32
  }
  func.func @transform_12(%arg0: i32, %arg1: memref<64xi32, #tpu.memory_space<smem>>) -> (i32, i32) {
    %get3A = arith.constant 12 : index
    %get3A_0 = memref.load %arg1[%get3A] : memref<64xi32, #tpu.memory_space<smem>>
    %jit3A = arith.constant 128 : i32
    %div3A = arith.divsi %get3A_0, %jit3A : i32
    %sign3A = arith.constant 0 : i32
    %sign3A_1 = arith.cmpi sgt, %get3A_0, %sign3A : i32
    %sign3A_2 = arith.extui %sign3A_1 : i1 to i32
    %sign3A_3 = arith.constant 0 : i32
    %sign3A_4 = arith.cmpi slt, %get3A_0, %sign3A_3 : i32
    %sign3A_5 = arith.extui %sign3A_4 : i1 to i32
    %sign3A_6 = arith.subi %sign3A_2, %sign3A_5 : i32
    %sign3A_7 = arith.constant 0 : i32
    %sign3A_8 = arith.cmpi sgt, %jit3A, %sign3A_7 : i32
    %sign3A_9 = arith.extui %sign3A_8 : i1 to i32
    %sign3A_10 = arith.constant 0 : i32
    %sign3A_11 = arith.cmpi slt, %jit3A, %sign3A_10 : i32
    %sign3A_12 = arith.extui %sign3A_11 : i1 to i32
    %sign3A_13 = arith.subi %sign3A_9, %sign3A_12 : i32
    %ne3A = arith.cmpi ne, %sign3A_6, %sign3A_13 : i32
    %rem3A = arith.remsi %get3A_0, %jit3A : i32
    %ne3A_14 = arith.constant 0 : i32
    %ne3A_15 = arith.cmpi ne, %rem3A, %ne3A_14 : i32
    %and3A = arith.andi %ne3A, %ne3A_15 : i1
    %sub3A = arith.constant 1 : i32
    %sub3A_16 = arith.subi %div3A, %sub3A : i32
    %select_n3A = arith.select %and3A, %sub3A_16, %div3A : i32
    %c0_i32 = arith.constant 0 : i32
    %c0_i32_17 = arith.constant 0 : i32
    return %c0_i32, %select_n3A : i32, i32
  }
  func.func @transform_13(%arg0: i32, %arg1: memref<64xi32, #tpu.memory_space<smem>>) -> (i32, i32) {
    %get3A = arith.constant 13 : index
    %get3A_0 = memref.load %arg1[%get3A] : memref<64xi32, #tpu.memory_space<smem>>
    %jit3A = arith.constant 128 : i32
    %div3A = arith.divsi %get3A_0, %jit3A : i32
    %sign3A = arith.constant 0 : i32
    %sign3A_1 = arith.cmpi sgt, %get3A_0, %sign3A : i32
    %sign3A_2 = arith.extui %sign3A_1 : i1 to i32
    %sign3A_3 = arith.constant 0 : i32
    %sign3A_4 = arith.cmpi slt, %get3A_0, %sign3A_3 : i32
    %sign3A_5 = arith.extui %sign3A_4 : i1 to i32
    %sign3A_6 = arith.subi %sign3A_2, %sign3A_5 : i32
    %sign3A_7 = arith.constant 0 : i32
    %sign3A_8 = arith.cmpi sgt, %jit3A, %sign3A_7 : i32
    %sign3A_9 = arith.extui %sign3A_8 : i1 to i32
    %sign3A_10 = arith.constant 0 : i32
    %sign3A_11 = arith.cmpi slt, %jit3A, %sign3A_10 : i32
    %sign3A_12 = arith.extui %sign3A_11 : i1 to i32
    %sign3A_13 = arith.subi %sign3A_9, %sign3A_12 : i32
    %ne3A = arith.cmpi ne, %sign3A_6, %sign3A_13 : i32
    %rem3A = arith.remsi %get3A_0, %jit3A : i32
    %ne3A_14 = arith.constant 0 : i32
    %ne3A_15 = arith.cmpi ne, %rem3A, %ne3A_14 : i32
    %and3A = arith.andi %ne3A, %ne3A_15 : i1
    %sub3A = arith.constant 1 : i32
    %sub3A_16 = arith.subi %div3A, %sub3A : i32
    %select_n3A = arith.select %and3A, %sub3A_16, %div3A : i32
    %c0_i32 = arith.constant 0 : i32
    %c0_i32_17 = arith.constant 0 : i32
    return %c0_i32, %select_n3A : i32, i32
  }
  func.func @transform_14(%arg0: i32, %arg1: memref<64xi32, #tpu.memory_space<smem>>) -> (i32, i32) {
    %get3A = arith.constant 14 : index
    %get3A_0 = memref.load %arg1[%get3A] : memref<64xi32, #tpu.memory_space<smem>>
    %jit3A = arith.constant 128 : i32
    %div3A = arith.divsi %get3A_0, %jit3A : i32
    %sign3A = arith.constant 0 : i32
    %sign3A_1 = arith.cmpi sgt, %get3A_0, %sign3A : i32
    %sign3A_2 = arith.extui %sign3A_1 : i1 to i32
    %sign3A_3 = arith.constant 0 : i32
    %sign3A_4 = arith.cmpi slt, %get3A_0, %sign3A_3 : i32
    %sign3A_5 = arith.extui %sign3A_4 : i1 to i32
    %sign3A_6 = arith.subi %sign3A_2, %sign3A_5 : i32
    %sign3A_7 = arith.constant 0 : i32
    %sign3A_8 = arith.cmpi sgt, %jit3A, %sign3A_7 : i32
    %sign3A_9 = arith.extui %sign3A_8 : i1 to i32
    %sign3A_10 = arith.constant 0 : i32
    %sign3A_11 = arith.cmpi slt, %jit3A, %sign3A_10 : i32
    %sign3A_12 = arith.extui %sign3A_11 : i1 to i32
    %sign3A_13 = arith.subi %sign3A_9, %sign3A_12 : i32
    %ne3A = arith.cmpi ne, %sign3A_6, %sign3A_13 : i32
    %rem3A = arith.remsi %get3A_0, %jit3A : i32
    %ne3A_14 = arith.constant 0 : i32
    %ne3A_15 = arith.cmpi ne, %rem3A, %ne3A_14 : i32
    %and3A = arith.andi %ne3A, %ne3A_15 : i1
    %sub3A = arith.constant 1 : i32
    %sub3A_16 = arith.subi %div3A, %sub3A : i32
    %select_n3A = arith.select %and3A, %sub3A_16, %div3A : i32
    %c0_i32 = arith.constant 0 : i32
    %c0_i32_17 = arith.constant 0 : i32
    return %c0_i32, %select_n3A : i32, i32
  }
  func.func @transform_15(%arg0: i32, %arg1: memref<64xi32, #tpu.memory_space<smem>>) -> (i32, i32) {
    %get3A = arith.constant 15 : index
    %get3A_0 = memref.load %arg1[%get3A] : memref<64xi32, #tpu.memory_space<smem>>
    %jit3A = arith.constant 128 : i32
    %div3A = arith.divsi %get3A_0, %jit3A : i32
    %sign3A = arith.constant 0 : i32
    %sign3A_1 = arith.cmpi sgt, %get3A_0, %sign3A : i32
    %sign3A_2 = arith.extui %sign3A_1 : i1 to i32
    %sign3A_3 = arith.constant 0 : i32
    %sign3A_4 = arith.cmpi slt, %get3A_0, %sign3A_3 : i32
    %sign3A_5 = arith.extui %sign3A_4 : i1 to i32
    %sign3A_6 = arith.subi %sign3A_2, %sign3A_5 : i32
    %sign3A_7 = arith.constant 0 : i32
    %sign3A_8 = arith.cmpi sgt, %jit3A, %sign3A_7 : i32
    %sign3A_9 = arith.extui %sign3A_8 : i1 to i32
    %sign3A_10 = arith.constant 0 : i32
    %sign3A_11 = arith.cmpi slt, %jit3A, %sign3A_10 : i32
    %sign3A_12 = arith.extui %sign3A_11 : i1 to i32
    %sign3A_13 = arith.subi %sign3A_9, %sign3A_12 : i32
    %ne3A = arith.cmpi ne, %sign3A_6, %sign3A_13 : i32
    %rem3A = arith.remsi %get3A_0, %jit3A : i32
    %ne3A_14 = arith.constant 0 : i32
    %ne3A_15 = arith.cmpi ne, %rem3A, %ne3A_14 : i32
    %and3A = arith.andi %ne3A, %ne3A_15 : i1
    %sub3A = arith.constant 1 : i32
    %sub3A_16 = arith.subi %div3A, %sub3A : i32
    %select_n3A = arith.select %and3A, %sub3A_16, %div3A : i32
    %c0_i32 = arith.constant 0 : i32
    %c0_i32_17 = arith.constant 0 : i32
    return %c0_i32, %select_n3A : i32, i32
  }
  func.func @transform_16(%arg0: i32, %arg1: memref<64xi32, #tpu.memory_space<smem>>) -> (i32, i32) {
    %get3A = arith.constant 16 : index
    %get3A_0 = memref.load %arg1[%get3A] : memref<64xi32, #tpu.memory_space<smem>>
    %jit3A = arith.constant 128 : i32
    %div3A = arith.divsi %get3A_0, %jit3A : i32
    %sign3A = arith.constant 0 : i32
    %sign3A_1 = arith.cmpi sgt, %get3A_0, %sign3A : i32
    %sign3A_2 = arith.extui %sign3A_1 : i1 to i32
    %sign3A_3 = arith.constant 0 : i32
    %sign3A_4 = arith.cmpi slt, %get3A_0, %sign3A_3 : i32
    %sign3A_5 = arith.extui %sign3A_4 : i1 to i32
    %sign3A_6 = arith.subi %sign3A_2, %sign3A_5 : i32
    %sign3A_7 = arith.constant 0 : i32
    %sign3A_8 = arith.cmpi sgt, %jit3A, %sign3A_7 : i32
    %sign3A_9 = arith.extui %sign3A_8 : i1 to i32
    %sign3A_10 = arith.constant 0 : i32
    %sign3A_11 = arith.cmpi slt, %jit3A, %sign3A_10 : i32
    %sign3A_12 = arith.extui %sign3A_11 : i1 to i32
    %sign3A_13 = arith.subi %sign3A_9, %sign3A_12 : i32
    %ne3A = arith.cmpi ne, %sign3A_6, %sign3A_13 : i32
    %rem3A = arith.remsi %get3A_0, %jit3A : i32
    %ne3A_14 = arith.constant 0 : i32
    %ne3A_15 = arith.cmpi ne, %rem3A, %ne3A_14 : i32
    %and3A = arith.andi %ne3A, %ne3A_15 : i1
    %sub3A = arith.constant 1 : i32
    %sub3A_16 = arith.subi %div3A, %sub3A : i32
    %select_n3A = arith.select %and3A, %sub3A_16, %div3A : i32
    %c0_i32 = arith.constant 0 : i32
    %c0_i32_17 = arith.constant 0 : i32
    return %c0_i32, %select_n3A : i32, i32
  }
  func.func @transform_17(%arg0: i32, %arg1: memref<64xi32, #tpu.memory_space<smem>>) -> (i32, i32) {
    %get3A = arith.constant 17 : index
    %get3A_0 = memref.load %arg1[%get3A] : memref<64xi32, #tpu.memory_space<smem>>
    %jit3A = arith.constant 128 : i32
    %div3A = arith.divsi %get3A_0, %jit3A : i32
    %sign3A = arith.constant 0 : i32
    %sign3A_1 = arith.cmpi sgt, %get3A_0, %sign3A : i32
    %sign3A_2 = arith.extui %sign3A_1 : i1 to i32
    %sign3A_3 = arith.constant 0 : i32
    %sign3A_4 = arith.cmpi slt, %get3A_0, %sign3A_3 : i32
    %sign3A_5 = arith.extui %sign3A_4 : i1 to i32
    %sign3A_6 = arith.subi %sign3A_2, %sign3A_5 : i32
    %sign3A_7 = arith.constant 0 : i32
    %sign3A_8 = arith.cmpi sgt, %jit3A, %sign3A_7 : i32
    %sign3A_9 = arith.extui %sign3A_8 : i1 to i32
    %sign3A_10 = arith.constant 0 : i32
    %sign3A_11 = arith.cmpi slt, %jit3A, %sign3A_10 : i32
    %sign3A_12 = arith.extui %sign3A_11 : i1 to i32
    %sign3A_13 = arith.subi %sign3A_9, %sign3A_12 : i32
    %ne3A = arith.cmpi ne, %sign3A_6, %sign3A_13 : i32
    %rem3A = arith.remsi %get3A_0, %jit3A : i32
    %ne3A_14 = arith.constant 0 : i32
    %ne3A_15 = arith.cmpi ne, %rem3A, %ne3A_14 : i32
    %and3A = arith.andi %ne3A, %ne3A_15 : i1
    %sub3A = arith.constant 1 : i32
    %sub3A_16 = arith.subi %div3A, %sub3A : i32
    %select_n3A = arith.select %and3A, %sub3A_16, %div3A : i32
    %c0_i32 = arith.constant 0 : i32
    %c0_i32_17 = arith.constant 0 : i32
    return %c0_i32, %select_n3A : i32, i32
  }
  func.func @transform_18(%arg0: i32, %arg1: memref<64xi32, #tpu.memory_space<smem>>) -> (i32, i32) {
    %get3A = arith.constant 18 : index
    %get3A_0 = memref.load %arg1[%get3A] : memref<64xi32, #tpu.memory_space<smem>>
    %jit3A = arith.constant 128 : i32
    %div3A = arith.divsi %get3A_0, %jit3A : i32
    %sign3A = arith.constant 0 : i32
    %sign3A_1 = arith.cmpi sgt, %get3A_0, %sign3A : i32
    %sign3A_2 = arith.extui %sign3A_1 : i1 to i32
    %sign3A_3 = arith.constant 0 : i32
    %sign3A_4 = arith.cmpi slt, %get3A_0, %sign3A_3 : i32
    %sign3A_5 = arith.extui %sign3A_4 : i1 to i32
    %sign3A_6 = arith.subi %sign3A_2, %sign3A_5 : i32
    %sign3A_7 = arith.constant 0 : i32
    %sign3A_8 = arith.cmpi sgt, %jit3A, %sign3A_7 : i32
    %sign3A_9 = arith.extui %sign3A_8 : i1 to i32
    %sign3A_10 = arith.constant 0 : i32
    %sign3A_11 = arith.cmpi slt, %jit3A, %sign3A_10 : i32
    %sign3A_12 = arith.extui %sign3A_11 : i1 to i32
    %sign3A_13 = arith.subi %sign3A_9, %sign3A_12 : i32
    %ne3A = arith.cmpi ne, %sign3A_6, %sign3A_13 : i32
    %rem3A = arith.remsi %get3A_0, %jit3A : i32
    %ne3A_14 = arith.constant 0 : i32
    %ne3A_15 = arith.cmpi ne, %rem3A, %ne3A_14 : i32
    %and3A = arith.andi %ne3A, %ne3A_15 : i1
    %sub3A = arith.constant 1 : i32
    %sub3A_16 = arith.subi %div3A, %sub3A : i32
    %select_n3A = arith.select %and3A, %sub3A_16, %div3A : i32
    %c0_i32 = arith.constant 0 : i32
    %c0_i32_17 = arith.constant 0 : i32
    return %c0_i32, %select_n3A : i32, i32
  }
  func.func @transform_19(%arg0: i32, %arg1: memref<64xi32, #tpu.memory_space<smem>>) -> (i32, i32) {
    %get3A = arith.constant 19 : index
    %get3A_0 = memref.load %arg1[%get3A] : memref<64xi32, #tpu.memory_space<smem>>
    %jit3A = arith.constant 128 : i32
    %div3A = arith.divsi %get3A_0, %jit3A : i32
    %sign3A = arith.constant 0 : i32
    %sign3A_1 = arith.cmpi sgt, %get3A_0, %sign3A : i32
    %sign3A_2 = arith.extui %sign3A_1 : i1 to i32
    %sign3A_3 = arith.constant 0 : i32
    %sign3A_4 = arith.cmpi slt, %get3A_0, %sign3A_3 : i32
    %sign3A_5 = arith.extui %sign3A_4 : i1 to i32
    %sign3A_6 = arith.subi %sign3A_2, %sign3A_5 : i32
    %sign3A_7 = arith.constant 0 : i32
    %sign3A_8 = arith.cmpi sgt, %jit3A, %sign3A_7 : i32
    %sign3A_9 = arith.extui %sign3A_8 : i1 to i32
    %sign3A_10 = arith.constant 0 : i32
    %sign3A_11 = arith.cmpi slt, %jit3A, %sign3A_10 : i32
    %sign3A_12 = arith.extui %sign3A_11 : i1 to i32
    %sign3A_13 = arith.subi %sign3A_9, %sign3A_12 : i32
    %ne3A = arith.cmpi ne, %sign3A_6, %sign3A_13 : i32
    %rem3A = arith.remsi %get3A_0, %jit3A : i32
    %ne3A_14 = arith.constant 0 : i32
    %ne3A_15 = arith.cmpi ne, %rem3A, %ne3A_14 : i32
    %and3A = arith.andi %ne3A, %ne3A_15 : i1
    %sub3A = arith.constant 1 : i32
    %sub3A_16 = arith.subi %div3A, %sub3A : i32
    %select_n3A = arith.select %and3A, %sub3A_16, %div3A : i32
    %c0_i32 = arith.constant 0 : i32
    %c0_i32_17 = arith.constant 0 : i32
    return %c0_i32, %select_n3A : i32, i32
  }
  func.func @transform_20(%arg0: i32, %arg1: memref<64xi32, #tpu.memory_space<smem>>) -> (i32, i32) {
    %get3A = arith.constant 20 : index
    %get3A_0 = memref.load %arg1[%get3A] : memref<64xi32, #tpu.memory_space<smem>>
    %jit3A = arith.constant 128 : i32
    %div3A = arith.divsi %get3A_0, %jit3A : i32
    %sign3A = arith.constant 0 : i32
    %sign3A_1 = arith.cmpi sgt, %get3A_0, %sign3A : i32
    %sign3A_2 = arith.extui %sign3A_1 : i1 to i32
    %sign3A_3 = arith.constant 0 : i32
    %sign3A_4 = arith.cmpi slt, %get3A_0, %sign3A_3 : i32
    %sign3A_5 = arith.extui %sign3A_4 : i1 to i32
    %sign3A_6 = arith.subi %sign3A_2, %sign3A_5 : i32
    %sign3A_7 = arith.constant 0 : i32
    %sign3A_8 = arith.cmpi sgt, %jit3A, %sign3A_7 : i32
    %sign3A_9 = arith.extui %sign3A_8 : i1 to i32
    %sign3A_10 = arith.constant 0 : i32
    %sign3A_11 = arith.cmpi slt, %jit3A, %sign3A_10 : i32
    %sign3A_12 = arith.extui %sign3A_11 : i1 to i32
    %sign3A_13 = arith.subi %sign3A_9, %sign3A_12 : i32
    %ne3A = arith.cmpi ne, %sign3A_6, %sign3A_13 : i32
    %rem3A = arith.remsi %get3A_0, %jit3A : i32
    %ne3A_14 = arith.constant 0 : i32
    %ne3A_15 = arith.cmpi ne, %rem3A, %ne3A_14 : i32
    %and3A = arith.andi %ne3A, %ne3A_15 : i1
    %sub3A = arith.constant 1 : i32
    %sub3A_16 = arith.subi %div3A, %sub3A : i32
    %select_n3A = arith.select %and3A, %sub3A_16, %div3A : i32
    %c0_i32 = arith.constant 0 : i32
    %c0_i32_17 = arith.constant 0 : i32
    return %c0_i32, %select_n3A : i32, i32
  }
  func.func @transform_21(%arg0: i32, %arg1: memref<64xi32, #tpu.memory_space<smem>>) -> (i32, i32) {
    %get3A = arith.constant 21 : index
    %get3A_0 = memref.load %arg1[%get3A] : memref<64xi32, #tpu.memory_space<smem>>
    %jit3A = arith.constant 128 : i32
    %div3A = arith.divsi %get3A_0, %jit3A : i32
    %sign3A = arith.constant 0 : i32
    %sign3A_1 = arith.cmpi sgt, %get3A_0, %sign3A : i32
    %sign3A_2 = arith.extui %sign3A_1 : i1 to i32
    %sign3A_3 = arith.constant 0 : i32
    %sign3A_4 = arith.cmpi slt, %get3A_0, %sign3A_3 : i32
    %sign3A_5 = arith.extui %sign3A_4 : i1 to i32
    %sign3A_6 = arith.subi %sign3A_2, %sign3A_5 : i32
    %sign3A_7 = arith.constant 0 : i32
    %sign3A_8 = arith.cmpi sgt, %jit3A, %sign3A_7 : i32
    %sign3A_9 = arith.extui %sign3A_8 : i1 to i32
    %sign3A_10 = arith.constant 0 : i32
    %sign3A_11 = arith.cmpi slt, %jit3A, %sign3A_10 : i32
    %sign3A_12 = arith.extui %sign3A_11 : i1 to i32
    %sign3A_13 = arith.subi %sign3A_9, %sign3A_12 : i32
    %ne3A = arith.cmpi ne, %sign3A_6, %sign3A_13 : i32
    %rem3A = arith.remsi %get3A_0, %jit3A : i32
    %ne3A_14 = arith.constant 0 : i32
    %ne3A_15 = arith.cmpi ne, %rem3A, %ne3A_14 : i32
    %and3A = arith.andi %ne3A, %ne3A_15 : i1
    %sub3A = arith.constant 1 : i32
    %sub3A_16 = arith.subi %div3A, %sub3A : i32
    %select_n3A = arith.select %and3A, %sub3A_16, %div3A : i32
    %c0_i32 = arith.constant 0 : i32
    %c0_i32_17 = arith.constant 0 : i32
    return %c0_i32, %select_n3A : i32, i32
  }
  func.func @transform_22(%arg0: i32, %arg1: memref<64xi32, #tpu.memory_space<smem>>) -> (i32, i32) {
    %get3A = arith.constant 22 : index
    %get3A_0 = memref.load %arg1[%get3A] : memref<64xi32, #tpu.memory_space<smem>>
    %jit3A = arith.constant 128 : i32
    %div3A = arith.divsi %get3A_0, %jit3A : i32
    %sign3A = arith.constant 0 : i32
    %sign3A_1 = arith.cmpi sgt, %get3A_0, %sign3A : i32
    %sign3A_2 = arith.extui %sign3A_1 : i1 to i32
    %sign3A_3 = arith.constant 0 : i32
    %sign3A_4 = arith.cmpi slt, %get3A_0, %sign3A_3 : i32
    %sign3A_5 = arith.extui %sign3A_4 : i1 to i32
    %sign3A_6 = arith.subi %sign3A_2, %sign3A_5 : i32
    %sign3A_7 = arith.constant 0 : i32
    %sign3A_8 = arith.cmpi sgt, %jit3A, %sign3A_7 : i32
    %sign3A_9 = arith.extui %sign3A_8 : i1 to i32
    %sign3A_10 = arith.constant 0 : i32
    %sign3A_11 = arith.cmpi slt, %jit3A, %sign3A_10 : i32
    %sign3A_12 = arith.extui %sign3A_11 : i1 to i32
    %sign3A_13 = arith.subi %sign3A_9, %sign3A_12 : i32
    %ne3A = arith.cmpi ne, %sign3A_6, %sign3A_13 : i32
    %rem3A = arith.remsi %get3A_0, %jit3A : i32
    %ne3A_14 = arith.constant 0 : i32
    %ne3A_15 = arith.cmpi ne, %rem3A, %ne3A_14 : i32
    %and3A = arith.andi %ne3A, %ne3A_15 : i1
    %sub3A = arith.constant 1 : i32
    %sub3A_16 = arith.subi %div3A, %sub3A : i32
    %select_n3A = arith.select %and3A, %sub3A_16, %div3A : i32
    %c0_i32 = arith.constant 0 : i32
    %c0_i32_17 = arith.constant 0 : i32
    return %c0_i32, %select_n3A : i32, i32
  }
  func.func @transform_23(%arg0: i32, %arg1: memref<64xi32, #tpu.memory_space<smem>>) -> (i32, i32) {
    %get3A = arith.constant 23 : index
    %get3A_0 = memref.load %arg1[%get3A] : memref<64xi32, #tpu.memory_space<smem>>
    %jit3A = arith.constant 128 : i32
    %div3A = arith.divsi %get3A_0, %jit3A : i32
    %sign3A = arith.constant 0 : i32
    %sign3A_1 = arith.cmpi sgt, %get3A_0, %sign3A : i32
    %sign3A_2 = arith.extui %sign3A_1 : i1 to i32
    %sign3A_3 = arith.constant 0 : i32
    %sign3A_4 = arith.cmpi slt, %get3A_0, %sign3A_3 : i32
    %sign3A_5 = arith.extui %sign3A_4 : i1 to i32
    %sign3A_6 = arith.subi %sign3A_2, %sign3A_5 : i32
    %sign3A_7 = arith.constant 0 : i32
    %sign3A_8 = arith.cmpi sgt, %jit3A, %sign3A_7 : i32
    %sign3A_9 = arith.extui %sign3A_8 : i1 to i32
    %sign3A_10 = arith.constant 0 : i32
    %sign3A_11 = arith.cmpi slt, %jit3A, %sign3A_10 : i32
    %sign3A_12 = arith.extui %sign3A_11 : i1 to i32
    %sign3A_13 = arith.subi %sign3A_9, %sign3A_12 : i32
    %ne3A = arith.cmpi ne, %sign3A_6, %sign3A_13 : i32
    %rem3A = arith.remsi %get3A_0, %jit3A : i32
    %ne3A_14 = arith.constant 0 : i32
    %ne3A_15 = arith.cmpi ne, %rem3A, %ne3A_14 : i32
    %and3A = arith.andi %ne3A, %ne3A_15 : i1
    %sub3A = arith.constant 1 : i32
    %sub3A_16 = arith.subi %div3A, %sub3A : i32
    %select_n3A = arith.select %and3A, %sub3A_16, %div3A : i32
    %c0_i32 = arith.constant 0 : i32
    %c0_i32_17 = arith.constant 0 : i32
    return %c0_i32, %select_n3A : i32, i32
  }
  func.func @transform_24(%arg0: i32, %arg1: memref<64xi32, #tpu.memory_space<smem>>) -> (i32, i32) {
    %get3A = arith.constant 24 : index
    %get3A_0 = memref.load %arg1[%get3A] : memref<64xi32, #tpu.memory_space<smem>>
    %jit3A = arith.constant 128 : i32
    %div3A = arith.divsi %get3A_0, %jit3A : i32
    %sign3A = arith.constant 0 : i32
    %sign3A_1 = arith.cmpi sgt, %get3A_0, %sign3A : i32
    %sign3A_2 = arith.extui %sign3A_1 : i1 to i32
    %sign3A_3 = arith.constant 0 : i32
    %sign3A_4 = arith.cmpi slt, %get3A_0, %sign3A_3 : i32
    %sign3A_5 = arith.extui %sign3A_4 : i1 to i32
    %sign3A_6 = arith.subi %sign3A_2, %sign3A_5 : i32
    %sign3A_7 = arith.constant 0 : i32
    %sign3A_8 = arith.cmpi sgt, %jit3A, %sign3A_7 : i32
    %sign3A_9 = arith.extui %sign3A_8 : i1 to i32
    %sign3A_10 = arith.constant 0 : i32
    %sign3A_11 = arith.cmpi slt, %jit3A, %sign3A_10 : i32
    %sign3A_12 = arith.extui %sign3A_11 : i1 to i32
    %sign3A_13 = arith.subi %sign3A_9, %sign3A_12 : i32
    %ne3A = arith.cmpi ne, %sign3A_6, %sign3A_13 : i32
    %rem3A = arith.remsi %get3A_0, %jit3A : i32
    %ne3A_14 = arith.constant 0 : i32
    %ne3A_15 = arith.cmpi ne, %rem3A, %ne3A_14 : i32
    %and3A = arith.andi %ne3A, %ne3A_15 : i1
    %sub3A = arith.constant 1 : i32
    %sub3A_16 = arith.subi %div3A, %sub3A : i32
    %select_n3A = arith.select %and3A, %sub3A_16, %div3A : i32
    %c0_i32 = arith.constant 0 : i32
    %c0_i32_17 = arith.constant 0 : i32
    return %c0_i32, %select_n3A : i32, i32
  }
  func.func @transform_25(%arg0: i32, %arg1: memref<64xi32, #tpu.memory_space<smem>>) -> (i32, i32) {
    %get3A = arith.constant 25 : index
    %get3A_0 = memref.load %arg1[%get3A] : memref<64xi32, #tpu.memory_space<smem>>
    %jit3A = arith.constant 128 : i32
    %div3A = arith.divsi %get3A_0, %jit3A : i32
    %sign3A = arith.constant 0 : i32
    %sign3A_1 = arith.cmpi sgt, %get3A_0, %sign3A : i32
    %sign3A_2 = arith.extui %sign3A_1 : i1 to i32
    %sign3A_3 = arith.constant 0 : i32
    %sign3A_4 = arith.cmpi slt, %get3A_0, %sign3A_3 : i32
    %sign3A_5 = arith.extui %sign3A_4 : i1 to i32
    %sign3A_6 = arith.subi %sign3A_2, %sign3A_5 : i32
    %sign3A_7 = arith.constant 0 : i32
    %sign3A_8 = arith.cmpi sgt, %jit3A, %sign3A_7 : i32
    %sign3A_9 = arith.extui %sign3A_8 : i1 to i32
    %sign3A_10 = arith.constant 0 : i32
    %sign3A_11 = arith.cmpi slt, %jit3A, %sign3A_10 : i32
    %sign3A_12 = arith.extui %sign3A_11 : i1 to i32
    %sign3A_13 = arith.subi %sign3A_9, %sign3A_12 : i32
    %ne3A = arith.cmpi ne, %sign3A_6, %sign3A_13 : i32
    %rem3A = arith.remsi %get3A_0, %jit3A : i32
    %ne3A_14 = arith.constant 0 : i32
    %ne3A_15 = arith.cmpi ne, %rem3A, %ne3A_14 : i32
    %and3A = arith.andi %ne3A, %ne3A_15 : i1
    %sub3A = arith.constant 1 : i32
    %sub3A_16 = arith.subi %div3A, %sub3A : i32
    %select_n3A = arith.select %and3A, %sub3A_16, %div3A : i32
    %c0_i32 = arith.constant 0 : i32
    %c0_i32_17 = arith.constant 0 : i32
    return %c0_i32, %select_n3A : i32, i32
  }
  func.func @transform_26(%arg0: i32, %arg1: memref<64xi32, #tpu.memory_space<smem>>) -> (i32, i32) {
    %get3A = arith.constant 26 : index
    %get3A_0 = memref.load %arg1[%get3A] : memref<64xi32, #tpu.memory_space<smem>>
    %jit3A = arith.constant 128 : i32
    %div3A = arith.divsi %get3A_0, %jit3A : i32
    %sign3A = arith.constant 0 : i32
    %sign3A_1 = arith.cmpi sgt, %get3A_0, %sign3A : i32
    %sign3A_2 = arith.extui %sign3A_1 : i1 to i32
    %sign3A_3 = arith.constant 0 : i32
    %sign3A_4 = arith.cmpi slt, %get3A_0, %sign3A_3 : i32
    %sign3A_5 = arith.extui %sign3A_4 : i1 to i32
    %sign3A_6 = arith.subi %sign3A_2, %sign3A_5 : i32
    %sign3A_7 = arith.constant 0 : i32
    %sign3A_8 = arith.cmpi sgt, %jit3A, %sign3A_7 : i32
    %sign3A_9 = arith.extui %sign3A_8 : i1 to i32
    %sign3A_10 = arith.constant 0 : i32
    %sign3A_11 = arith.cmpi slt, %jit3A, %sign3A_10 : i32
    %sign3A_12 = arith.extui %sign3A_11 : i1 to i32
    %sign3A_13 = arith.subi %sign3A_9, %sign3A_12 : i32
    %ne3A = arith.cmpi ne, %sign3A_6, %sign3A_13 : i32
    %rem3A = arith.remsi %get3A_0, %jit3A : i32
    %ne3A_14 = arith.constant 0 : i32
    %ne3A_15 = arith.cmpi ne, %rem3A, %ne3A_14 : i32
    %and3A = arith.andi %ne3A, %ne3A_15 : i1
    %sub3A = arith.constant 1 : i32
    %sub3A_16 = arith.subi %div3A, %sub3A : i32
    %select_n3A = arith.select %and3A, %sub3A_16, %div3A : i32
    %c0_i32 = arith.constant 0 : i32
    %c0_i32_17 = arith.constant 0 : i32
    return %c0_i32, %select_n3A : i32, i32
  }
  func.func @transform_27(%arg0: i32, %arg1: memref<64xi32, #tpu.memory_space<smem>>) -> (i32, i32) {
    %get3A = arith.constant 27 : index
    %get3A_0 = memref.load %arg1[%get3A] : memref<64xi32, #tpu.memory_space<smem>>
    %jit3A = arith.constant 128 : i32
    %div3A = arith.divsi %get3A_0, %jit3A : i32
    %sign3A = arith.constant 0 : i32
    %sign3A_1 = arith.cmpi sgt, %get3A_0, %sign3A : i32
    %sign3A_2 = arith.extui %sign3A_1 : i1 to i32
    %sign3A_3 = arith.constant 0 : i32
    %sign3A_4 = arith.cmpi slt, %get3A_0, %sign3A_3 : i32
    %sign3A_5 = arith.extui %sign3A_4 : i1 to i32
    %sign3A_6 = arith.subi %sign3A_2, %sign3A_5 : i32
    %sign3A_7 = arith.constant 0 : i32
    %sign3A_8 = arith.cmpi sgt, %jit3A, %sign3A_7 : i32
    %sign3A_9 = arith.extui %sign3A_8 : i1 to i32
    %sign3A_10 = arith.constant 0 : i32
    %sign3A_11 = arith.cmpi slt, %jit3A, %sign3A_10 : i32
    %sign3A_12 = arith.extui %sign3A_11 : i1 to i32
    %sign3A_13 = arith.subi %sign3A_9, %sign3A_12 : i32
    %ne3A = arith.cmpi ne, %sign3A_6, %sign3A_13 : i32
    %rem3A = arith.remsi %get3A_0, %jit3A : i32
    %ne3A_14 = arith.constant 0 : i32
    %ne3A_15 = arith.cmpi ne, %rem3A, %ne3A_14 : i32
    %and3A = arith.andi %ne3A, %ne3A_15 : i1
    %sub3A = arith.constant 1 : i32
    %sub3A_16 = arith.subi %div3A, %sub3A : i32
    %select_n3A = arith.select %and3A, %sub3A_16, %div3A : i32
    %c0_i32 = arith.constant 0 : i32
    %c0_i32_17 = arith.constant 0 : i32
    return %c0_i32, %select_n3A : i32, i32
  }
  func.func @transform_28(%arg0: i32, %arg1: memref<64xi32, #tpu.memory_space<smem>>) -> (i32, i32) {
    %get3A = arith.constant 28 : index
    %get3A_0 = memref.load %arg1[%get3A] : memref<64xi32, #tpu.memory_space<smem>>
    %jit3A = arith.constant 128 : i32
    %div3A = arith.divsi %get3A_0, %jit3A : i32
    %sign3A = arith.constant 0 : i32
    %sign3A_1 = arith.cmpi sgt, %get3A_0, %sign3A : i32
    %sign3A_2 = arith.extui %sign3A_1 : i1 to i32
    %sign3A_3 = arith.constant 0 : i32
    %sign3A_4 = arith.cmpi slt, %get3A_0, %sign3A_3 : i32
    %sign3A_5 = arith.extui %sign3A_4 : i1 to i32
    %sign3A_6 = arith.subi %sign3A_2, %sign3A_5 : i32
    %sign3A_7 = arith.constant 0 : i32
    %sign3A_8 = arith.cmpi sgt, %jit3A, %sign3A_7 : i32
    %sign3A_9 = arith.extui %sign3A_8 : i1 to i32
    %sign3A_10 = arith.constant 0 : i32
    %sign3A_11 = arith.cmpi slt, %jit3A, %sign3A_10 : i32
    %sign3A_12 = arith.extui %sign3A_11 : i1 to i32
    %sign3A_13 = arith.subi %sign3A_9, %sign3A_12 : i32
    %ne3A = arith.cmpi ne, %sign3A_6, %sign3A_13 : i32
    %rem3A = arith.remsi %get3A_0, %jit3A : i32
    %ne3A_14 = arith.constant 0 : i32
    %ne3A_15 = arith.cmpi ne, %rem3A, %ne3A_14 : i32
    %and3A = arith.andi %ne3A, %ne3A_15 : i1
    %sub3A = arith.constant 1 : i32
    %sub3A_16 = arith.subi %div3A, %sub3A : i32
    %select_n3A = arith.select %and3A, %sub3A_16, %div3A : i32
    %c0_i32 = arith.constant 0 : i32
    %c0_i32_17 = arith.constant 0 : i32
    return %c0_i32, %select_n3A : i32, i32
  }
  func.func @transform_29(%arg0: i32, %arg1: memref<64xi32, #tpu.memory_space<smem>>) -> (i32, i32) {
    %get3A = arith.constant 29 : index
    %get3A_0 = memref.load %arg1[%get3A] : memref<64xi32, #tpu.memory_space<smem>>
    %jit3A = arith.constant 128 : i32
    %div3A = arith.divsi %get3A_0, %jit3A : i32
    %sign3A = arith.constant 0 : i32
    %sign3A_1 = arith.cmpi sgt, %get3A_0, %sign3A : i32
    %sign3A_2 = arith.extui %sign3A_1 : i1 to i32
    %sign3A_3 = arith.constant 0 : i32
    %sign3A_4 = arith.cmpi slt, %get3A_0, %sign3A_3 : i32
    %sign3A_5 = arith.extui %sign3A_4 : i1 to i32
    %sign3A_6 = arith.subi %sign3A_2, %sign3A_5 : i32
    %sign3A_7 = arith.constant 0 : i32
    %sign3A_8 = arith.cmpi sgt, %jit3A, %sign3A_7 : i32
    %sign3A_9 = arith.extui %sign3A_8 : i1 to i32
    %sign3A_10 = arith.constant 0 : i32
    %sign3A_11 = arith.cmpi slt, %jit3A, %sign3A_10 : i32
    %sign3A_12 = arith.extui %sign3A_11 : i1 to i32
    %sign3A_13 = arith.subi %sign3A_9, %sign3A_12 : i32
    %ne3A = arith.cmpi ne, %sign3A_6, %sign3A_13 : i32
    %rem3A = arith.remsi %get3A_0, %jit3A : i32
    %ne3A_14 = arith.constant 0 : i32
    %ne3A_15 = arith.cmpi ne, %rem3A, %ne3A_14 : i32
    %and3A = arith.andi %ne3A, %ne3A_15 : i1
    %sub3A = arith.constant 1 : i32
    %sub3A_16 = arith.subi %div3A, %sub3A : i32
    %select_n3A = arith.select %and3A, %sub3A_16, %div3A : i32
    %c0_i32 = arith.constant 0 : i32
    %c0_i32_17 = arith.constant 0 : i32
    return %c0_i32, %select_n3A : i32, i32
  }
  func.func @transform_30(%arg0: i32, %arg1: memref<64xi32, #tpu.memory_space<smem>>) -> (i32, i32) {
    %get3A = arith.constant 30 : index
    %get3A_0 = memref.load %arg1[%get3A] : memref<64xi32, #tpu.memory_space<smem>>
    %jit3A = arith.constant 128 : i32
    %div3A = arith.divsi %get3A_0, %jit3A : i32
    %sign3A = arith.constant 0 : i32
    %sign3A_1 = arith.cmpi sgt, %get3A_0, %sign3A : i32
    %sign3A_2 = arith.extui %sign3A_1 : i1 to i32
    %sign3A_3 = arith.constant 0 : i32
    %sign3A_4 = arith.cmpi slt, %get3A_0, %sign3A_3 : i32
    %sign3A_5 = arith.extui %sign3A_4 : i1 to i32
    %sign3A_6 = arith.subi %sign3A_2, %sign3A_5 : i32
    %sign3A_7 = arith.constant 0 : i32
    %sign3A_8 = arith.cmpi sgt, %jit3A, %sign3A_7 : i32
    %sign3A_9 = arith.extui %sign3A_8 : i1 to i32
    %sign3A_10 = arith.constant 0 : i32
    %sign3A_11 = arith.cmpi slt, %jit3A, %sign3A_10 : i32
    %sign3A_12 = arith.extui %sign3A_11 : i1 to i32
    %sign3A_13 = arith.subi %sign3A_9, %sign3A_12 : i32
    %ne3A = arith.cmpi ne, %sign3A_6, %sign3A_13 : i32
    %rem3A = arith.remsi %get3A_0, %jit3A : i32
    %ne3A_14 = arith.constant 0 : i32
    %ne3A_15 = arith.cmpi ne, %rem3A, %ne3A_14 : i32
    %and3A = arith.andi %ne3A, %ne3A_15 : i1
    %sub3A = arith.constant 1 : i32
    %sub3A_16 = arith.subi %div3A, %sub3A : i32
    %select_n3A = arith.select %and3A, %sub3A_16, %div3A : i32
    %c0_i32 = arith.constant 0 : i32
    %c0_i32_17 = arith.constant 0 : i32
    return %c0_i32, %select_n3A : i32, i32
  }
  func.func @transform_31(%arg0: i32, %arg1: memref<64xi32, #tpu.memory_space<smem>>) -> (i32, i32) {
    %get3A = arith.constant 31 : index
    %get3A_0 = memref.load %arg1[%get3A] : memref<64xi32, #tpu.memory_space<smem>>
    %jit3A = arith.constant 128 : i32
    %div3A = arith.divsi %get3A_0, %jit3A : i32
    %sign3A = arith.constant 0 : i32
    %sign3A_1 = arith.cmpi sgt, %get3A_0, %sign3A : i32
    %sign3A_2 = arith.extui %sign3A_1 : i1 to i32
    %sign3A_3 = arith.constant 0 : i32
    %sign3A_4 = arith.cmpi slt, %get3A_0, %sign3A_3 : i32
    %sign3A_5 = arith.extui %sign3A_4 : i1 to i32
    %sign3A_6 = arith.subi %sign3A_2, %sign3A_5 : i32
    %sign3A_7 = arith.constant 0 : i32
    %sign3A_8 = arith.cmpi sgt, %jit3A, %sign3A_7 : i32
    %sign3A_9 = arith.extui %sign3A_8 : i1 to i32
    %sign3A_10 = arith.constant 0 : i32
    %sign3A_11 = arith.cmpi slt, %jit3A, %sign3A_10 : i32
    %sign3A_12 = arith.extui %sign3A_11 : i1 to i32
    %sign3A_13 = arith.subi %sign3A_9, %sign3A_12 : i32
    %ne3A = arith.cmpi ne, %sign3A_6, %sign3A_13 : i32
    %rem3A = arith.remsi %get3A_0, %jit3A : i32
    %ne3A_14 = arith.constant 0 : i32
    %ne3A_15 = arith.cmpi ne, %rem3A, %ne3A_14 : i32
    %and3A = arith.andi %ne3A, %ne3A_15 : i1
    %sub3A = arith.constant 1 : i32
    %sub3A_16 = arith.subi %div3A, %sub3A : i32
    %select_n3A = arith.select %and3A, %sub3A_16, %div3A : i32
    %c0_i32 = arith.constant 0 : i32
    %c0_i32_17 = arith.constant 0 : i32
    return %c0_i32, %select_n3A : i32, i32
  }
  func.func @transform_32(%arg0: i32, %arg1: memref<64xi32, #tpu.memory_space<smem>>) -> (i32, i32) {
    %get3A = arith.constant 32 : index
    %get3A_0 = memref.load %arg1[%get3A] : memref<64xi32, #tpu.memory_space<smem>>
    %jit3A = arith.constant 128 : i32
    %div3A = arith.divsi %get3A_0, %jit3A : i32
    %sign3A = arith.constant 0 : i32
    %sign3A_1 = arith.cmpi sgt, %get3A_0, %sign3A : i32
    %sign3A_2 = arith.extui %sign3A_1 : i1 to i32
    %sign3A_3 = arith.constant 0 : i32
    %sign3A_4 = arith.cmpi slt, %get3A_0, %sign3A_3 : i32
    %sign3A_5 = arith.extui %sign3A_4 : i1 to i32
    %sign3A_6 = arith.subi %sign3A_2, %sign3A_5 : i32
    %sign3A_7 = arith.constant 0 : i32
    %sign3A_8 = arith.cmpi sgt, %jit3A, %sign3A_7 : i32
    %sign3A_9 = arith.extui %sign3A_8 : i1 to i32
    %sign3A_10 = arith.constant 0 : i32
    %sign3A_11 = arith.cmpi slt, %jit3A, %sign3A_10 : i32
    %sign3A_12 = arith.extui %sign3A_11 : i1 to i32
    %sign3A_13 = arith.subi %sign3A_9, %sign3A_12 : i32
    %ne3A = arith.cmpi ne, %sign3A_6, %sign3A_13 : i32
    %rem3A = arith.remsi %get3A_0, %jit3A : i32
    %ne3A_14 = arith.constant 0 : i32
    %ne3A_15 = arith.cmpi ne, %rem3A, %ne3A_14 : i32
    %and3A = arith.andi %ne3A, %ne3A_15 : i1
    %sub3A = arith.constant 1 : i32
    %sub3A_16 = arith.subi %div3A, %sub3A : i32
    %select_n3A = arith.select %and3A, %sub3A_16, %div3A : i32
    %c0_i32 = arith.constant 0 : i32
    %c0_i32_17 = arith.constant 0 : i32
    return %c0_i32, %select_n3A : i32, i32
  }
  func.func @transform_33(%arg0: i32, %arg1: memref<64xi32, #tpu.memory_space<smem>>) -> (i32, i32) {
    %get3A = arith.constant 33 : index
    %get3A_0 = memref.load %arg1[%get3A] : memref<64xi32, #tpu.memory_space<smem>>
    %jit3A = arith.constant 128 : i32
    %div3A = arith.divsi %get3A_0, %jit3A : i32
    %sign3A = arith.constant 0 : i32
    %sign3A_1 = arith.cmpi sgt, %get3A_0, %sign3A : i32
    %sign3A_2 = arith.extui %sign3A_1 : i1 to i32
    %sign3A_3 = arith.constant 0 : i32
    %sign3A_4 = arith.cmpi slt, %get3A_0, %sign3A_3 : i32
    %sign3A_5 = arith.extui %sign3A_4 : i1 to i32
    %sign3A_6 = arith.subi %sign3A_2, %sign3A_5 : i32
    %sign3A_7 = arith.constant 0 : i32
    %sign3A_8 = arith.cmpi sgt, %jit3A, %sign3A_7 : i32
    %sign3A_9 = arith.extui %sign3A_8 : i1 to i32
    %sign3A_10 = arith.constant 0 : i32
    %sign3A_11 = arith.cmpi slt, %jit3A, %sign3A_10 : i32
    %sign3A_12 = arith.extui %sign3A_11 : i1 to i32
    %sign3A_13 = arith.subi %sign3A_9, %sign3A_12 : i32
    %ne3A = arith.cmpi ne, %sign3A_6, %sign3A_13 : i32
    %rem3A = arith.remsi %get3A_0, %jit3A : i32
    %ne3A_14 = arith.constant 0 : i32
    %ne3A_15 = arith.cmpi ne, %rem3A, %ne3A_14 : i32
    %and3A = arith.andi %ne3A, %ne3A_15 : i1
    %sub3A = arith.constant 1 : i32
    %sub3A_16 = arith.subi %div3A, %sub3A : i32
    %select_n3A = arith.select %and3A, %sub3A_16, %div3A : i32
    %c0_i32 = arith.constant 0 : i32
    %c0_i32_17 = arith.constant 0 : i32
    return %c0_i32, %select_n3A : i32, i32
  }
  func.func @transform_34(%arg0: i32, %arg1: memref<64xi32, #tpu.memory_space<smem>>) -> (i32, i32) {
    %get3A = arith.constant 34 : index
    %get3A_0 = memref.load %arg1[%get3A] : memref<64xi32, #tpu.memory_space<smem>>
    %jit3A = arith.constant 128 : i32
    %div3A = arith.divsi %get3A_0, %jit3A : i32
    %sign3A = arith.constant 0 : i32
    %sign3A_1 = arith.cmpi sgt, %get3A_0, %sign3A : i32
    %sign3A_2 = arith.extui %sign3A_1 : i1 to i32
    %sign3A_3 = arith.constant 0 : i32
    %sign3A_4 = arith.cmpi slt, %get3A_0, %sign3A_3 : i32
    %sign3A_5 = arith.extui %sign3A_4 : i1 to i32
    %sign3A_6 = arith.subi %sign3A_2, %sign3A_5 : i32
    %sign3A_7 = arith.constant 0 : i32
    %sign3A_8 = arith.cmpi sgt, %jit3A, %sign3A_7 : i32
    %sign3A_9 = arith.extui %sign3A_8 : i1 to i32
    %sign3A_10 = arith.constant 0 : i32
    %sign3A_11 = arith.cmpi slt, %jit3A, %sign3A_10 : i32
    %sign3A_12 = arith.extui %sign3A_11 : i1 to i32
    %sign3A_13 = arith.subi %sign3A_9, %sign3A_12 : i32
    %ne3A = arith.cmpi ne, %sign3A_6, %sign3A_13 : i32
    %rem3A = arith.remsi %get3A_0, %jit3A : i32
    %ne3A_14 = arith.constant 0 : i32
    %ne3A_15 = arith.cmpi ne, %rem3A, %ne3A_14 : i32
    %and3A = arith.andi %ne3A, %ne3A_15 : i1
    %sub3A = arith.constant 1 : i32
    %sub3A_16 = arith.subi %div3A, %sub3A : i32
    %select_n3A = arith.select %and3A, %sub3A_16, %div3A : i32
    %c0_i32 = arith.constant 0 : i32
    %c0_i32_17 = arith.constant 0 : i32
    return %c0_i32, %select_n3A : i32, i32
  }
  func.func @transform_35(%arg0: i32, %arg1: memref<64xi32, #tpu.memory_space<smem>>) -> (i32, i32) {
    %get3A = arith.constant 35 : index
    %get3A_0 = memref.load %arg1[%get3A] : memref<64xi32, #tpu.memory_space<smem>>
    %jit3A = arith.constant 128 : i32
    %div3A = arith.divsi %get3A_0, %jit3A : i32
    %sign3A = arith.constant 0 : i32
    %sign3A_1 = arith.cmpi sgt, %get3A_0, %sign3A : i32
    %sign3A_2 = arith.extui %sign3A_1 : i1 to i32
    %sign3A_3 = arith.constant 0 : i32
    %sign3A_4 = arith.cmpi slt, %get3A_0, %sign3A_3 : i32
    %sign3A_5 = arith.extui %sign3A_4 : i1 to i32
    %sign3A_6 = arith.subi %sign3A_2, %sign3A_5 : i32
    %sign3A_7 = arith.constant 0 : i32
    %sign3A_8 = arith.cmpi sgt, %jit3A, %sign3A_7 : i32
    %sign3A_9 = arith.extui %sign3A_8 : i1 to i32
    %sign3A_10 = arith.constant 0 : i32
    %sign3A_11 = arith.cmpi slt, %jit3A, %sign3A_10 : i32
    %sign3A_12 = arith.extui %sign3A_11 : i1 to i32
    %sign3A_13 = arith.subi %sign3A_9, %sign3A_12 : i32
    %ne3A = arith.cmpi ne, %sign3A_6, %sign3A_13 : i32
    %rem3A = arith.remsi %get3A_0, %jit3A : i32
    %ne3A_14 = arith.constant 0 : i32
    %ne3A_15 = arith.cmpi ne, %rem3A, %ne3A_14 : i32
    %and3A = arith.andi %ne3A, %ne3A_15 : i1
    %sub3A = arith.constant 1 : i32
    %sub3A_16 = arith.subi %div3A, %sub3A : i32
    %select_n3A = arith.select %and3A, %sub3A_16, %div3A : i32
    %c0_i32 = arith.constant 0 : i32
    %c0_i32_17 = arith.constant 0 : i32
    return %c0_i32, %select_n3A : i32, i32
  }
  func.func @transform_36(%arg0: i32, %arg1: memref<64xi32, #tpu.memory_space<smem>>) -> (i32, i32) {
    %get3A = arith.constant 36 : index
    %get3A_0 = memref.load %arg1[%get3A] : memref<64xi32, #tpu.memory_space<smem>>
    %jit3A = arith.constant 128 : i32
    %div3A = arith.divsi %get3A_0, %jit3A : i32
    %sign3A = arith.constant 0 : i32
    %sign3A_1 = arith.cmpi sgt, %get3A_0, %sign3A : i32
    %sign3A_2 = arith.extui %sign3A_1 : i1 to i32
    %sign3A_3 = arith.constant 0 : i32
    %sign3A_4 = arith.cmpi slt, %get3A_0, %sign3A_3 : i32
    %sign3A_5 = arith.extui %sign3A_4 : i1 to i32
    %sign3A_6 = arith.subi %sign3A_2, %sign3A_5 : i32
    %sign3A_7 = arith.constant 0 : i32
    %sign3A_8 = arith.cmpi sgt, %jit3A, %sign3A_7 : i32
    %sign3A_9 = arith.extui %sign3A_8 : i1 to i32
    %sign3A_10 = arith.constant 0 : i32
    %sign3A_11 = arith.cmpi slt, %jit3A, %sign3A_10 : i32
    %sign3A_12 = arith.extui %sign3A_11 : i1 to i32
    %sign3A_13 = arith.subi %sign3A_9, %sign3A_12 : i32
    %ne3A = arith.cmpi ne, %sign3A_6, %sign3A_13 : i32
    %rem3A = arith.remsi %get3A_0, %jit3A : i32
    %ne3A_14 = arith.constant 0 : i32
    %ne3A_15 = arith.cmpi ne, %rem3A, %ne3A_14 : i32
    %and3A = arith.andi %ne3A, %ne3A_15 : i1
    %sub3A = arith.constant 1 : i32
    %sub3A_16 = arith.subi %div3A, %sub3A : i32
    %select_n3A = arith.select %and3A, %sub3A_16, %div3A : i32
    %c0_i32 = arith.constant 0 : i32
    %c0_i32_17 = arith.constant 0 : i32
    return %c0_i32, %select_n3A : i32, i32
  }
  func.func @transform_37(%arg0: i32, %arg1: memref<64xi32, #tpu.memory_space<smem>>) -> (i32, i32) {
    %get3A = arith.constant 37 : index
    %get3A_0 = memref.load %arg1[%get3A] : memref<64xi32, #tpu.memory_space<smem>>
    %jit3A = arith.constant 128 : i32
    %div3A = arith.divsi %get3A_0, %jit3A : i32
    %sign3A = arith.constant 0 : i32
    %sign3A_1 = arith.cmpi sgt, %get3A_0, %sign3A : i32
    %sign3A_2 = arith.extui %sign3A_1 : i1 to i32
    %sign3A_3 = arith.constant 0 : i32
    %sign3A_4 = arith.cmpi slt, %get3A_0, %sign3A_3 : i32
    %sign3A_5 = arith.extui %sign3A_4 : i1 to i32
    %sign3A_6 = arith.subi %sign3A_2, %sign3A_5 : i32
    %sign3A_7 = arith.constant 0 : i32
    %sign3A_8 = arith.cmpi sgt, %jit3A, %sign3A_7 : i32
    %sign3A_9 = arith.extui %sign3A_8 : i1 to i32
    %sign3A_10 = arith.constant 0 : i32
    %sign3A_11 = arith.cmpi slt, %jit3A, %sign3A_10 : i32
    %sign3A_12 = arith.extui %sign3A_11 : i1 to i32
    %sign3A_13 = arith.subi %sign3A_9, %sign3A_12 : i32
    %ne3A = arith.cmpi ne, %sign3A_6, %sign3A_13 : i32
    %rem3A = arith.remsi %get3A_0, %jit3A : i32
    %ne3A_14 = arith.constant 0 : i32
    %ne3A_15 = arith.cmpi ne, %rem3A, %ne3A_14 : i32
    %and3A = arith.andi %ne3A, %ne3A_15 : i1
    %sub3A = arith.constant 1 : i32
    %sub3A_16 = arith.subi %div3A, %sub3A : i32
    %select_n3A = arith.select %and3A, %sub3A_16, %div3A : i32
    %c0_i32 = arith.constant 0 : i32
    %c0_i32_17 = arith.constant 0 : i32
    return %c0_i32, %select_n3A : i32, i32
  }
  func.func @transform_38(%arg0: i32, %arg1: memref<64xi32, #tpu.memory_space<smem>>) -> (i32, i32) {
    %get3A = arith.constant 38 : index
    %get3A_0 = memref.load %arg1[%get3A] : memref<64xi32, #tpu.memory_space<smem>>
    %jit3A = arith.constant 128 : i32
    %div3A = arith.divsi %get3A_0, %jit3A : i32
    %sign3A = arith.constant 0 : i32
    %sign3A_1 = arith.cmpi sgt, %get3A_0, %sign3A : i32
    %sign3A_2 = arith.extui %sign3A_1 : i1 to i32
    %sign3A_3 = arith.constant 0 : i32
    %sign3A_4 = arith.cmpi slt, %get3A_0, %sign3A_3 : i32
    %sign3A_5 = arith.extui %sign3A_4 : i1 to i32
    %sign3A_6 = arith.subi %sign3A_2, %sign3A_5 : i32
    %sign3A_7 = arith.constant 0 : i32
    %sign3A_8 = arith.cmpi sgt, %jit3A, %sign3A_7 : i32
    %sign3A_9 = arith.extui %sign3A_8 : i1 to i32
    %sign3A_10 = arith.constant 0 : i32
    %sign3A_11 = arith.cmpi slt, %jit3A, %sign3A_10 : i32
    %sign3A_12 = arith.extui %sign3A_11 : i1 to i32
    %sign3A_13 = arith.subi %sign3A_9, %sign3A_12 : i32
    %ne3A = arith.cmpi ne, %sign3A_6, %sign3A_13 : i32
    %rem3A = arith.remsi %get3A_0, %jit3A : i32
    %ne3A_14 = arith.constant 0 : i32
    %ne3A_15 = arith.cmpi ne, %rem3A, %ne3A_14 : i32
    %and3A = arith.andi %ne3A, %ne3A_15 : i1
    %sub3A = arith.constant 1 : i32
    %sub3A_16 = arith.subi %div3A, %sub3A : i32
    %select_n3A = arith.select %and3A, %sub3A_16, %div3A : i32
    %c0_i32 = arith.constant 0 : i32
    %c0_i32_17 = arith.constant 0 : i32
    return %c0_i32, %select_n3A : i32, i32
  }
  func.func @transform_39(%arg0: i32, %arg1: memref<64xi32, #tpu.memory_space<smem>>) -> (i32, i32) {
    %get3A = arith.constant 39 : index
    %get3A_0 = memref.load %arg1[%get3A] : memref<64xi32, #tpu.memory_space<smem>>
    %jit3A = arith.constant 128 : i32
    %div3A = arith.divsi %get3A_0, %jit3A : i32
    %sign3A = arith.constant 0 : i32
    %sign3A_1 = arith.cmpi sgt, %get3A_0, %sign3A : i32
    %sign3A_2 = arith.extui %sign3A_1 : i1 to i32
    %sign3A_3 = arith.constant 0 : i32
    %sign3A_4 = arith.cmpi slt, %get3A_0, %sign3A_3 : i32
    %sign3A_5 = arith.extui %sign3A_4 : i1 to i32
    %sign3A_6 = arith.subi %sign3A_2, %sign3A_5 : i32
    %sign3A_7 = arith.constant 0 : i32
    %sign3A_8 = arith.cmpi sgt, %jit3A, %sign3A_7 : i32
    %sign3A_9 = arith.extui %sign3A_8 : i1 to i32
    %sign3A_10 = arith.constant 0 : i32
    %sign3A_11 = arith.cmpi slt, %jit3A, %sign3A_10 : i32
    %sign3A_12 = arith.extui %sign3A_11 : i1 to i32
    %sign3A_13 = arith.subi %sign3A_9, %sign3A_12 : i32
    %ne3A = arith.cmpi ne, %sign3A_6, %sign3A_13 : i32
    %rem3A = arith.remsi %get3A_0, %jit3A : i32
    %ne3A_14 = arith.constant 0 : i32
    %ne3A_15 = arith.cmpi ne, %rem3A, %ne3A_14 : i32
    %and3A = arith.andi %ne3A, %ne3A_15 : i1
    %sub3A = arith.constant 1 : i32
    %sub3A_16 = arith.subi %div3A, %sub3A : i32
    %select_n3A = arith.select %and3A, %sub3A_16, %div3A : i32
    %c0_i32 = arith.constant 0 : i32
    %c0_i32_17 = arith.constant 0 : i32
    return %c0_i32, %select_n3A : i32, i32
  }
  func.func @transform_40(%arg0: i32, %arg1: memref<64xi32, #tpu.memory_space<smem>>) -> (i32, i32) {
    %get3A = arith.constant 40 : index
    %get3A_0 = memref.load %arg1[%get3A] : memref<64xi32, #tpu.memory_space<smem>>
    %jit3A = arith.constant 128 : i32
    %div3A = arith.divsi %get3A_0, %jit3A : i32
    %sign3A = arith.constant 0 : i32
    %sign3A_1 = arith.cmpi sgt, %get3A_0, %sign3A : i32
    %sign3A_2 = arith.extui %sign3A_1 : i1 to i32
    %sign3A_3 = arith.constant 0 : i32
    %sign3A_4 = arith.cmpi slt, %get3A_0, %sign3A_3 : i32
    %sign3A_5 = arith.extui %sign3A_4 : i1 to i32
    %sign3A_6 = arith.subi %sign3A_2, %sign3A_5 : i32
    %sign3A_7 = arith.constant 0 : i32
    %sign3A_8 = arith.cmpi sgt, %jit3A, %sign3A_7 : i32
    %sign3A_9 = arith.extui %sign3A_8 : i1 to i32
    %sign3A_10 = arith.constant 0 : i32
    %sign3A_11 = arith.cmpi slt, %jit3A, %sign3A_10 : i32
    %sign3A_12 = arith.extui %sign3A_11 : i1 to i32
    %sign3A_13 = arith.subi %sign3A_9, %sign3A_12 : i32
    %ne3A = arith.cmpi ne, %sign3A_6, %sign3A_13 : i32
    %rem3A = arith.remsi %get3A_0, %jit3A : i32
    %ne3A_14 = arith.constant 0 : i32
    %ne3A_15 = arith.cmpi ne, %rem3A, %ne3A_14 : i32
    %and3A = arith.andi %ne3A, %ne3A_15 : i1
    %sub3A = arith.constant 1 : i32
    %sub3A_16 = arith.subi %div3A, %sub3A : i32
    %select_n3A = arith.select %and3A, %sub3A_16, %div3A : i32
    %c0_i32 = arith.constant 0 : i32
    %c0_i32_17 = arith.constant 0 : i32
    return %c0_i32, %select_n3A : i32, i32
  }
  func.func @transform_41(%arg0: i32, %arg1: memref<64xi32, #tpu.memory_space<smem>>) -> (i32, i32) {
    %get3A = arith.constant 41 : index
    %get3A_0 = memref.load %arg1[%get3A] : memref<64xi32, #tpu.memory_space<smem>>
    %jit3A = arith.constant 128 : i32
    %div3A = arith.divsi %get3A_0, %jit3A : i32
    %sign3A = arith.constant 0 : i32
    %sign3A_1 = arith.cmpi sgt, %get3A_0, %sign3A : i32
    %sign3A_2 = arith.extui %sign3A_1 : i1 to i32
    %sign3A_3 = arith.constant 0 : i32
    %sign3A_4 = arith.cmpi slt, %get3A_0, %sign3A_3 : i32
    %sign3A_5 = arith.extui %sign3A_4 : i1 to i32
    %sign3A_6 = arith.subi %sign3A_2, %sign3A_5 : i32
    %sign3A_7 = arith.constant 0 : i32
    %sign3A_8 = arith.cmpi sgt, %jit3A, %sign3A_7 : i32
    %sign3A_9 = arith.extui %sign3A_8 : i1 to i32
    %sign3A_10 = arith.constant 0 : i32
    %sign3A_11 = arith.cmpi slt, %jit3A, %sign3A_10 : i32
    %sign3A_12 = arith.extui %sign3A_11 : i1 to i32
    %sign3A_13 = arith.subi %sign3A_9, %sign3A_12 : i32
    %ne3A = arith.cmpi ne, %sign3A_6, %sign3A_13 : i32
    %rem3A = arith.remsi %get3A_0, %jit3A : i32
    %ne3A_14 = arith.constant 0 : i32
    %ne3A_15 = arith.cmpi ne, %rem3A, %ne3A_14 : i32
    %and3A = arith.andi %ne3A, %ne3A_15 : i1
    %sub3A = arith.constant 1 : i32
    %sub3A_16 = arith.subi %div3A, %sub3A : i32
    %select_n3A = arith.select %and3A, %sub3A_16, %div3A : i32
    %c0_i32 = arith.constant 0 : i32
    %c0_i32_17 = arith.constant 0 : i32
    return %c0_i32, %select_n3A : i32, i32
  }
  func.func @transform_42(%arg0: i32, %arg1: memref<64xi32, #tpu.memory_space<smem>>) -> (i32, i32) {
    %get3A = arith.constant 42 : index
    %get3A_0 = memref.load %arg1[%get3A] : memref<64xi32, #tpu.memory_space<smem>>
    %jit3A = arith.constant 128 : i32
    %div3A = arith.divsi %get3A_0, %jit3A : i32
    %sign3A = arith.constant 0 : i32
    %sign3A_1 = arith.cmpi sgt, %get3A_0, %sign3A : i32
    %sign3A_2 = arith.extui %sign3A_1 : i1 to i32
    %sign3A_3 = arith.constant 0 : i32
    %sign3A_4 = arith.cmpi slt, %get3A_0, %sign3A_3 : i32
    %sign3A_5 = arith.extui %sign3A_4 : i1 to i32
    %sign3A_6 = arith.subi %sign3A_2, %sign3A_5 : i32
    %sign3A_7 = arith.constant 0 : i32
    %sign3A_8 = arith.cmpi sgt, %jit3A, %sign3A_7 : i32
    %sign3A_9 = arith.extui %sign3A_8 : i1 to i32
    %sign3A_10 = arith.constant 0 : i32
    %sign3A_11 = arith.cmpi slt, %jit3A, %sign3A_10 : i32
    %sign3A_12 = arith.extui %sign3A_11 : i1 to i32
    %sign3A_13 = arith.subi %sign3A_9, %sign3A_12 : i32
    %ne3A = arith.cmpi ne, %sign3A_6, %sign3A_13 : i32
    %rem3A = arith.remsi %get3A_0, %jit3A : i32
    %ne3A_14 = arith.constant 0 : i32
    %ne3A_15 = arith.cmpi ne, %rem3A, %ne3A_14 : i32
    %and3A = arith.andi %ne3A, %ne3A_15 : i1
    %sub3A = arith.constant 1 : i32
    %sub3A_16 = arith.subi %div3A, %sub3A : i32
    %select_n3A = arith.select %and3A, %sub3A_16, %div3A : i32
    %c0_i32 = arith.constant 0 : i32
    %c0_i32_17 = arith.constant 0 : i32
    return %c0_i32, %select_n3A : i32, i32
  }
  func.func @transform_43(%arg0: i32, %arg1: memref<64xi32, #tpu.memory_space<smem>>) -> (i32, i32) {
    %get3A = arith.constant 43 : index
    %get3A_0 = memref.load %arg1[%get3A] : memref<64xi32, #tpu.memory_space<smem>>
    %jit3A = arith.constant 128 : i32
    %div3A = arith.divsi %get3A_0, %jit3A : i32
    %sign3A = arith.constant 0 : i32
    %sign3A_1 = arith.cmpi sgt, %get3A_0, %sign3A : i32
    %sign3A_2 = arith.extui %sign3A_1 : i1 to i32
    %sign3A_3 = arith.constant 0 : i32
    %sign3A_4 = arith.cmpi slt, %get3A_0, %sign3A_3 : i32
    %sign3A_5 = arith.extui %sign3A_4 : i1 to i32
    %sign3A_6 = arith.subi %sign3A_2, %sign3A_5 : i32
    %sign3A_7 = arith.constant 0 : i32
    %sign3A_8 = arith.cmpi sgt, %jit3A, %sign3A_7 : i32
    %sign3A_9 = arith.extui %sign3A_8 : i1 to i32
    %sign3A_10 = arith.constant 0 : i32
    %sign3A_11 = arith.cmpi slt, %jit3A, %sign3A_10 : i32
    %sign3A_12 = arith.extui %sign3A_11 : i1 to i32
    %sign3A_13 = arith.subi %sign3A_9, %sign3A_12 : i32
    %ne3A = arith.cmpi ne, %sign3A_6, %sign3A_13 : i32
    %rem3A = arith.remsi %get3A_0, %jit3A : i32
    %ne3A_14 = arith.constant 0 : i32
    %ne3A_15 = arith.cmpi ne, %rem3A, %ne3A_14 : i32
    %and3A = arith.andi %ne3A, %ne3A_15 : i1
    %sub3A = arith.constant 1 : i32
    %sub3A_16 = arith.subi %div3A, %sub3A : i32
    %select_n3A = arith.select %and3A, %sub3A_16, %div3A : i32
    %c0_i32 = arith.constant 0 : i32
    %c0_i32_17 = arith.constant 0 : i32
    return %c0_i32, %select_n3A : i32, i32
  }
  func.func @transform_44(%arg0: i32, %arg1: memref<64xi32, #tpu.memory_space<smem>>) -> (i32, i32) {
    %get3A = arith.constant 44 : index
    %get3A_0 = memref.load %arg1[%get3A] : memref<64xi32, #tpu.memory_space<smem>>
    %jit3A = arith.constant 128 : i32
    %div3A = arith.divsi %get3A_0, %jit3A : i32
    %sign3A = arith.constant 0 : i32
    %sign3A_1 = arith.cmpi sgt, %get3A_0, %sign3A : i32
    %sign3A_2 = arith.extui %sign3A_1 : i1 to i32
    %sign3A_3 = arith.constant 0 : i32
    %sign3A_4 = arith.cmpi slt, %get3A_0, %sign3A_3 : i32
    %sign3A_5 = arith.extui %sign3A_4 : i1 to i32
    %sign3A_6 = arith.subi %sign3A_2, %sign3A_5 : i32
    %sign3A_7 = arith.constant 0 : i32
    %sign3A_8 = arith.cmpi sgt, %jit3A, %sign3A_7 : i32
    %sign3A_9 = arith.extui %sign3A_8 : i1 to i32
    %sign3A_10 = arith.constant 0 : i32
    %sign3A_11 = arith.cmpi slt, %jit3A, %sign3A_10 : i32
    %sign3A_12 = arith.extui %sign3A_11 : i1 to i32
    %sign3A_13 = arith.subi %sign3A_9, %sign3A_12 : i32
    %ne3A = arith.cmpi ne, %sign3A_6, %sign3A_13 : i32
    %rem3A = arith.remsi %get3A_0, %jit3A : i32
    %ne3A_14 = arith.constant 0 : i32
    %ne3A_15 = arith.cmpi ne, %rem3A, %ne3A_14 : i32
    %and3A = arith.andi %ne3A, %ne3A_15 : i1
    %sub3A = arith.constant 1 : i32
    %sub3A_16 = arith.subi %div3A, %sub3A : i32
    %select_n3A = arith.select %and3A, %sub3A_16, %div3A : i32
    %c0_i32 = arith.constant 0 : i32
    %c0_i32_17 = arith.constant 0 : i32
    return %c0_i32, %select_n3A : i32, i32
  }
  func.func @transform_45(%arg0: i32, %arg1: memref<64xi32, #tpu.memory_space<smem>>) -> (i32, i32) {
    %get3A = arith.constant 45 : index
    %get3A_0 = memref.load %arg1[%get3A] : memref<64xi32, #tpu.memory_space<smem>>
    %jit3A = arith.constant 128 : i32
    %div3A = arith.divsi %get3A_0, %jit3A : i32
    %sign3A = arith.constant 0 : i32
    %sign3A_1 = arith.cmpi sgt, %get3A_0, %sign3A : i32
    %sign3A_2 = arith.extui %sign3A_1 : i1 to i32
    %sign3A_3 = arith.constant 0 : i32
    %sign3A_4 = arith.cmpi slt, %get3A_0, %sign3A_3 : i32
    %sign3A_5 = arith.extui %sign3A_4 : i1 to i32
    %sign3A_6 = arith.subi %sign3A_2, %sign3A_5 : i32
    %sign3A_7 = arith.constant 0 : i32
    %sign3A_8 = arith.cmpi sgt, %jit3A, %sign3A_7 : i32
    %sign3A_9 = arith.extui %sign3A_8 : i1 to i32
    %sign3A_10 = arith.constant 0 : i32
    %sign3A_11 = arith.cmpi slt, %jit3A, %sign3A_10 : i32
    %sign3A_12 = arith.extui %sign3A_11 : i1 to i32
    %sign3A_13 = arith.subi %sign3A_9, %sign3A_12 : i32
    %ne3A = arith.cmpi ne, %sign3A_6, %sign3A_13 : i32
    %rem3A = arith.remsi %get3A_0, %jit3A : i32
    %ne3A_14 = arith.constant 0 : i32
    %ne3A_15 = arith.cmpi ne, %rem3A, %ne3A_14 : i32
    %and3A = arith.andi %ne3A, %ne3A_15 : i1
    %sub3A = arith.constant 1 : i32
    %sub3A_16 = arith.subi %div3A, %sub3A : i32
    %select_n3A = arith.select %and3A, %sub3A_16, %div3A : i32
    %c0_i32 = arith.constant 0 : i32
    %c0_i32_17 = arith.constant 0 : i32
    return %c0_i32, %select_n3A : i32, i32
  }
  func.func @transform_46(%arg0: i32, %arg1: memref<64xi32, #tpu.memory_space<smem>>) -> (i32, i32) {
    %get3A = arith.constant 46 : index
    %get3A_0 = memref.load %arg1[%get3A] : memref<64xi32, #tpu.memory_space<smem>>
    %jit3A = arith.constant 128 : i32
    %div3A = arith.divsi %get3A_0, %jit3A : i32
    %sign3A = arith.constant 0 : i32
    %sign3A_1 = arith.cmpi sgt, %get3A_0, %sign3A : i32
    %sign3A_2 = arith.extui %sign3A_1 : i1 to i32
    %sign3A_3 = arith.constant 0 : i32
    %sign3A_4 = arith.cmpi slt, %get3A_0, %sign3A_3 : i32
    %sign3A_5 = arith.extui %sign3A_4 : i1 to i32
    %sign3A_6 = arith.subi %sign3A_2, %sign3A_5 : i32
    %sign3A_7 = arith.constant 0 : i32
    %sign3A_8 = arith.cmpi sgt, %jit3A, %sign3A_7 : i32
    %sign3A_9 = arith.extui %sign3A_8 : i1 to i32
    %sign3A_10 = arith.constant 0 : i32
    %sign3A_11 = arith.cmpi slt, %jit3A, %sign3A_10 : i32
    %sign3A_12 = arith.extui %sign3A_11 : i1 to i32
    %sign3A_13 = arith.subi %sign3A_9, %sign3A_12 : i32
    %ne3A = arith.cmpi ne, %sign3A_6, %sign3A_13 : i32
    %rem3A = arith.remsi %get3A_0, %jit3A : i32
    %ne3A_14 = arith.constant 0 : i32
    %ne3A_15 = arith.cmpi ne, %rem3A, %ne3A_14 : i32
    %and3A = arith.andi %ne3A, %ne3A_15 : i1
    %sub3A = arith.constant 1 : i32
    %sub3A_16 = arith.subi %div3A, %sub3A : i32
    %select_n3A = arith.select %and3A, %sub3A_16, %div3A : i32
    %c0_i32 = arith.constant 0 : i32
    %c0_i32_17 = arith.constant 0 : i32
    return %c0_i32, %select_n3A : i32, i32
  }
  func.func @transform_47(%arg0: i32, %arg1: memref<64xi32, #tpu.memory_space<smem>>) -> (i32, i32) {
    %get3A = arith.constant 47 : index
    %get3A_0 = memref.load %arg1[%get3A] : memref<64xi32, #tpu.memory_space<smem>>
    %jit3A = arith.constant 128 : i32
    %div3A = arith.divsi %get3A_0, %jit3A : i32
    %sign3A = arith.constant 0 : i32
    %sign3A_1 = arith.cmpi sgt, %get3A_0, %sign3A : i32
    %sign3A_2 = arith.extui %sign3A_1 : i1 to i32
    %sign3A_3 = arith.constant 0 : i32
    %sign3A_4 = arith.cmpi slt, %get3A_0, %sign3A_3 : i32
    %sign3A_5 = arith.extui %sign3A_4 : i1 to i32
    %sign3A_6 = arith.subi %sign3A_2, %sign3A_5 : i32
    %sign3A_7 = arith.constant 0 : i32
    %sign3A_8 = arith.cmpi sgt, %jit3A, %sign3A_7 : i32
    %sign3A_9 = arith.extui %sign3A_8 : i1 to i32
    %sign3A_10 = arith.constant 0 : i32
    %sign3A_11 = arith.cmpi slt, %jit3A, %sign3A_10 : i32
    %sign3A_12 = arith.extui %sign3A_11 : i1 to i32
    %sign3A_13 = arith.subi %sign3A_9, %sign3A_12 : i32
    %ne3A = arith.cmpi ne, %sign3A_6, %sign3A_13 : i32
    %rem3A = arith.remsi %get3A_0, %jit3A : i32
    %ne3A_14 = arith.constant 0 : i32
    %ne3A_15 = arith.cmpi ne, %rem3A, %ne3A_14 : i32
    %and3A = arith.andi %ne3A, %ne3A_15 : i1
    %sub3A = arith.constant 1 : i32
    %sub3A_16 = arith.subi %div3A, %sub3A : i32
    %select_n3A = arith.select %and3A, %sub3A_16, %div3A : i32
    %c0_i32 = arith.constant 0 : i32
    %c0_i32_17 = arith.constant 0 : i32
    return %c0_i32, %select_n3A : i32, i32
  }
  func.func @transform_48(%arg0: i32, %arg1: memref<64xi32, #tpu.memory_space<smem>>) -> (i32, i32) {
    %get3A = arith.constant 48 : index
    %get3A_0 = memref.load %arg1[%get3A] : memref<64xi32, #tpu.memory_space<smem>>
    %jit3A = arith.constant 128 : i32
    %div3A = arith.divsi %get3A_0, %jit3A : i32
    %sign3A = arith.constant 0 : i32
    %sign3A_1 = arith.cmpi sgt, %get3A_0, %sign3A : i32
    %sign3A_2 = arith.extui %sign3A_1 : i1 to i32
    %sign3A_3 = arith.constant 0 : i32
    %sign3A_4 = arith.cmpi slt, %get3A_0, %sign3A_3 : i32
    %sign3A_5 = arith.extui %sign3A_4 : i1 to i32
    %sign3A_6 = arith.subi %sign3A_2, %sign3A_5 : i32
    %sign3A_7 = arith.constant 0 : i32
    %sign3A_8 = arith.cmpi sgt, %jit3A, %sign3A_7 : i32
    %sign3A_9 = arith.extui %sign3A_8 : i1 to i32
    %sign3A_10 = arith.constant 0 : i32
    %sign3A_11 = arith.cmpi slt, %jit3A, %sign3A_10 : i32
    %sign3A_12 = arith.extui %sign3A_11 : i1 to i32
    %sign3A_13 = arith.subi %sign3A_9, %sign3A_12 : i32
    %ne3A = arith.cmpi ne, %sign3A_6, %sign3A_13 : i32
    %rem3A = arith.remsi %get3A_0, %jit3A : i32
    %ne3A_14 = arith.constant 0 : i32
    %ne3A_15 = arith.cmpi ne, %rem3A, %ne3A_14 : i32
    %and3A = arith.andi %ne3A, %ne3A_15 : i1
    %sub3A = arith.constant 1 : i32
    %sub3A_16 = arith.subi %div3A, %sub3A : i32
    %select_n3A = arith.select %and3A, %sub3A_16, %div3A : i32
    %c0_i32 = arith.constant 0 : i32
    %c0_i32_17 = arith.constant 0 : i32
    return %c0_i32, %select_n3A : i32, i32
  }
  func.func @transform_49(%arg0: i32, %arg1: memref<64xi32, #tpu.memory_space<smem>>) -> (i32, i32) {
    %get3A = arith.constant 49 : index
    %get3A_0 = memref.load %arg1[%get3A] : memref<64xi32, #tpu.memory_space<smem>>
    %jit3A = arith.constant 128 : i32
    %div3A = arith.divsi %get3A_0, %jit3A : i32
    %sign3A = arith.constant 0 : i32
    %sign3A_1 = arith.cmpi sgt, %get3A_0, %sign3A : i32
    %sign3A_2 = arith.extui %sign3A_1 : i1 to i32
    %sign3A_3 = arith.constant 0 : i32
    %sign3A_4 = arith.cmpi slt, %get3A_0, %sign3A_3 : i32
    %sign3A_5 = arith.extui %sign3A_4 : i1 to i32
    %sign3A_6 = arith.subi %sign3A_2, %sign3A_5 : i32
    %sign3A_7 = arith.constant 0 : i32
    %sign3A_8 = arith.cmpi sgt, %jit3A, %sign3A_7 : i32
    %sign3A_9 = arith.extui %sign3A_8 : i1 to i32
    %sign3A_10 = arith.constant 0 : i32
    %sign3A_11 = arith.cmpi slt, %jit3A, %sign3A_10 : i32
    %sign3A_12 = arith.extui %sign3A_11 : i1 to i32
    %sign3A_13 = arith.subi %sign3A_9, %sign3A_12 : i32
    %ne3A = arith.cmpi ne, %sign3A_6, %sign3A_13 : i32
    %rem3A = arith.remsi %get3A_0, %jit3A : i32
    %ne3A_14 = arith.constant 0 : i32
    %ne3A_15 = arith.cmpi ne, %rem3A, %ne3A_14 : i32
    %and3A = arith.andi %ne3A, %ne3A_15 : i1
    %sub3A = arith.constant 1 : i32
    %sub3A_16 = arith.subi %div3A, %sub3A : i32
    %select_n3A = arith.select %and3A, %sub3A_16, %div3A : i32
    %c0_i32 = arith.constant 0 : i32
    %c0_i32_17 = arith.constant 0 : i32
    return %c0_i32, %select_n3A : i32, i32
  }
  func.func @transform_50(%arg0: i32, %arg1: memref<64xi32, #tpu.memory_space<smem>>) -> (i32, i32) {
    %get3A = arith.constant 50 : index
    %get3A_0 = memref.load %arg1[%get3A] : memref<64xi32, #tpu.memory_space<smem>>
    %jit3A = arith.constant 128 : i32
    %div3A = arith.divsi %get3A_0, %jit3A : i32
    %sign3A = arith.constant 0 : i32
    %sign3A_1 = arith.cmpi sgt, %get3A_0, %sign3A : i32
    %sign3A_2 = arith.extui %sign3A_1 : i1 to i32
    %sign3A_3 = arith.constant 0 : i32
    %sign3A_4 = arith.cmpi slt, %get3A_0, %sign3A_3 : i32
    %sign3A_5 = arith.extui %sign3A_4 : i1 to i32
    %sign3A_6 = arith.subi %sign3A_2, %sign3A_5 : i32
    %sign3A_7 = arith.constant 0 : i32
    %sign3A_8 = arith.cmpi sgt, %jit3A, %sign3A_7 : i32
    %sign3A_9 = arith.extui %sign3A_8 : i1 to i32
    %sign3A_10 = arith.constant 0 : i32
    %sign3A_11 = arith.cmpi slt, %jit3A, %sign3A_10 : i32
    %sign3A_12 = arith.extui %sign3A_11 : i1 to i32
    %sign3A_13 = arith.subi %sign3A_9, %sign3A_12 : i32
    %ne3A = arith.cmpi ne, %sign3A_6, %sign3A_13 : i32
    %rem3A = arith.remsi %get3A_0, %jit3A : i32
    %ne3A_14 = arith.constant 0 : i32
    %ne3A_15 = arith.cmpi ne, %rem3A, %ne3A_14 : i32
    %and3A = arith.andi %ne3A, %ne3A_15 : i1
    %sub3A = arith.constant 1 : i32
    %sub3A_16 = arith.subi %div3A, %sub3A : i32
    %select_n3A = arith.select %and3A, %sub3A_16, %div3A : i32
    %c0_i32 = arith.constant 0 : i32
    %c0_i32_17 = arith.constant 0 : i32
    return %c0_i32, %select_n3A : i32, i32
  }
  func.func @transform_51(%arg0: i32, %arg1: memref<64xi32, #tpu.memory_space<smem>>) -> (i32, i32) {
    %get3A = arith.constant 51 : index
    %get3A_0 = memref.load %arg1[%get3A] : memref<64xi32, #tpu.memory_space<smem>>
    %jit3A = arith.constant 128 : i32
    %div3A = arith.divsi %get3A_0, %jit3A : i32
    %sign3A = arith.constant 0 : i32
    %sign3A_1 = arith.cmpi sgt, %get3A_0, %sign3A : i32
    %sign3A_2 = arith.extui %sign3A_1 : i1 to i32
    %sign3A_3 = arith.constant 0 : i32
    %sign3A_4 = arith.cmpi slt, %get3A_0, %sign3A_3 : i32
    %sign3A_5 = arith.extui %sign3A_4 : i1 to i32
    %sign3A_6 = arith.subi %sign3A_2, %sign3A_5 : i32
    %sign3A_7 = arith.constant 0 : i32
    %sign3A_8 = arith.cmpi sgt, %jit3A, %sign3A_7 : i32
    %sign3A_9 = arith.extui %sign3A_8 : i1 to i32
    %sign3A_10 = arith.constant 0 : i32
    %sign3A_11 = arith.cmpi slt, %jit3A, %sign3A_10 : i32
    %sign3A_12 = arith.extui %sign3A_11 : i1 to i32
    %sign3A_13 = arith.subi %sign3A_9, %sign3A_12 : i32
    %ne3A = arith.cmpi ne, %sign3A_6, %sign3A_13 : i32
    %rem3A = arith.remsi %get3A_0, %jit3A : i32
    %ne3A_14 = arith.constant 0 : i32
    %ne3A_15 = arith.cmpi ne, %rem3A, %ne3A_14 : i32
    %and3A = arith.andi %ne3A, %ne3A_15 : i1
    %sub3A = arith.constant 1 : i32
    %sub3A_16 = arith.subi %div3A, %sub3A : i32
    %select_n3A = arith.select %and3A, %sub3A_16, %div3A : i32
    %c0_i32 = arith.constant 0 : i32
    %c0_i32_17 = arith.constant 0 : i32
    return %c0_i32, %select_n3A : i32, i32
  }
  func.func @transform_52(%arg0: i32, %arg1: memref<64xi32, #tpu.memory_space<smem>>) -> (i32, i32) {
    %get3A = arith.constant 52 : index
    %get3A_0 = memref.load %arg1[%get3A] : memref<64xi32, #tpu.memory_space<smem>>
    %jit3A = arith.constant 128 : i32
    %div3A = arith.divsi %get3A_0, %jit3A : i32
    %sign3A = arith.constant 0 : i32
    %sign3A_1 = arith.cmpi sgt, %get3A_0, %sign3A : i32
    %sign3A_2 = arith.extui %sign3A_1 : i1 to i32
    %sign3A_3 = arith.constant 0 : i32
    %sign3A_4 = arith.cmpi slt, %get3A_0, %sign3A_3 : i32
    %sign3A_5 = arith.extui %sign3A_4 : i1 to i32
    %sign3A_6 = arith.subi %sign3A_2, %sign3A_5 : i32
    %sign3A_7 = arith.constant 0 : i32
    %sign3A_8 = arith.cmpi sgt, %jit3A, %sign3A_7 : i32
    %sign3A_9 = arith.extui %sign3A_8 : i1 to i32
    %sign3A_10 = arith.constant 0 : i32
    %sign3A_11 = arith.cmpi slt, %jit3A, %sign3A_10 : i32
    %sign3A_12 = arith.extui %sign3A_11 : i1 to i32
    %sign3A_13 = arith.subi %sign3A_9, %sign3A_12 : i32
    %ne3A = arith.cmpi ne, %sign3A_6, %sign3A_13 : i32
    %rem3A = arith.remsi %get3A_0, %jit3A : i32
    %ne3A_14 = arith.constant 0 : i32
    %ne3A_15 = arith.cmpi ne, %rem3A, %ne3A_14 : i32
    %and3A = arith.andi %ne3A, %ne3A_15 : i1
    %sub3A = arith.constant 1 : i32
    %sub3A_16 = arith.subi %div3A, %sub3A : i32
    %select_n3A = arith.select %and3A, %sub3A_16, %div3A : i32
    %c0_i32 = arith.constant 0 : i32
    %c0_i32_17 = arith.constant 0 : i32
    return %c0_i32, %select_n3A : i32, i32
  }
  func.func @transform_53(%arg0: i32, %arg1: memref<64xi32, #tpu.memory_space<smem>>) -> (i32, i32) {
    %get3A = arith.constant 53 : index
    %get3A_0 = memref.load %arg1[%get3A] : memref<64xi32, #tpu.memory_space<smem>>
    %jit3A = arith.constant 128 : i32
    %div3A = arith.divsi %get3A_0, %jit3A : i32
    %sign3A = arith.constant 0 : i32
    %sign3A_1 = arith.cmpi sgt, %get3A_0, %sign3A : i32
    %sign3A_2 = arith.extui %sign3A_1 : i1 to i32
    %sign3A_3 = arith.constant 0 : i32
    %sign3A_4 = arith.cmpi slt, %get3A_0, %sign3A_3 : i32
    %sign3A_5 = arith.extui %sign3A_4 : i1 to i32
    %sign3A_6 = arith.subi %sign3A_2, %sign3A_5 : i32
    %sign3A_7 = arith.constant 0 : i32
    %sign3A_8 = arith.cmpi sgt, %jit3A, %sign3A_7 : i32
    %sign3A_9 = arith.extui %sign3A_8 : i1 to i32
    %sign3A_10 = arith.constant 0 : i32
    %sign3A_11 = arith.cmpi slt, %jit3A, %sign3A_10 : i32
    %sign3A_12 = arith.extui %sign3A_11 : i1 to i32
    %sign3A_13 = arith.subi %sign3A_9, %sign3A_12 : i32
    %ne3A = arith.cmpi ne, %sign3A_6, %sign3A_13 : i32
    %rem3A = arith.remsi %get3A_0, %jit3A : i32
    %ne3A_14 = arith.constant 0 : i32
    %ne3A_15 = arith.cmpi ne, %rem3A, %ne3A_14 : i32
    %and3A = arith.andi %ne3A, %ne3A_15 : i1
    %sub3A = arith.constant 1 : i32
    %sub3A_16 = arith.subi %div3A, %sub3A : i32
    %select_n3A = arith.select %and3A, %sub3A_16, %div3A : i32
    %c0_i32 = arith.constant 0 : i32
    %c0_i32_17 = arith.constant 0 : i32
    return %c0_i32, %select_n3A : i32, i32
  }
  func.func @transform_54(%arg0: i32, %arg1: memref<64xi32, #tpu.memory_space<smem>>) -> (i32, i32) {
    %get3A = arith.constant 54 : index
    %get3A_0 = memref.load %arg1[%get3A] : memref<64xi32, #tpu.memory_space<smem>>
    %jit3A = arith.constant 128 : i32
    %div3A = arith.divsi %get3A_0, %jit3A : i32
    %sign3A = arith.constant 0 : i32
    %sign3A_1 = arith.cmpi sgt, %get3A_0, %sign3A : i32
    %sign3A_2 = arith.extui %sign3A_1 : i1 to i32
    %sign3A_3 = arith.constant 0 : i32
    %sign3A_4 = arith.cmpi slt, %get3A_0, %sign3A_3 : i32
    %sign3A_5 = arith.extui %sign3A_4 : i1 to i32
    %sign3A_6 = arith.subi %sign3A_2, %sign3A_5 : i32
    %sign3A_7 = arith.constant 0 : i32
    %sign3A_8 = arith.cmpi sgt, %jit3A, %sign3A_7 : i32
    %sign3A_9 = arith.extui %sign3A_8 : i1 to i32
    %sign3A_10 = arith.constant 0 : i32
    %sign3A_11 = arith.cmpi slt, %jit3A, %sign3A_10 : i32
    %sign3A_12 = arith.extui %sign3A_11 : i1 to i32
    %sign3A_13 = arith.subi %sign3A_9, %sign3A_12 : i32
    %ne3A = arith.cmpi ne, %sign3A_6, %sign3A_13 : i32
    %rem3A = arith.remsi %get3A_0, %jit3A : i32
    %ne3A_14 = arith.constant 0 : i32
    %ne3A_15 = arith.cmpi ne, %rem3A, %ne3A_14 : i32
    %and3A = arith.andi %ne3A, %ne3A_15 : i1
    %sub3A = arith.constant 1 : i32
    %sub3A_16 = arith.subi %div3A, %sub3A : i32
    %select_n3A = arith.select %and3A, %sub3A_16, %div3A : i32
    %c0_i32 = arith.constant 0 : i32
    %c0_i32_17 = arith.constant 0 : i32
    return %c0_i32, %select_n3A : i32, i32
  }
  func.func @transform_55(%arg0: i32, %arg1: memref<64xi32, #tpu.memory_space<smem>>) -> (i32, i32) {
    %get3A = arith.constant 55 : index
    %get3A_0 = memref.load %arg1[%get3A] : memref<64xi32, #tpu.memory_space<smem>>
    %jit3A = arith.constant 128 : i32
    %div3A = arith.divsi %get3A_0, %jit3A : i32
    %sign3A = arith.constant 0 : i32
    %sign3A_1 = arith.cmpi sgt, %get3A_0, %sign3A : i32
    %sign3A_2 = arith.extui %sign3A_1 : i1 to i32
    %sign3A_3 = arith.constant 0 : i32
    %sign3A_4 = arith.cmpi slt, %get3A_0, %sign3A_3 : i32
    %sign3A_5 = arith.extui %sign3A_4 : i1 to i32
    %sign3A_6 = arith.subi %sign3A_2, %sign3A_5 : i32
    %sign3A_7 = arith.constant 0 : i32
    %sign3A_8 = arith.cmpi sgt, %jit3A, %sign3A_7 : i32
    %sign3A_9 = arith.extui %sign3A_8 : i1 to i32
    %sign3A_10 = arith.constant 0 : i32
    %sign3A_11 = arith.cmpi slt, %jit3A, %sign3A_10 : i32
    %sign3A_12 = arith.extui %sign3A_11 : i1 to i32
    %sign3A_13 = arith.subi %sign3A_9, %sign3A_12 : i32
    %ne3A = arith.cmpi ne, %sign3A_6, %sign3A_13 : i32
    %rem3A = arith.remsi %get3A_0, %jit3A : i32
    %ne3A_14 = arith.constant 0 : i32
    %ne3A_15 = arith.cmpi ne, %rem3A, %ne3A_14 : i32
    %and3A = arith.andi %ne3A, %ne3A_15 : i1
    %sub3A = arith.constant 1 : i32
    %sub3A_16 = arith.subi %div3A, %sub3A : i32
    %select_n3A = arith.select %and3A, %sub3A_16, %div3A : i32
    %c0_i32 = arith.constant 0 : i32
    %c0_i32_17 = arith.constant 0 : i32
    return %c0_i32, %select_n3A : i32, i32
  }
  func.func @transform_56(%arg0: i32, %arg1: memref<64xi32, #tpu.memory_space<smem>>) -> (i32, i32) {
    %get3A = arith.constant 56 : index
    %get3A_0 = memref.load %arg1[%get3A] : memref<64xi32, #tpu.memory_space<smem>>
    %jit3A = arith.constant 128 : i32
    %div3A = arith.divsi %get3A_0, %jit3A : i32
    %sign3A = arith.constant 0 : i32
    %sign3A_1 = arith.cmpi sgt, %get3A_0, %sign3A : i32
    %sign3A_2 = arith.extui %sign3A_1 : i1 to i32
    %sign3A_3 = arith.constant 0 : i32
    %sign3A_4 = arith.cmpi slt, %get3A_0, %sign3A_3 : i32
    %sign3A_5 = arith.extui %sign3A_4 : i1 to i32
    %sign3A_6 = arith.subi %sign3A_2, %sign3A_5 : i32
    %sign3A_7 = arith.constant 0 : i32
    %sign3A_8 = arith.cmpi sgt, %jit3A, %sign3A_7 : i32
    %sign3A_9 = arith.extui %sign3A_8 : i1 to i32
    %sign3A_10 = arith.constant 0 : i32
    %sign3A_11 = arith.cmpi slt, %jit3A, %sign3A_10 : i32
    %sign3A_12 = arith.extui %sign3A_11 : i1 to i32
    %sign3A_13 = arith.subi %sign3A_9, %sign3A_12 : i32
    %ne3A = arith.cmpi ne, %sign3A_6, %sign3A_13 : i32
    %rem3A = arith.remsi %get3A_0, %jit3A : i32
    %ne3A_14 = arith.constant 0 : i32
    %ne3A_15 = arith.cmpi ne, %rem3A, %ne3A_14 : i32
    %and3A = arith.andi %ne3A, %ne3A_15 : i1
    %sub3A = arith.constant 1 : i32
    %sub3A_16 = arith.subi %div3A, %sub3A : i32
    %select_n3A = arith.select %and3A, %sub3A_16, %div3A : i32
    %c0_i32 = arith.constant 0 : i32
    %c0_i32_17 = arith.constant 0 : i32
    return %c0_i32, %select_n3A : i32, i32
  }
  func.func @transform_57(%arg0: i32, %arg1: memref<64xi32, #tpu.memory_space<smem>>) -> (i32, i32) {
    %get3A = arith.constant 57 : index
    %get3A_0 = memref.load %arg1[%get3A] : memref<64xi32, #tpu.memory_space<smem>>
    %jit3A = arith.constant 128 : i32
    %div3A = arith.divsi %get3A_0, %jit3A : i32
    %sign3A = arith.constant 0 : i32
    %sign3A_1 = arith.cmpi sgt, %get3A_0, %sign3A : i32
    %sign3A_2 = arith.extui %sign3A_1 : i1 to i32
    %sign3A_3 = arith.constant 0 : i32
    %sign3A_4 = arith.cmpi slt, %get3A_0, %sign3A_3 : i32
    %sign3A_5 = arith.extui %sign3A_4 : i1 to i32
    %sign3A_6 = arith.subi %sign3A_2, %sign3A_5 : i32
    %sign3A_7 = arith.constant 0 : i32
    %sign3A_8 = arith.cmpi sgt, %jit3A, %sign3A_7 : i32
    %sign3A_9 = arith.extui %sign3A_8 : i1 to i32
    %sign3A_10 = arith.constant 0 : i32
    %sign3A_11 = arith.cmpi slt, %jit3A, %sign3A_10 : i32
    %sign3A_12 = arith.extui %sign3A_11 : i1 to i32
    %sign3A_13 = arith.subi %sign3A_9, %sign3A_12 : i32
    %ne3A = arith.cmpi ne, %sign3A_6, %sign3A_13 : i32
    %rem3A = arith.remsi %get3A_0, %jit3A : i32
    %ne3A_14 = arith.constant 0 : i32
    %ne3A_15 = arith.cmpi ne, %rem3A, %ne3A_14 : i32
    %and3A = arith.andi %ne3A, %ne3A_15 : i1
    %sub3A = arith.constant 1 : i32
    %sub3A_16 = arith.subi %div3A, %sub3A : i32
    %select_n3A = arith.select %and3A, %sub3A_16, %div3A : i32
    %c0_i32 = arith.constant 0 : i32
    %c0_i32_17 = arith.constant 0 : i32
    return %c0_i32, %select_n3A : i32, i32
  }
  func.func @transform_58(%arg0: i32, %arg1: memref<64xi32, #tpu.memory_space<smem>>) -> (i32, i32) {
    %get3A = arith.constant 58 : index
    %get3A_0 = memref.load %arg1[%get3A] : memref<64xi32, #tpu.memory_space<smem>>
    %jit3A = arith.constant 128 : i32
    %div3A = arith.divsi %get3A_0, %jit3A : i32
    %sign3A = arith.constant 0 : i32
    %sign3A_1 = arith.cmpi sgt, %get3A_0, %sign3A : i32
    %sign3A_2 = arith.extui %sign3A_1 : i1 to i32
    %sign3A_3 = arith.constant 0 : i32
    %sign3A_4 = arith.cmpi slt, %get3A_0, %sign3A_3 : i32
    %sign3A_5 = arith.extui %sign3A_4 : i1 to i32
    %sign3A_6 = arith.subi %sign3A_2, %sign3A_5 : i32
    %sign3A_7 = arith.constant 0 : i32
    %sign3A_8 = arith.cmpi sgt, %jit3A, %sign3A_7 : i32
    %sign3A_9 = arith.extui %sign3A_8 : i1 to i32
    %sign3A_10 = arith.constant 0 : i32
    %sign3A_11 = arith.cmpi slt, %jit3A, %sign3A_10 : i32
    %sign3A_12 = arith.extui %sign3A_11 : i1 to i32
    %sign3A_13 = arith.subi %sign3A_9, %sign3A_12 : i32
    %ne3A = arith.cmpi ne, %sign3A_6, %sign3A_13 : i32
    %rem3A = arith.remsi %get3A_0, %jit3A : i32
    %ne3A_14 = arith.constant 0 : i32
    %ne3A_15 = arith.cmpi ne, %rem3A, %ne3A_14 : i32
    %and3A = arith.andi %ne3A, %ne3A_15 : i1
    %sub3A = arith.constant 1 : i32
    %sub3A_16 = arith.subi %div3A, %sub3A : i32
    %select_n3A = arith.select %and3A, %sub3A_16, %div3A : i32
    %c0_i32 = arith.constant 0 : i32
    %c0_i32_17 = arith.constant 0 : i32
    return %c0_i32, %select_n3A : i32, i32
  }
  func.func @transform_59(%arg0: i32, %arg1: memref<64xi32, #tpu.memory_space<smem>>) -> (i32, i32) {
    %get3A = arith.constant 59 : index
    %get3A_0 = memref.load %arg1[%get3A] : memref<64xi32, #tpu.memory_space<smem>>
    %jit3A = arith.constant 128 : i32
    %div3A = arith.divsi %get3A_0, %jit3A : i32
    %sign3A = arith.constant 0 : i32
    %sign3A_1 = arith.cmpi sgt, %get3A_0, %sign3A : i32
    %sign3A_2 = arith.extui %sign3A_1 : i1 to i32
    %sign3A_3 = arith.constant 0 : i32
    %sign3A_4 = arith.cmpi slt, %get3A_0, %sign3A_3 : i32
    %sign3A_5 = arith.extui %sign3A_4 : i1 to i32
    %sign3A_6 = arith.subi %sign3A_2, %sign3A_5 : i32
    %sign3A_7 = arith.constant 0 : i32
    %sign3A_8 = arith.cmpi sgt, %jit3A, %sign3A_7 : i32
    %sign3A_9 = arith.extui %sign3A_8 : i1 to i32
    %sign3A_10 = arith.constant 0 : i32
    %sign3A_11 = arith.cmpi slt, %jit3A, %sign3A_10 : i32
    %sign3A_12 = arith.extui %sign3A_11 : i1 to i32
    %sign3A_13 = arith.subi %sign3A_9, %sign3A_12 : i32
    %ne3A = arith.cmpi ne, %sign3A_6, %sign3A_13 : i32
    %rem3A = arith.remsi %get3A_0, %jit3A : i32
    %ne3A_14 = arith.constant 0 : i32
    %ne3A_15 = arith.cmpi ne, %rem3A, %ne3A_14 : i32
    %and3A = arith.andi %ne3A, %ne3A_15 : i1
    %sub3A = arith.constant 1 : i32
    %sub3A_16 = arith.subi %div3A, %sub3A : i32
    %select_n3A = arith.select %and3A, %sub3A_16, %div3A : i32
    %c0_i32 = arith.constant 0 : i32
    %c0_i32_17 = arith.constant 0 : i32
    return %c0_i32, %select_n3A : i32, i32
  }
  func.func @transform_60(%arg0: i32, %arg1: memref<64xi32, #tpu.memory_space<smem>>) -> (i32, i32) {
    %get3A = arith.constant 60 : index
    %get3A_0 = memref.load %arg1[%get3A] : memref<64xi32, #tpu.memory_space<smem>>
    %jit3A = arith.constant 128 : i32
    %div3A = arith.divsi %get3A_0, %jit3A : i32
    %sign3A = arith.constant 0 : i32
    %sign3A_1 = arith.cmpi sgt, %get3A_0, %sign3A : i32
    %sign3A_2 = arith.extui %sign3A_1 : i1 to i32
    %sign3A_3 = arith.constant 0 : i32
    %sign3A_4 = arith.cmpi slt, %get3A_0, %sign3A_3 : i32
    %sign3A_5 = arith.extui %sign3A_4 : i1 to i32
    %sign3A_6 = arith.subi %sign3A_2, %sign3A_5 : i32
    %sign3A_7 = arith.constant 0 : i32
    %sign3A_8 = arith.cmpi sgt, %jit3A, %sign3A_7 : i32
    %sign3A_9 = arith.extui %sign3A_8 : i1 to i32
    %sign3A_10 = arith.constant 0 : i32
    %sign3A_11 = arith.cmpi slt, %jit3A, %sign3A_10 : i32
    %sign3A_12 = arith.extui %sign3A_11 : i1 to i32
    %sign3A_13 = arith.subi %sign3A_9, %sign3A_12 : i32
    %ne3A = arith.cmpi ne, %sign3A_6, %sign3A_13 : i32
    %rem3A = arith.remsi %get3A_0, %jit3A : i32
    %ne3A_14 = arith.constant 0 : i32
    %ne3A_15 = arith.cmpi ne, %rem3A, %ne3A_14 : i32
    %and3A = arith.andi %ne3A, %ne3A_15 : i1
    %sub3A = arith.constant 1 : i32
    %sub3A_16 = arith.subi %div3A, %sub3A : i32
    %select_n3A = arith.select %and3A, %sub3A_16, %div3A : i32
    %c0_i32 = arith.constant 0 : i32
    %c0_i32_17 = arith.constant 0 : i32
    return %c0_i32, %select_n3A : i32, i32
  }
  func.func @transform_61(%arg0: i32, %arg1: memref<64xi32, #tpu.memory_space<smem>>) -> (i32, i32) {
    %get3A = arith.constant 61 : index
    %get3A_0 = memref.load %arg1[%get3A] : memref<64xi32, #tpu.memory_space<smem>>
    %jit3A = arith.constant 128 : i32
    %div3A = arith.divsi %get3A_0, %jit3A : i32
    %sign3A = arith.constant 0 : i32
    %sign3A_1 = arith.cmpi sgt, %get3A_0, %sign3A : i32
    %sign3A_2 = arith.extui %sign3A_1 : i1 to i32
    %sign3A_3 = arith.constant 0 : i32
    %sign3A_4 = arith.cmpi slt, %get3A_0, %sign3A_3 : i32
    %sign3A_5 = arith.extui %sign3A_4 : i1 to i32
    %sign3A_6 = arith.subi %sign3A_2, %sign3A_5 : i32
    %sign3A_7 = arith.constant 0 : i32
    %sign3A_8 = arith.cmpi sgt, %jit3A, %sign3A_7 : i32
    %sign3A_9 = arith.extui %sign3A_8 : i1 to i32
    %sign3A_10 = arith.constant 0 : i32
    %sign3A_11 = arith.cmpi slt, %jit3A, %sign3A_10 : i32
    %sign3A_12 = arith.extui %sign3A_11 : i1 to i32
    %sign3A_13 = arith.subi %sign3A_9, %sign3A_12 : i32
    %ne3A = arith.cmpi ne, %sign3A_6, %sign3A_13 : i32
    %rem3A = arith.remsi %get3A_0, %jit3A : i32
    %ne3A_14 = arith.constant 0 : i32
    %ne3A_15 = arith.cmpi ne, %rem3A, %ne3A_14 : i32
    %and3A = arith.andi %ne3A, %ne3A_15 : i1
    %sub3A = arith.constant 1 : i32
    %sub3A_16 = arith.subi %div3A, %sub3A : i32
    %select_n3A = arith.select %and3A, %sub3A_16, %div3A : i32
    %c0_i32 = arith.constant 0 : i32
    %c0_i32_17 = arith.constant 0 : i32
    return %c0_i32, %select_n3A : i32, i32
  }
  func.func @transform_62(%arg0: i32, %arg1: memref<64xi32, #tpu.memory_space<smem>>) -> (i32, i32) {
    %get3A = arith.constant 62 : index
    %get3A_0 = memref.load %arg1[%get3A] : memref<64xi32, #tpu.memory_space<smem>>
    %jit3A = arith.constant 128 : i32
    %div3A = arith.divsi %get3A_0, %jit3A : i32
    %sign3A = arith.constant 0 : i32
    %sign3A_1 = arith.cmpi sgt, %get3A_0, %sign3A : i32
    %sign3A_2 = arith.extui %sign3A_1 : i1 to i32
    %sign3A_3 = arith.constant 0 : i32
    %sign3A_4 = arith.cmpi slt, %get3A_0, %sign3A_3 : i32
    %sign3A_5 = arith.extui %sign3A_4 : i1 to i32
    %sign3A_6 = arith.subi %sign3A_2, %sign3A_5 : i32
    %sign3A_7 = arith.constant 0 : i32
    %sign3A_8 = arith.cmpi sgt, %jit3A, %sign3A_7 : i32
    %sign3A_9 = arith.extui %sign3A_8 : i1 to i32
    %sign3A_10 = arith.constant 0 : i32
    %sign3A_11 = arith.cmpi slt, %jit3A, %sign3A_10 : i32
    %sign3A_12 = arith.extui %sign3A_11 : i1 to i32
    %sign3A_13 = arith.subi %sign3A_9, %sign3A_12 : i32
    %ne3A = arith.cmpi ne, %sign3A_6, %sign3A_13 : i32
    %rem3A = arith.remsi %get3A_0, %jit3A : i32
    %ne3A_14 = arith.constant 0 : i32
    %ne3A_15 = arith.cmpi ne, %rem3A, %ne3A_14 : i32
    %and3A = arith.andi %ne3A, %ne3A_15 : i1
    %sub3A = arith.constant 1 : i32
    %sub3A_16 = arith.subi %div3A, %sub3A : i32
    %select_n3A = arith.select %and3A, %sub3A_16, %div3A : i32
    %c0_i32 = arith.constant 0 : i32
    %c0_i32_17 = arith.constant 0 : i32
    return %c0_i32, %select_n3A : i32, i32
  }
  func.func @transform_63(%arg0: i32, %arg1: memref<64xi32, #tpu.memory_space<smem>>) -> (i32, i32) {
    %get3A = arith.constant 63 : index
    %get3A_0 = memref.load %arg1[%get3A] : memref<64xi32, #tpu.memory_space<smem>>
    %jit3A = arith.constant 128 : i32
    %div3A = arith.divsi %get3A_0, %jit3A : i32
    %sign3A = arith.constant 0 : i32
    %sign3A_1 = arith.cmpi sgt, %get3A_0, %sign3A : i32
    %sign3A_2 = arith.extui %sign3A_1 : i1 to i32
    %sign3A_3 = arith.constant 0 : i32
    %sign3A_4 = arith.cmpi slt, %get3A_0, %sign3A_3 : i32
    %sign3A_5 = arith.extui %sign3A_4 : i1 to i32
    %sign3A_6 = arith.subi %sign3A_2, %sign3A_5 : i32
    %sign3A_7 = arith.constant 0 : i32
    %sign3A_8 = arith.cmpi sgt, %jit3A, %sign3A_7 : i32
    %sign3A_9 = arith.extui %sign3A_8 : i1 to i32
    %sign3A_10 = arith.constant 0 : i32
    %sign3A_11 = arith.cmpi slt, %jit3A, %sign3A_10 : i32
    %sign3A_12 = arith.extui %sign3A_11 : i1 to i32
    %sign3A_13 = arith.subi %sign3A_9, %sign3A_12 : i32
    %ne3A = arith.cmpi ne, %sign3A_6, %sign3A_13 : i32
    %rem3A = arith.remsi %get3A_0, %jit3A : i32
    %ne3A_14 = arith.constant 0 : i32
    %ne3A_15 = arith.cmpi ne, %rem3A, %ne3A_14 : i32
    %and3A = arith.andi %ne3A, %ne3A_15 : i1
    %sub3A = arith.constant 1 : i32
    %sub3A_16 = arith.subi %div3A, %sub3A : i32
    %select_n3A = arith.select %and3A, %sub3A_16, %div3A : i32
    %c0_i32 = arith.constant 0 : i32
    %c0_i32_17 = arith.constant 0 : i32
    return %c0_i32, %select_n3A : i32, i32
  }
  func.func @transform_64(%arg0: i32, %arg1: memref<64xi32, #tpu.memory_space<smem>>) -> (i32, i32) {
    %c0_i32 = arith.constant 0 : i32
    %c0_i32_0 = arith.constant 0 : i32
    %c0_i32_1 = arith.constant 0 : i32
    return %c0_i32, %c0_i32_0 : i32, i32
  }
}

</mosaic_0001>

<sc_bundles>
// kernel: kernel.5.cloned.1.call-start
scs
__scs_entry_jumppad:
0x0: {  	(pc) =	sbr.rel $0x88, $3  }
0x1: {  	(tag) =	ssettag $0x0;
	lr =	simm.s32 $0x1  }
0x2: {  	[smem:$0x3F9D] =	sst lr;
	_ =	strace $0xD0000000  }
0x3: {  	_ = 	snop  }
0x4: {  	_ = 	snop  }
0x5: {  	_ = 	snop  }
0x6: {  	_ = 	snop  }
0x7: {  	_ = 	snop  }
__scs_overlays_trampoline_lowered:
0x8: {  	[smem:$0x3FAC] =	sst s0  }
0x9: {  	[smem:$0x3FAD] =	sst s1  }
0xa: {  	[smem:$0x3FAE] =	sst s2  }
0xb: {  	[smem:$0x3FAF] =	sst s3  }
0xc: {  	[smem:$0x3FB0] =	sst s4  }
0xd: {  	[smem:$0x3FB1] =	sst s5  }
0xe: {  	[smem:$0x3FB2] =	sst s6  }
0xf: {  	[smem:$0x3FB3] =	sst s7  }
0x10: {  	[smem:$0x3FB4] =	sst s8  }
0x11: {  	[smem:$0x3FB5] =	sst s9;
	s0 =	simm.s32 @!p0 $0x0  }
0x12: {  	s1 =	sld [smem:$0x3F9B];
	s0 =	simm.s32 @p0 $0x1  }
0x13: {  	[smem:$0x3FB6] =	sst s0;
	s0 =	simm.s32 @!p1 $0x0  }
0x14: {  	s2 =	sld [smem:$0x3F9A];
	s0 =	simm.s32 @p1 $0x1  }
0x15: {  	[smem:$0x3FB7] =	sst s0;
	s0 =	simm.s32 @!p2 $0x0  }
0x16: {  	s3 =	sld [smem:$0x3FDB];
	s0 =	simm.s32 @p2 $0x1  }
0x17: {  	s4 =	simm.s32 $0x1BF5;
	[smem:$0x3FB9] =	sst s0  }
0x18: {  	s0 =	sld [smem:$0x3F9C];
	_ =	swait.ge [sflag:s4], $0x0  }
0x19: {  	s7 =	sld [smem:$0x3F9D]  }
0x1a: {  	s8 =	sadd.s32 $0xFFFFE003, lr  }
0x1b: {  	s9 =	sadd.s32 $0xFFFFFEF7, lr;
	s5 =	simm.s32 $0xFFFFFFFF;
	p2 =	slt.u32 s8, $0xFFFFF086  }
0x1c: {  	p1 =	slt.u32 s9, $0xF7A;
	s5 =	simm.s32 @!p2 $0x0  }
0x1d: {  	s5 =	simm.s32 @p1 $0x1;
	p0 =	seq.s32 s7, s2  }
0x1e: {  	s7 =	smul.u32 @!p0 $0xF7A, s2;
	p2 =	seq.s32 @!p0 s5, $0x0  }
0x1f: {  	s9 =	smul.u32 $0xF7A, s1;
	s8 =	simm.s32 @!p0 $0x1BF5;
	p2 =	por !p2, p0  }
0x20: {  	[sflag:s8] =	ssyncset.s32 @!p0 $0xFFFFF086;
	s6 =	sadd.s32 @!p0 s3, s7;
	s7 =	simm.s32 @!p0 $0x108  }
0x21: {  	s3 =	sadd.s32 s3, s9;
	s6 =	sadd.s32 @!p0 $0x88, s6;
	s7 =	simm.s32 @p2 $0x1082  }
0x22: {  	[simem:s7], [sflag:s8] =	dma.local @!p0 [hbm:s6], $0xF7A  }
0x23: {  	s9 =	sor.u32 $0xD0000000, s2;
	s6 =	simm.s32 $0x108;
	_ =	swait.ge @!p0 [sflag:s8], $0x0  }
0x24: {  	s3 =	sadd.s32 $0x88, s3;
	s6 =	simm.s32 @!p1 $0x1082;
	[sflag:s4] =	ssyncset.s32 $0xFFFFF086  }
0x25: {  	[simem:s6], [sflag:s4] =	dma.local [hbm:s3], $0xF7A  }
0x26: {  	[smem:$0x3F9D] =	sst s1;
	(tag) =	ssettag s2;
	_ =	strace s9  }
0x27: {  	s1 =	sld [smem:$0x3FAD]  }
0x28: {  	s2 =	sld [smem:$0x3FAE]  }
0x29: {  	s4 =	sld [smem:$0x3FB0]  }
0x2a: {  	p0 =	seq.s32 s5, $0x0;
	s5 =	sld [smem:$0x3FB1]  }
0x2b: {  	s6 =	sld [smem:$0x3FB2]  }
0x2c: {  	s7 =	sld [smem:$0x3FB3]  }
0x2d: {  	s3 =	simm.s32 $0x108;
	s8 =	sld [smem:$0x3FB4]  }
0x2e: {  	s3 =	simm.s32 @!p0 $0x1082;
	s9 =	sld [smem:$0x3FB5]  }
0x2f: {  	lr =	sadd.s32 s0, s3;
	s0 =	sld [smem:$0x3FAC]  }
0x30: {  	s3 =	sld [smem:$0x3FAF]  }
0x31: {  	[smem:$0x3FB8] =	sst s10  }
0x32: {  	s10 =	sld [smem:$0x3FB6];
	_ =	sdelay $0x3  }
0x33: {  	p0 =	seq.s32 s10, $0x1;
	s10 =	sld [smem:$0x3FB8];
	_ =	sdelay $0x3  }
0x34: {  	[smem:$0x3FB8] =	sst s10  }
0x35: {  	s10 =	sld [smem:$0x3FB7];
	_ =	sdelay $0x3  }
0x36: {  	p1 =	seq.s32 s10, $0x1;
	s10 =	sld [smem:$0x3FB8];
	_ =	sdelay $0x3  }
0x37: {  	[smem:$0x3FB8] =	sst s10  }
0x38: {  	s10 =	sld [smem:$0x3FB9]  }
0x39: {  	_ = 	snop;
	(pc) =	sbr.ind lr, $3  }
0x3a: {  	_ = 	snop  }
0x3b: {  	_ = 	snop  }
0x3c: {  	p2 =	seq.s32 s10, $0x1;
	s10 =	sld [smem:$0x3FB8]  }
0x3d: {  	_ =	shalt  }
0x3e: {  	_ =	shalt  }
0x3f: {  	_ =	shalt  }
0x40: {  	_ =	shalt  }
0x41: {  	_ =	shalt  }
0x42: {  	_ =	shalt  }
0x43: {  	_ =	shalt  }
0x44: {  	_ =	shalt  }
0x45: {  	_ =	shalt  }
0x46: {  	_ =	shalt  }
0x47: {  	_ =	shalt  }
0x48: {  	_ =	shalt  }
0x49: {  	_ =	shalt  }
0x4a: {  	_ =	shalt  }
0x4b: {  	_ =	shalt  }
0x4c: {  	_ =	shalt  }
0x4d: {  	_ =	shalt  }
0x4e: {  	_ =	shalt  }
0x4f: {  	_ =	shalt  }
0x50: {  	_ =	shalt  }
0x51: {  	_ =	shalt  }
0x52: {  	_ =	shalt  }
0x53: {  	_ =	shalt  }
0x54: {  	_ =	shalt  }
0x55: {  	_ =	shalt  }
0x56: {  	_ =	shalt  }
0x57: {  	_ =	shalt  }
0x58: {  	_ =	shalt  }
0x59: {  	_ =	shalt  }
0x5a: {  	_ =	shalt  }
0x5b: {  	_ =	shalt  }
0x5c: {  	_ =	shalt  }
0x5d: {  	_ =	shalt  }
0x5e: {  	_ =	shalt  }
0x5f: {  	_ =	shalt  }
0x60: {  	_ =	shalt  }
0x61: {  	_ =	shalt  }
0x62: {  	_ =	shalt  }
0x63: {  	_ =	shalt  }
0x64: {  	_ =	shalt  }
0x65: {  	_ =	shalt  }
0x66: {  	_ =	shalt  }
0x67: {  	_ =	shalt  }
0x68: {  	_ =	shalt  }
0x69: {  	_ =	shalt  }
0x6a: {  	_ =	shalt  }
0x6b: {  	_ =	shalt  }
0x6c: {  	_ =	shalt  }
0x6d: {  	_ =	shalt  }
0x6e: {  	_ =	shalt  }
0x6f: {  	_ =	shalt  }
0x70: {  	_ =	shalt  }
0x71: {  	_ =	shalt  }
0x72: {  	_ =	shalt  }
0x73: {  	_ =	shalt  }
0x74: {  	_ =	shalt  }
0x75: {  	_ =	shalt  }
0x76: {  	_ =	shalt  }
0x77: {  	_ =	shalt  }
0x78: {  	_ =	shalt  }
0x79: {  	_ =	shalt  }
0x7a: {  	_ =	shalt  }
0x7b: {  	_ =	shalt  }
0x7c: {  	_ =	shalt  }
0x7d: {  	_ =	shalt  }
0x7e: {  	_ =	shalt  }
0x7f: {  	_ =	shalt  }
0x80: {  	_ =	shalt  }
0x81: {  	_ =	shalt  }
0x82: {  	_ =	shalt  }
0x83: {  	_ =	shalt  }
0x84: {  	_ =	shalt  }
0x85: {  	_ =	shalt  }
0x86: {  	_ =	shalt  }
0x87: {  	_ =	shalt  }
.Lfunc_end0:
.L_simem_size_0:
called_computation_lowered:
.L_overlay_start_0:
0x88: {  	s2 =	sld [smem:$0x3FD9]  }
0x89: {  	s3 =	sld [smem:$0x3FFE];
	_ =	sdelay $0x1  }
0x8a: {  	s1 =	srdreg.scid  }
0x8b: {  	s0 =	sand.u32 $0x1, s1  }
0x8c: {  	s17 =	sshll.u32 s0, $0xA;
	s2 =	sadd.s32 s3, s2  }
0x8d: {  	s2 =	sadd.s32 s2, s17  }
0x8e: {  	[smem:$0x3FC4] =	sst s2  }
0x8f: {  	_ = 	snop  }
0x90: {  	s2 =	sld [smem:$0x3FC9];
	(tm) =	ssettm $0x1  }
0x91: {  	s18 =	sld [smem:$0x3FFB];
	_ =	sdelay $0x3  }
0x92: {  	_ =	strace s18  }
0x93: {  	s3 =	sld [smem:$0x3FFC];
	_ =	sdelay $0x3  }
0x94: {  	_ =	strace s3  }
0x95: {  	s3 =	sld [smem:$0x3FFD];
	_ =	sdelay $0x3  }
0x96: {  	_ =	strace s3  }
0x97: {  	_ =	strace $0x8FFFFFFF  }
0x98: {  	s19 =	sld [smem:$0x3FDB];
	_ =	sdelay $0x1  }
0x99: {  	s4 =	simm.s32 $_scs_section_size  }
0x9a: {  	s5 =	simm.s32 $_size__tile_overlayer_lowered;
	s6 =	simm.s32 $_tile_overlayer_lowered  }
0x9b: {  	s22 =	simm.s32 $0x1BFF;
	s21 =	sshll.u32 s6, $0x1;
	s3 =	sadd.s32 s4, s19  }
0x9c: {  	s7 =	simm.s32 $0x0;
	s20 =	sshll.u32 s5, $0x1;
	s5 =	sadd.s32 s21, s3  }
0x9d: {  	[timem:s7], [sflag:s22] =	dma.local [hbm:s5], s20  }
0x9e: {  	_ =	swait.ge [sflag:s22], s20  }
0x9f: {  	s4 =	ssub.s32 $0x0, s20;
	[sflag:s22] =	ssyncset.done $0x0  }
0xa0: {  	[sflag:s22] =	ssyncadd.s32 s4;
	_ =	sdelay $0x1  }
0xa1: {  	s23 =	simm.s32 $0x1B8B  }
0xa2: {  	_ =	swait.ge [sflag:s23], $0x1  }
0xa3: {  	[sflag:s23] =	ssyncset.done $0x0  }
0xa4: {  	s25 =	simm.s32 $0x1B8E;
	s24 =	sld [smem:$0x3FFE];
	[sflag:s23] =	ssyncadd.s32 $0xFFFFFFFF  }
0xa5: {  	s26 =	simm.s32 $execute0_lowered;
	[smem:$0x3FD2] =	sst s25  }
0xa6: {  	s5 =	sshll.u32 s26, $0x1;
	_ =	strace $0x80000046;
	[dreg:$0x1] =	wrdreg $0xFFFFFFFF  }
0xa7: {  	s28 =	simm.s32 $_size_execute0_lowered;
	s3 =	sadd.s32 s3, s5;
	[dreg:$0x0] =	wrdreg $0x0  }
0xa8: {  	s5 =	sshll.u32 s28, $0x1;
	[dreg:$0x2] =	wrdreg s3  }
0xa9: {  	[dreg:$0x3] =	wrdreg s5  }
0xaa: {  	[dreg:$0x4] =	wrdreg $0xC0  }
0xab: {  	_ =	task [dreg:s7], $0x5FFFF  }
0xac: {  	[dreg:$0x1] =	wrdreg $0xFFFFFFFF  }
0xad: {  	[dreg:$0x0] =	wrdreg $0x60  }
0xae: {  	[dreg:$0x2] =	wrdreg s2  }
0xaf: {  	[dreg:$0x3] =	wrdreg s24  }
0xb0: {  	[dreg:$0x4] =	wrdreg $0x9  }
0xb1: {  	_ =	task.clear_ibuf [dreg:s7], $0x5FFFF;
	_ =	strace $0x90000046  }
0xb2: {  	s29 =	simm.s32 $0x9;
	_ =	strace $0x80000048  }
0xb3: {  	_ =	swait.ge [sflag:s29], $0x1  }
0xb4: {  	[sflag:s29] =	ssyncadd.s32 $0xFFFFFFFF  }
0xb5: {  	_ =	strace $0x90000048  }
0xb6: {  	_ =	sfence  }
0xb7: {  	s30 =	sld [smem:$0x0];
	_ =	sdelay $0x2  }
0xb8: {  	s31 =	sshll.u32 s1, $0xD;
	s1 =	sshrl.u32 s1, $0x2  }
0xb9: {  	s3 =	sand.u32 $0x4000, s31;
	s1 =	sadd.s32 s1, s30  }
0xba: {  	s0 =	sor.u32 s3, s0;
	s1 =	sshll.u32 s1, $0x11  }
0xbb: {  	s0 =	sor.u32 s1, s0  }
0xbc: {  	s0 =	sadd.s32 $0x8F2B, s0  }
0xbd: {  	[sflag:s0] =	ssyncadd.remote.s32 $0x1  }
0xbe: {  	_ =	sfence.sel $0xFFFF  }
0xbf: {  	[dreg:$0x0] =	wrdreg $0xFFFFFFFF;
	(pc) =	sbr.abs _section_cstart, $3  }
0xc0: {  	[dreg:$0x1] =	wrdreg $0xFFFFFFFF  }
0xc1: {  	_ =	task.clear_ibuf [dreg:s7], $0x2FFFF;
	_ =	strace $0x9FFFFFFF  }
0xc2: {  	(tm) =	ssettm $0x7FFFFFFF  }
0xc3: {  	_ =	shalt  }
tec
execute0_lowered:
.L_overlay_start_1:
0x0: {  	(tag) =	ssettag $0x1  }
0x1: {  	s1 =	srdreg.scid  }
0x2: {  	s3 =	rddreg [dreg:$0x0];
	s0 =	stileid.u32  }
0x3: {  	s8 =	rddreg [dreg:$0x1];
	s2 =	simm.s32 $0x0;
	s6 =	sand.u32 $0x1, s1  }
0x4: {  	s4 =	sshll.u32 s0, $0xA;
	s1 =	rddreg [dreg:$0x2];
	s5 =	sshll.u32 s6, $0x9  }
0x5: {  	s7 =	simm.s32 $0x1;
	[smem:$0x7FF] =	sst s2;
	s9 =	sor.u32 s5, s4  }
0x6: {  	_ =	strace $0x80000047;
	s10 =	ssub.s32 $0x2, s6;
	s4 =	sshrl.u32 s9, $0x3  }
0x7: {  	s6 =	simm.s32 $0x200;
	s4 =	sadd.s32 s3, s4;
	s3 =	simm.s32 $0x2  }
0x8: {  	[tilespmem:s2], [sflag:$0x2] =	stream.linear.gather [hbm4b:s4+s2], $0x200, $0x38;
	[tilespmem:$0x10200] =	vst v63  }
0x9: {  	s5 =	sadd.s32 $0x600, s8;
	s11 =	sshrl.u32 s10, $0x1;
	_ =	swait.ge [sflag:s3], $0x200  }
0xa: {  	s9 =	sshll.u32 s9, $0x4;
	s31 =	ssub.s32 s10, s11;
	[sflag:s3] =	ssyncset.done $0x0  }
0xb: {  	s8 =	sadd.s32 s9, s8;
	s9 =	smax.u32 s31, $0x1;
	[sflag:s3] =	ssyncadd.s32 $0xFFFFFE00  }
0xc: {  	[tilespmem:s6], [sflag:$0x1] =	stream.indirect.gather [hbm4b:s5+s6], $0x80, s2, s6, $0xb8;
	[tilespmem:$0x10200] =	vst v63  }
0xd: {  	p0 =	sne.s32 s9, $0x1;
	_ =	swait.ge [sflag:s7], $0x10000  }
.Ltmp0:
0xe: {  	[sflag:s7] =	ssyncset.done $0x0;
	(pc) =	sbr.rel @!p0 .LBB2_2-.Ltmp0, $4  }
0xf: {  	s8 =	sadd.s32 $0x187000, s8;
	[sflag:s7] =	ssyncadd.s32 $0xFFFF0000  }
0x10: {  	[hbm4b:s8+s2] =	stream.linear.scatter [tilespmem:s6], [sflag:$0x2], $0x10000, $0x38;
	[tilespmem:$0x10200] =	vst v63  }
0x11: {  	_ =	swait.ge [sflag:s3], $0x10000  }
0x12: {  	s9 =	sadd.s32 $0xFFFFFFFF, s9;
	[sflag:s3] =	ssyncset.done $0x0  }
.LBB2_1:
0x13: {  	p0 =	sne.s32 s9, $0x1;
	s9 =	sadd.s32 $0xFFFFFFFF, s9;
	[sflag:s3] =	ssyncadd.s32 $0xFFFF0000  }
0x14: {  	[tilespmem:s2], [sflag:$0x2] =	stream.linear.gather [hbm4b:s4+s2], $0x200, $0x38;
	[tilespmem:$0x10200] =	vst v63  }
0x15: {  	_ =	swait.ge [sflag:s3], $0x200  }
0x16: {  	[sflag:s3] =	ssyncset.done $0x0  }
0x17: {  	[sflag:s3] =	ssyncadd.s32 $0xFFFFFE00  }
0x18: {  	[tilespmem:s6], [sflag:$0x1] =	stream.indirect.gather [hbm4b:s5+s6], $0x80, s2, s6, $0xb8;
	[tilespmem:$0x10200] =	vst v63  }
0x19: {  	_ =	swait.ge [sflag:s7], $0x10000  }
.Ltmp1:
0x1a: {  	[sflag:s7] =	ssyncset.done $0x0;
	(pc) =	sbr.rel @p0 .LBB2_1-.Ltmp1, $4  }
0x1b: {  	[sflag:s7] =	ssyncadd.s32 $0xFFFF0000  }
0x1c: {  	[hbm4b:s8+s2] =	stream.linear.scatter [tilespmem:s6], [sflag:$0x2], $0x10000, $0x38;
	[tilespmem:$0x10200] =	vst v63  }
0x1d: {  	_ =	swait.ge [sflag:s3], $0x10000  }
0x1e: {  	[sflag:s3] =	ssyncset.done $0x0  }
.LBB2_2:
0x1f: {  	[sflag:s3] =	ssyncadd.s32 $0xFFFF0000  }
0x20: {  	_ =	sfence.sel $0x180000  }
0x21: {  	[bflag:$0x0] =	sbarrier.arrive $0xFFFF  }
0x22: {  	p0 =	sne.s32 s0, $0x0;
	_ =	strace $0x90000047  }
0x23: {  	s0 =	sadd.s32 @!p0 $0x100000, s1;
	[bflag:$0x2] =	sbarrier.arrive $0xFFFF  }
0x24: {  	[sflag:s0] =	ssyncadd.tile.s32 @!p0 $0x1;
	_ =	shalt  }
.Lfunc_end2:
_tile_overlayer_lowered:
.L_overlay_start_2:
0x25: {  	(tag) =	ssettag $0x2  }
0x26: {  	s0 =	rddreg [dreg:$0x0];
	s2 =	stileid.u32  }
0x27: {  	s1 =	rddreg [dreg:$0x1];
	p0 =	sne.s32 s2, $0x0  }
0x28: {  	s3 =	rddreg [dreg:$0x2];
	[bflag:$0x3] =	sbarrier.arrive $0xFFFF;
	s2 =	simm.s32 @!p0 $0x1C02  }
0x29: {  	[timem:s3], [sflag:s2] =	dma.local @!p0 [hbm:s0], s1  }
0x2a: {  	s0 =	simm.s32 @!p0 $0x2  }
0x2b: {  	_ =	swait.ge @!p0 [sflag:s0], s1  }
0x2c: {  	s1 =	ssub.s32 @!p0 $0x0, s1;
	[sflag:s0] =	ssyncset.done @!p0 $0x0  }
0x2d: {  	[sflag:s0] =	ssyncadd.s32 @!p0 s1  }
0x2e: {  	[bflag:$0x3] =	sbarrier.arrive $0xFFFF  }
0x2f: {  	_ =	shalt  }

</sc_bundles>
